<compile_context>
chip_gen: v7x
topology: tpu7x:2x2x1
jax: 0.10.2.dev20260603
libtpu: 0.0.44.dev20260713+nightly
codegen_flags: <defaults>
</compile_context>

<pallas_src>
import functools

import jax
import jax.numpy as jnp
from jax import lax
from jax.experimental import pallas as pl
from jax.experimental.pallas import tpu as pltpu
from jax.experimental.pallas import tpu_sc as plsc

F = 26
TOK = 64
EMB = 64
HID = 128
B = 16384

NC = 2
NS = 16
NW = NC * NS
ROWS = F * B
RPW = ROWS // NW
CH = 128
NSTEP = RPW // CH


PW = 128


def _mlp_fold_body(t_ref, w1_ref, b1_ref, w2_ref, b2_ref, p_ref):
    t = t_ref[0]
    h = jnp.dot(t, w1_ref[0], preferred_element_type=jnp.float32) + b1_ref[0]
    h = jnp.maximum(h, 0.0)
    o = jnp.dot(h, w2_ref[0], preferred_element_type=jnp.float32) + b2_ref[0]
    p_ref[0] = jnp.concatenate(
        [o, jnp.zeros((TOK, PW - EMB), jnp.float32)], axis=1)


def _fold_tables(tables64, W1, b1, W2, b2):
    return pl.pallas_call(
        _mlp_fold_body,
        grid=(F,),
        in_specs=[
            pl.BlockSpec((1, TOK, EMB), lambda i: (i, 0, 0)),
            pl.BlockSpec((1, EMB, HID), lambda i: (i, 0, 0)),
            pl.BlockSpec((1, 1, HID), lambda i: (i, 0, 0)),
            pl.BlockSpec((1, HID, EMB), lambda i: (i, 0, 0)),
            pl.BlockSpec((1, 1, EMB), lambda i: (i, 0, 0)),
        ],
        out_specs=pl.BlockSpec((1, TOK, PW), lambda i: (i, 0, 0)),
        out_shape=jax.ShapeDtypeStruct((F, TOK, PW), jnp.float32),
    )(tables64, W1, b1.reshape(F, 1, HID), W2, b2.reshape(F, 1, EMB))


def _gidx_body(in_ref, g_ref):
    x = in_ref[...]
    xt = x.T
    safe = jnp.where((xt >= 0) & (xt < TOK), xt, 0)
    off = lax.broadcasted_iota(jnp.int32, (F, B), 0) * TOK
    g_ref[...] = safe + off


def _gather_indices(inputs):
    return pl.pallas_call(
        _gidx_body,
        out_shape=jax.ShapeDtypeStruct((F, B), jnp.int32),
    )(inputs)


NG = 4
NE = 2
LOOK = 2
GROUPS = NSTEP // NG


def _sc_gather_body(p_hbm, gidx_hbm, out_hbm, idx_v, *bufs_and_sems):
    rows_bufs = bufs_and_sems[:NG]
    ext_bufs = bufs_and_sems[NG:NG + NE]
    gsems = bufs_and_sems[NG + NE:2 * NG + NE]
    ssems = bufs_and_sems[2 * NG + NE:]
    wid = lax.axis_index("s") * NC + lax.axis_index("c")
    base = wid * RPW
    pltpu.sync_copy(gidx_hbm.at[pl.ds(wid * NSTEP, NSTEP)], idx_v)

    def issue_gather(s, bs):
        pltpu.async_copy(p_hbm.at[idx_v.at[s]], rows_bufs[bs], gsems[bs])

    def wait_gather(b):
        pltpu.make_async_copy(
            p_hbm.at[pl.ds(0, CH)], rows_bufs[b], gsems[b]).wait()

    def wait_scatter(e):
        pltpu.make_async_copy(
            ext_bufs[e], out_hbm.at[pl.ds(0, CH)], ssems[e]).wait()

    for s in range(LOOK):
        issue_gather(s, s % NG)

    @pl.loop(0, GROUPS)
    def _(g):
        for b in range(NG):
            j = g * NG + b
            s = j + LOOK
            bs = (b + LOOK) % NG

            @pl.when(s < NSTEP)
            def _():
                issue_gather(s, bs)

            wait_gather(b)
            rref = rows_bufs[b]
            e = b % NE
            eref = ext_bufs[e]

            @pl.when(j >= NE)
            def _():
                wait_scatter(e)

            @pl.loop(0, CH, unroll=8)
            def _(r):
                for c in range(EMB // 16):
                    eref[r, pl.ds(c * 16, 16)] = rref[r, pl.ds(c * 16, 16)]

            pltpu.async_copy(
                eref, out_hbm.at[pl.ds(base + j * CH, CH)], ssems[e])

    for e in range(NE):
        wait_scatter(e)


def _sc_gather(p_flat, gidx2):
    mesh = plsc.VectorSubcoreMesh(core_axis_name="c", subcore_axis_name="s")
    run = functools.partial(
        pl.kernel,
        out_type=jax.ShapeDtypeStruct((ROWS, EMB), jnp.float32),
        mesh=mesh,
        scratch_types=[
            pltpu.VMEM((NSTEP, CH), jnp.int32),
        ] + [pltpu.VMEM((CH, PW), jnp.float32)] * NG
          + [pltpu.VMEM((CH, EMB), jnp.float32)] * NE
          + [pltpu.SemaphoreType.DMA] * (NG + NE),
        compiler_params=pltpu.CompilerParams(use_tc_tiling_on_sc=True),
    )(_sc_gather_body)
    return run(p_flat, gidx2)


def kernel(inputs, tables, W1, b1, W2, b2):
    tables64 = lax.slice(tables, (0, 0, 0), (F, TOK, EMB))
    p = _fold_tables(tables64, W1, b1, W2, b2)
    gidx = _gather_indices(inputs)
    out = _sc_gather(
        p.reshape(F * TOK, PW),
        gidx.reshape(ROWS // CH, CH),
    )
    return out.reshape(F, B, EMB)

# --- scband reference (transcript-rebuilt; emitter-appended) ---
"""Pipeline reference for scband-sparse-arch-29798483100148 (READ-ONLY COPY).

The authoritative reference and input builder live on the scoring server;
editing this copy changes nothing except your own understanding.
"""

import jax, jax.numpy as jnp
import numpy as np

NUM_FEATURES = 26
TOK_LEN = 64
CARD = 10000
EMB = 64
HID = 128
OUT = 64
BATCH = 16384

def setup_inputs(seed: int = 0):
    key = jax.random.key(seed)
    ks = jax.random.split(key, 5)
    inputs = jax.random.randint(ks[0], (BATCH, NUM_FEATURES), 0, TOK_LEN, dtype=jnp.int32)
    tables = jax.random.normal(ks[1], (NUM_FEATURES, CARD, EMB), dtype=jnp.float32) * 0.02
    W1 = jax.random.normal(ks[2], (NUM_FEATURES, EMB, HID), dtype=jnp.float32) * (1.0 / np.sqrt(EMB))
    b1 = jnp.zeros((NUM_FEATURES, HID), dtype=jnp.float32)
    W2 = jax.random.normal(ks[3], (NUM_FEATURES, HID, OUT), dtype=jnp.float32) * (1.0 / np.sqrt(HID))
    b2 = jnp.zeros((NUM_FEATURES, OUT), dtype=jnp.float32)
    return {"inputs": inputs, "tables": tables, "W1": W1, "b1": b1, "W2": W2, "b2": b2}

def reference(inputs, tables, W1, b1, W2, b2):
    # tokenizer_values is the identity mapping range(TOK_LEN) for every feature
    tok = jnp.arange(TOK_LEN, dtype=inputs.dtype).reshape(1, -1)
    outs = []
    for i in range(NUM_FEATURES):
        t = inputs[:, i].reshape(-1, 1)
        matches = (t == tok).astype(jnp.int32)
        idx = jnp.argmax(matches, axis=1)  # faithful get_indices: argmax over equality matches
        emb = jnp.take(tables[i], idx, axis=0)  # embedding lookup (gather)
        h = jnp.maximum(jnp.dot(emb, W1[i]) + b1[i], 0.0)  # MLP fc1 + ReLU
        outs.append(jnp.dot(h, W2[i]) + b2[i])  # MLP fc2
    # original returns a Python list of per-feature outputs; we stack into [F, B, OUT]
    return jnp.stack(outs, axis=0)

if __name__ == "__main__":
    import jax
    _d = setup_inputs()
    print(jax.jit(kernel)(*tuple(_d.values())))

</pallas_src>

<mosaic_0001>
#map = affine_map<(d0, d1) -> (0, 0)>
module attributes {stable_mosaic.version = 14 : i64} {
  func.func @_sc_gather_body(%arg0: i32, %arg1: i32, %arg2: memref<1664x128xf32, #tpu.memory_space<hbm>>, %arg3: memref<3328x128xi32, #tpu.memory_space<hbm>>, %arg4: memref<425984x64xf32, #tpu.memory_space<hbm>>, %arg5: memref<104x128xi32, #tpu.memory_space<vmem>>, %arg6: memref<128x128xf32, #tpu.memory_space<vmem>>, %arg7: memref<128x128xf32, #tpu.memory_space<vmem>>, %arg8: memref<128x128xf32, #tpu.memory_space<vmem>>, %arg9: memref<128x128xf32, #tpu.memory_space<vmem>>, %arg10: memref<128x64xf32, #tpu.memory_space<vmem>>, %arg11: memref<128x64xf32, #tpu.memory_space<vmem>>, %arg12: memref<!tpu.dma_semaphore, #tpu.memory_space<semaphore_mem>>, %arg13: memref<!tpu.dma_semaphore, #tpu.memory_space<semaphore_mem>>, %arg14: memref<!tpu.dma_semaphore, #tpu.memory_space<semaphore_mem>>, %arg15: memref<!tpu.dma_semaphore, #tpu.memory_space<semaphore_mem>>, %arg16: memref<!tpu.dma_semaphore, #tpu.memory_space<semaphore_mem>>, %arg17: memref<!tpu.dma_semaphore, #tpu.memory_space<semaphore_mem>>) attributes {dimension_semantics = [#tpu.dimension_semantics<core_parallel>, #tpu.dimension_semantics<subcore_parallel>], iteration_bounds = array<i64: 2, 16>, scalar_prefetch = 0 : i64, scratch_operands = 13 : i64, tpu.core_type = #tpu.core_type<sc_vector_subcore>, window_params = [{transform_indices = #map}, {transform_indices = #map}, {transform_indices = #map}]} {
    %mul3A = arith.constant 2 : i32
    %mul3A_0 = arith.muli %arg1, %mul3A : i32
    %add3A = arith.addi %mul3A_0, %arg0 : i32
    %mul3A_1 = arith.constant 13312 : i32
    %mul3A_2 = arith.muli %add3A, %mul3A_1 : i32
    %mul3A_3 = arith.constant 104 : i32
    %mul3A_4 = arith.muli %add3A, %mul3A_3 : i32
    "tpu.region"() ({
      %run_scoped3A = tpu.sem_alloc : memref<!tpu.dma_semaphore, #tpu.memory_space<semaphore_mem>>
      %dma_start3A_33 = arith.constant 0 : i32
      %dma_start3A_34 = tpu.memref_slice %arg3[%mul3A_4, %dma_start3A_33] : memref<3328x128xi32, #tpu.memory_space<hbm>> -> memref<104x128xi32, #tpu.memory_space<hbm>>
      %dma_start3A_35 = arith.constant 0 : i32
      %dma_start3A_36 = tpu.memref_slice %arg3[%mul3A_4, %dma_start3A_35] : memref<3328x128xi32, #tpu.memory_space<hbm>> -> memref<104x128xi32, #tpu.memory_space<hbm>>
      tpu.enqueue_dma source(%dma_start3A_36 : memref<104x128xi32, #tpu.memory_space<hbm>>) target(%arg5 : memref<104x128xi32, #tpu.memory_space<vmem>>) target_semaphore(%run_scoped3A : memref<!tpu.dma_semaphore, #tpu.memory_space<semaphore_mem>>)
      %dma_wait3A_37 = arith.constant 0 : i32
      %dma_wait3A_38 = tpu.memref_slice %arg3[%mul3A_4, %dma_wait3A_37] : memref<3328x128xi32, #tpu.memory_space<hbm>> -> memref<104x128xi32, #tpu.memory_space<hbm>>
      %dma_wait3A_39 = arith.constant 0 : i32
      %dma_wait3A_40 = tpu.memref_slice %arg3[%mul3A_4, %dma_wait3A_39] : memref<3328x128xi32, #tpu.memory_space<hbm>> -> memref<104x128xi32, #tpu.memory_space<hbm>>
      tpu.wait_dma2 semaphore(%run_scoped3A : memref<!tpu.dma_semaphore, #tpu.memory_space<semaphore_mem>>) src(%dma_wait3A_40 : memref<104x128xi32, #tpu.memory_space<hbm>>) dst(%arg5 : memref<104x128xi32, #tpu.memory_space<vmem>>)
      tpu.yield
    }) : () -> ()
    %dma_start3A = arith.constant 0 : i32
    %dma_start3A_5 = arith.constant 0 : i32
    %dma_start3A_6 = tpu.memref_slice %arg5[%dma_start3A, %dma_start3A_5] : memref<104x128xi32, #tpu.memory_space<vmem>> -> memref<1x128xi32, #tpu.memory_space<vmem>>
    %dma_start3A_7 = tpu.memref_squeeze %dma_start3A_6 : memref<1x128xi32, #tpu.memory_space<vmem>> -> memref<128xi32, #tpu.memory_space<vmem>>
    %dma_start3A_8 = arith.constant 0 : i32
    %dma_start3A_9 = arith.constant 0 : i32
    %dma_start3A_10 = tpu.memref_slice %arg2[%dma_start3A_8, %dma_start3A_9] : memref<1664x128xf32, #tpu.memory_space<hbm>> -> memref<1664x128xf32, #tpu.memory_space<hbm>>
    tpu.enqueue_indirect_dma source(%dma_start3A_10 : memref<1664x128xf32, #tpu.memory_space<hbm>>) target(%arg6 : memref<128x128xf32, #tpu.memory_space<vmem>>) offsets(%dma_start3A_7 : memref<128xi32, #tpu.memory_space<vmem>>) semaphore(%arg12 : memref<!tpu.dma_semaphore, #tpu.memory_space<semaphore_mem>>)
    %dma_start3A_11 = arith.constant 1 : i32
    %dma_start3A_12 = arith.constant 0 : i32
    %dma_start3A_13 = tpu.memref_slice %arg5[%dma_start3A_11, %dma_start3A_12] : memref<104x128xi32, #tpu.memory_space<vmem>> -> memref<1x128xi32, #tpu.memory_space<vmem>>
    %dma_start3A_14 = tpu.memref_squeeze %dma_start3A_13 : memref<1x128xi32, #tpu.memory_space<vmem>> -> memref<128xi32, #tpu.memory_space<vmem>>
    %dma_start3A_15 = arith.constant 0 : i32
    %dma_start3A_16 = arith.constant 0 : i32
    %dma_start3A_17 = tpu.memref_slice %arg2[%dma_start3A_15, %dma_start3A_16] : memref<1664x128xf32, #tpu.memory_space<hbm>> -> memref<1664x128xf32, #tpu.memory_space<hbm>>
    tpu.enqueue_indirect_dma source(%dma_start3A_17 : memref<1664x128xf32, #tpu.memory_space<hbm>>) target(%arg7 : memref<128x128xf32, #tpu.memory_space<vmem>>) offsets(%dma_start3A_14 : memref<128xi32, #tpu.memory_space<vmem>>) semaphore(%arg13 : memref<!tpu.dma_semaphore, #tpu.memory_space<semaphore_mem>>)
    %scan3A = arith.constant 0 : i32
    %scan3A_18 = arith.constant 26 : i32
    %scan3A_19 = arith.addi %scan3A, %scan3A_18 : i32
    %scan3A_20 = arith.constant 1 : i32
    scf.for %scan3A_33 = %scan3A to %scan3A_19 step %scan3A_20  : i32 {
      %mul3A_34 = arith.constant 1 : i32
      %mul3A_35 = arith.muli %scan3A_33, %mul3A_34 : i32
      %add3A_36 = arith.constant 0 : i32
      %add3A_37 = arith.addi %add3A_36, %mul3A_35 : i32
      %mul3A_38 = arith.constant 4 : i32
      %mul3A_39 = arith.muli %add3A_37, %mul3A_38 : i32
      %add3A_40 = arith.constant 0 : i32
      %add3A_41 = arith.addi %mul3A_39, %add3A_40 : i32
      %add3A_42 = arith.constant 2 : i32
      %add3A_43 = arith.addi %add3A_41, %add3A_42 : i32
      %lt3A = arith.constant 104 : i32
      %lt3A_44 = arith.cmpi slt, %add3A_43, %lt3A : i32
      %convert_element_type3A = arith.extui %lt3A_44 : i1 to i32
      %cond3A = arith.constant 0 : i32
      %cond3A_45 = arith.cmpi ne, %convert_element_type3A, %cond3A : i32
      scf.if %cond3A_45 {
        %dma_start3A_170 = arith.constant 0 : i32
        %dma_start3A_171 = tpu.memref_slice %arg5[%add3A_43, %dma_start3A_170] : memref<104x128xi32, #tpu.memory_space<vmem>> -> memref<1x128xi32, #tpu.memory_space<vmem>>
        %dma_start3A_172 = tpu.memref_squeeze %dma_start3A_171 : memref<1x128xi32, #tpu.memory_space<vmem>> -> memref<128xi32, #tpu.memory_space<vmem>>
        %dma_start3A_173 = arith.constant 0 : i32
        %dma_start3A_174 = arith.constant 0 : i32
        %dma_start3A_175 = tpu.memref_slice %arg2[%dma_start3A_173, %dma_start3A_174] : memref<1664x128xf32, #tpu.memory_space<hbm>> -> memref<1664x128xf32, #tpu.memory_space<hbm>>
        tpu.enqueue_indirect_dma source(%dma_start3A_175 : memref<1664x128xf32, #tpu.memory_space<hbm>>) target(%arg8 : memref<128x128xf32, #tpu.memory_space<vmem>>) offsets(%dma_start3A_172 : memref<128xi32, #tpu.memory_space<vmem>>) semaphore(%arg14 : memref<!tpu.dma_semaphore, #tpu.memory_space<semaphore_mem>>)
      } else {
      }
      %dma_wait3A_46 = arith.constant 0 : i32
      %dma_wait3A_47 = arith.constant 0 : i32
      %dma_wait3A_48 = tpu.memref_slice %arg2[%dma_wait3A_46, %dma_wait3A_47] : memref<1664x128xf32, #tpu.memory_space<hbm>> -> memref<128x128xf32, #tpu.memory_space<hbm>>
      %dma_wait3A_49 = arith.constant 0 : i32
      %dma_wait3A_50 = arith.constant 0 : i32
      %dma_wait3A_51 = tpu.memref_slice %arg2[%dma_wait3A_49, %dma_wait3A_50] : memref<1664x128xf32, #tpu.memory_space<hbm>> -> memref<128x128xf32, #tpu.memory_space<hbm>>
      tpu.wait_dma2 semaphore(%arg12 : memref<!tpu.dma_semaphore, #tpu.memory_space<semaphore_mem>>) src(%dma_wait3A_51 : memref<128x128xf32, #tpu.memory_space<hbm>>) dst(%arg6 : memref<128x128xf32, #tpu.memory_space<vmem>>)
      %ge3A = arith.constant 2 : i32
      %ge3A_52 = arith.cmpi sge, %add3A_41, %ge3A : i32
      %convert_element_type3A_53 = arith.extui %ge3A_52 : i1 to i32
      %cond3A_54 = arith.constant 0 : i32
      %cond3A_55 = arith.cmpi ne, %convert_element_type3A_53, %cond3A_54 : i32
      scf.if %cond3A_55 {
        %dma_wait3A_170 = arith.constant 0 : i32
        %dma_wait3A_171 = arith.constant 0 : i32
        %dma_wait3A_172 = tpu.memref_slice %arg4[%dma_wait3A_170, %dma_wait3A_171] : memref<425984x64xf32, #tpu.memory_space<hbm>> -> memref<128x64xf32, #tpu.memory_space<hbm>>
        %dma_wait3A_173 = arith.constant 0 : i32
        %dma_wait3A_174 = arith.constant 0 : i32
        %dma_wait3A_175 = tpu.memref_slice %arg4[%dma_wait3A_173, %dma_wait3A_174] : memref<425984x64xf32, #tpu.memory_space<hbm>> -> memref<128x64xf32, #tpu.memory_space<hbm>>
        tpu.wait_dma2 semaphore(%arg16 : memref<!tpu.dma_semaphore, #tpu.memory_space<semaphore_mem>>) src(%arg10 : memref<128x64xf32, #tpu.memory_space<vmem>>) dst(%dma_wait3A_175 : memref<128x64xf32, #tpu.memory_space<hbm>>)
      } else {
      }
      %scan3A_56 = arith.constant 0 : i32
      %scan3A_57 = arith.constant 128 : i32
      %scan3A_58 = arith.addi %scan3A_56, %scan3A_57 : i32
      %scan3A_59 = arith.constant 8 : i32
      scf.for %scan3A_170 = %scan3A_56 to %scan3A_58 step %scan3A_59  : i32 {
        %mul3A_171 = arith.constant 1 : i32
        %mul3A_172 = arith.muli %scan3A_170, %mul3A_171 : i32
        %add3A_173 = arith.constant 0 : i32
        %add3A_174 = arith.addi %add3A_173, %mul3A_172 : i32
        %get3A = arith.index_cast %add3A_174 : i32 to index
        %get3A_175 = arith.constant 0 : index
        %get3A_176 = tpu.vector_load %arg6[%get3A, %get3A_175] {strides = array<i32>} : memref<128x128xf32, #tpu.memory_space<vmem>>, vector<1x16xf32>,
        %get3A_177 = vector.shape_cast %get3A_176 : vector<1x16xf32> to vector<16xf32>
        %swap3A = arith.index_cast %add3A_174 : i32 to index
        %swap3A_178 = arith.constant 0 : index
        %swap3A_179 = tpu.vector_load %arg10[%swap3A, %swap3A_178] {strides = array<i32>} : memref<128x64xf32, #tpu.memory_space<vmem>>, vector<1x16xf32>,
        %swap3A_180 = vector.shape_cast %swap3A_179 : vector<1x16xf32> to vector<16xf32>
        %swap3A_181 = vector.shape_cast %get3A_177 : vector<16xf32> to vector<1x16xf32>
        tpu.vector_store %arg10[%swap3A, %swap3A_178], %swap3A_181 {strides = array<i32>} : memref<128x64xf32, #tpu.memory_space<vmem>>, vector<1x16xf32>,
        %get3A_182 = arith.index_cast %add3A_174 : i32 to index
        %get3A_183 = arith.constant 16 : index
        %get3A_184 = tpu.vector_load %arg6[%get3A_182, %get3A_183] {strides = array<i32>} : memref<128x128xf32, #tpu.memory_space<vmem>>, vector<1x16xf32>,
        %get3A_185 = vector.shape_cast %get3A_184 : vector<1x16xf32> to vector<16xf32>
        %swap3A_186 = arith.index_cast %add3A_174 : i32 to index
        %swap3A_187 = arith.constant 16 : index
        %swap3A_188 = tpu.vector_load %arg10[%swap3A_186, %swap3A_187] {strides = array<i32>} : memref<128x64xf32, #tpu.memory_space<vmem>>, vector<1x16xf32>,
        %swap3A_189 = vector.shape_cast %swap3A_188 : vector<1x16xf32> to vector<16xf32>
        %swap3A_190 = vector.shape_cast %get3A_185 : vector<16xf32> to vector<1x16xf32>
        tpu.vector_store %arg10[%swap3A_186, %swap3A_187], %swap3A_190 {strides = array<i32>} : memref<128x64xf32, #tpu.memory_space<vmem>>, vector<1x16xf32>,
        %get3A_191 = arith.index_cast %add3A_174 : i32 to index
        %get3A_192 = arith.constant 32 : index
        %get3A_193 = tpu.vector_load %arg6[%get3A_191, %get3A_192] {strides = array<i32>} : memref<128x128xf32, #tpu.memory_space<vmem>>, vector<1x16xf32>,
        %get3A_194 = vector.shape_cast %get3A_193 : vector<1x16xf32> to vector<16xf32>
        %swap3A_195 = arith.index_cast %add3A_174 : i32 to index
        %swap3A_196 = arith.constant 32 : index
        %swap3A_197 = tpu.vector_load %arg10[%swap3A_195, %swap3A_196] {strides = array<i32>} : memref<128x64xf32, #tpu.memory_space<vmem>>, vector<1x16xf32>,
        %swap3A_198 = vector.shape_cast %swap3A_197 : vector<1x16xf32> to vector<16xf32>
        %swap3A_199 = vector.shape_cast %get3A_194 : vector<16xf32> to vector<1x16xf32>
        tpu.vector_store %arg10[%swap3A_195, %swap3A_196], %swap3A_199 {strides = array<i32>} : memref<128x64xf32, #tpu.memory_space<vmem>>, vector<1x16xf32>,
        %get3A_200 = arith.index_cast %add3A_174 : i32 to index
        %get3A_201 = arith.constant 48 : index
        %get3A_202 = tpu.vector_load %arg6[%get3A_200, %get3A_201] {strides = array<i32>} : memref<128x128xf32, #tpu.memory_space<vmem>>, vector<1x16xf32>,
        %get3A_203 = vector.shape_cast %get3A_202 : vector<1x16xf32> to vector<16xf32>
        %swap3A_204 = arith.index_cast %add3A_174 : i32 to index
        %swap3A_205 = arith.constant 48 : index
        %swap3A_206 = tpu.vector_load %arg10[%swap3A_204, %swap3A_205] {strides = array<i32>} : memref<128x64xf32, #tpu.memory_space<vmem>>, vector<1x16xf32>,
        %swap3A_207 = vector.shape_cast %swap3A_206 : vector<1x16xf32> to vector<16xf32>
        %swap3A_208 = vector.shape_cast %get3A_203 : vector<16xf32> to vector<1x16xf32>
        tpu.vector_store %arg10[%swap3A_204, %swap3A_205], %swap3A_208 {strides = array<i32>} : memref<128x64xf32, #tpu.memory_space<vmem>>, vector<1x16xf32>,
        %scan3A_209 = arith.constant 1 : i32
        %scan3A_210 = arith.addi %scan3A_170, %scan3A_209 : i32
        %mul3A_211 = arith.constant 1 : i32
        %mul3A_212 = arith.muli %scan3A_210, %mul3A_211 : i32
        %add3A_213 = arith.constant 0 : i32
        %add3A_214 = arith.addi %add3A_213, %mul3A_212 : i32
        %get3A_215 = arith.index_cast %add3A_214 : i32 to index
        %get3A_216 = arith.constant 0 : index
        %get3A_217 = tpu.vector_load %arg6[%get3A_215, %get3A_216] {strides = array<i32>} : memref<128x128xf32, #tpu.memory_space<vmem>>, vector<1x16xf32>,
        %get3A_218 = vector.shape_cast %get3A_217 : vector<1x16xf32> to vector<16xf32>
        %swap3A_219 = arith.index_cast %add3A_214 : i32 to index
        %swap3A_220 = arith.constant 0 : index
        %swap3A_221 = tpu.vector_load %arg10[%swap3A_219, %swap3A_220] {strides = array<i32>} : memref<128x64xf32, #tpu.memory_space<vmem>>, vector<1x16xf32>,
        %swap3A_222 = vector.shape_cast %swap3A_221 : vector<1x16xf32> to vector<16xf32>
        %swap3A_223 = vector.shape_cast %get3A_218 : vector<16xf32> to vector<1x16xf32>
        tpu.vector_store %arg10[%swap3A_219, %swap3A_220], %swap3A_223 {strides = array<i32>} : memref<128x64xf32, #tpu.memory_space<vmem>>, vector<1x16xf32>,
        %get3A_224 = arith.index_cast %add3A_214 : i32 to index
        %get3A_225 = arith.constant 16 : index
        %get3A_226 = tpu.vector_load %arg6[%get3A_224, %get3A_225] {strides = array<i32>} : memref<128x128xf32, #tpu.memory_space<vmem>>, vector<1x16xf32>,
        %get3A_227 = vector.shape_cast %get3A_226 : vector<1x16xf32> to vector<16xf32>
        %swap3A_228 = arith.index_cast %add3A_214 : i32 to index
        %swap3A_229 = arith.constant 16 : index
        %swap3A_230 = tpu.vector_load %arg10[%swap3A_228, %swap3A_229] {strides = array<i32>} : memref<128x64xf32, #tpu.memory_space<vmem>>, vector<1x16xf32>,
        %swap3A_231 = vector.shape_cast %swap3A_230 : vector<1x16xf32> to vector<16xf32>
        %swap3A_232 = vector.shape_cast %get3A_227 : vector<16xf32> to vector<1x16xf32>
        tpu.vector_store %arg10[%swap3A_228, %swap3A_229], %swap3A_232 {strides = array<i32>} : memref<128x64xf32, #tpu.memory_space<vmem>>, vector<1x16xf32>,
        %get3A_233 = arith.index_cast %add3A_214 : i32 to index
        %get3A_234 = arith.constant 32 : index
        %get3A_235 = tpu.vector_load %arg6[%get3A_233, %get3A_234] {strides = array<i32>} : memref<128x128xf32, #tpu.memory_space<vmem>>, vector<1x16xf32>,
        %get3A_236 = vector.shape_cast %get3A_235 : vector<1x16xf32> to vector<16xf32>
        %swap3A_237 = arith.index_cast %add3A_214 : i32 to index
        %swap3A_238 = arith.constant 32 : index
        %swap3A_239 = tpu.vector_load %arg10[%swap3A_237, %swap3A_238] {strides = array<i32>} : memref<128x64xf32, #tpu.memory_space<vmem>>, vector<1x16xf32>,
        %swap3A_240 = vector.shape_cast %swap3A_239 : vector<1x16xf32> to vector<16xf32>
        %swap3A_241 = vector.shape_cast %get3A_236 : vector<16xf32> to vector<1x16xf32>
        tpu.vector_store %arg10[%swap3A_237, %swap3A_238], %swap3A_241 {strides = array<i32>} : memref<128x64xf32, #tpu.memory_space<vmem>>, vector<1x16xf32>,
        %get3A_242 = arith.index_cast %add3A_214 : i32 to index
        %get3A_243 = arith.constant 48 : index
        %get3A_244 = tpu.vector_load %arg6[%get3A_242, %get3A_243] {strides = array<i32>} : memref<128x128xf32, #tpu.memory_space<vmem>>, vector<1x16xf32>,
        %get3A_245 = vector.shape_cast %get3A_244 : vector<1x16xf32> to vector<16xf32>
        %swap3A_246 = arith.index_cast %add3A_214 : i32 to index
        %swap3A_247 = arith.constant 48 : index
        %swap3A_248 = tpu.vector_load %arg10[%swap3A_246, %swap3A_247] {strides = array<i32>} : memref<128x64xf32, #tpu.memory_space<vmem>>, vector<1x16xf32>,
        %swap3A_249 = vector.shape_cast %swap3A_248 : vector<1x16xf32> to vector<16xf32>
        %swap3A_250 = vector.shape_cast %get3A_245 : vector<16xf32> to vector<1x16xf32>
        tpu.vector_store %arg10[%swap3A_246, %swap3A_247], %swap3A_250 {strides = array<i32>} : memref<128x64xf32, #tpu.memory_space<vmem>>, vector<1x16xf32>,
        %scan3A_251 = arith.constant 2 : i32
        %scan3A_252 = arith.addi %scan3A_170, %scan3A_251 : i32
        %mul3A_253 = arith.constant 1 : i32
        %mul3A_254 = arith.muli %scan3A_252, %mul3A_253 : i32
        %add3A_255 = arith.constant 0 : i32
        %add3A_256 = arith.addi %add3A_255, %mul3A_254 : i32
        %get3A_257 = arith.index_cast %add3A_256 : i32 to index
        %get3A_258 = arith.constant 0 : index
        %get3A_259 = tpu.vector_load %arg6[%get3A_257, %get3A_258] {strides = array<i32>} : memref<128x128xf32, #tpu.memory_space<vmem>>, vector<1x16xf32>,
        %get3A_260 = vector.shape_cast %get3A_259 : vector<1x16xf32> to vector<16xf32>
        %swap3A_261 = arith.index_cast %add3A_256 : i32 to index
        %swap3A_262 = arith.constant 0 : index
        %swap3A_263 = tpu.vector_load %arg10[%swap3A_261, %swap3A_262] {strides = array<i32>} : memref<128x64xf32, #tpu.memory_space<vmem>>, vector<1x16xf32>,
        %swap3A_264 = vector.shape_cast %swap3A_263 : vector<1x16xf32> to vector<16xf32>
        %swap3A_265 = vector.shape_cast %get3A_260 : vector<16xf32> to vector<1x16xf32>
        tpu.vector_store %arg10[%swap3A_261, %swap3A_262], %swap3A_265 {strides = array<i32>} : memref<128x64xf32, #tpu.memory_space<vmem>>, vector<1x16xf32>,
        %get3A_266 = arith.index_cast %add3A_256 : i32 to index
        %get3A_267 = arith.constant 16 : index
        %get3A_268 = tpu.vector_load %arg6[%get3A_266, %get3A_267] {strides = array<i32>} : memref<128x128xf32, #tpu.memory_space<vmem>>, vector<1x16xf32>,
        %get3A_269 = vector.shape_cast %get3A_268 : vector<1x16xf32> to vector<16xf32>
        %swap3A_270 = arith.index_cast %add3A_256 : i32 to index
        %swap3A_271 = arith.constant 16 : index
        %swap3A_272 = tpu.vector_load %arg10[%swap3A_270, %swap3A_271] {strides = array<i32>} : memref<128x64xf32, #tpu.memory_space<vmem>>, vector<1x16xf32>,
        %swap3A_273 = vector.shape_cast %swap3A_272 : vector<1x16xf32> to vector<16xf32>
        %swap3A_274 = vector.shape_cast %get3A_269 : vector<16xf32> to vector<1x16xf32>
        tpu.vector_store %arg10[%swap3A_270, %swap3A_271], %swap3A_274 {strides = array<i32>} : memref<128x64xf32, #tpu.memory_space<vmem>>, vector<1x16xf32>,
        %get3A_275 = arith.index_cast %add3A_256 : i32 to index
        %get3A_276 = arith.constant 32 : index
        %get3A_277 = tpu.vector_load %arg6[%get3A_275, %get3A_276] {strides = array<i32>} : memref<128x128xf32, #tpu.memory_space<vmem>>, vector<1x16xf32>,
        %get3A_278 = vector.shape_cast %get3A_277 : vector<1x16xf32> to vector<16xf32>
        %swap3A_279 = arith.index_cast %add3A_256 : i32 to index
        %swap3A_280 = arith.constant 32 : index
        %swap3A_281 = tpu.vector_load %arg10[%swap3A_279, %swap3A_280] {strides = array<i32>} : memref<128x64xf32, #tpu.memory_space<vmem>>, vector<1x16xf32>,
        %swap3A_282 = vector.shape_cast %swap3A_281 : vector<1x16xf32> to vector<16xf32>
        %swap3A_283 = vector.shape_cast %get3A_278 : vector<16xf32> to vector<1x16xf32>
        tpu.vector_store %arg10[%swap3A_279, %swap3A_280], %swap3A_283 {strides = array<i32>} : memref<128x64xf32, #tpu.memory_space<vmem>>, vector<1x16xf32>,
        %get3A_284 = arith.index_cast %add3A_256 : i32 to index
        %get3A_285 = arith.constant 48 : index
        %get3A_286 = tpu.vector_load %arg6[%get3A_284, %get3A_285] {strides = array<i32>} : memref<128x128xf32, #tpu.memory_space<vmem>>, vector<1x16xf32>,
        %get3A_287 = vector.shape_cast %get3A_286 : vector<1x16xf32> to vector<16xf32>
        %swap3A_288 = arith.index_cast %add3A_256 : i32 to index
        %swap3A_289 = arith.constant 48 : index
        %swap3A_290 = tpu.vector_load %arg10[%swap3A_288, %swap3A_289] {strides = array<i32>} : memref<128x64xf32, #tpu.memory_space<vmem>>, vector<1x16xf32>,
        %swap3A_291 = vector.shape_cast %swap3A_290 : vector<1x16xf32> to vector<16xf32>
        %swap3A_292 = vector.shape_cast %get3A_287 : vector<16xf32> to vector<1x16xf32>
        tpu.vector_store %arg10[%swap3A_288, %swap3A_289], %swap3A_292 {strides = array<i32>} : memref<128x64xf32, #tpu.memory_space<vmem>>, vector<1x16xf32>,
        %scan3A_293 = arith.constant 3 : i32
        %scan3A_294 = arith.addi %scan3A_170, %scan3A_293 : i32
        %mul3A_295 = arith.constant 1 : i32
        %mul3A_296 = arith.muli %scan3A_294, %mul3A_295 : i32
        %add3A_297 = arith.constant 0 : i32
        %add3A_298 = arith.addi %add3A_297, %mul3A_296 : i32
        %get3A_299 = arith.index_cast %add3A_298 : i32 to index
        %get3A_300 = arith.constant 0 : index
        %get3A_301 = tpu.vector_load %arg6[%get3A_299, %get3A_300] {strides = array<i32>} : memref<128x128xf32, #tpu.memory_space<vmem>>, vector<1x16xf32>,
        %get3A_302 = vector.shape_cast %get3A_301 : vector<1x16xf32> to vector<16xf32>
        %swap3A_303 = arith.index_cast %add3A_298 : i32 to index
        %swap3A_304 = arith.constant 0 : index
        %swap3A_305 = tpu.vector_load %arg10[%swap3A_303, %swap3A_304] {strides = array<i32>} : memref<128x64xf32, #tpu.memory_space<vmem>>, vector<1x16xf32>,
        %swap3A_306 = vector.shape_cast %swap3A_305 : vector<1x16xf32> to vector<16xf32>
        %swap3A_307 = vector.shape_cast %get3A_302 : vector<16xf32> to vector<1x16xf32>
        tpu.vector_store %arg10[%swap3A_303, %swap3A_304], %swap3A_307 {strides = array<i32>} : memref<128x64xf32, #tpu.memory_space<vmem>>, vector<1x16xf32>,
        %get3A_308 = arith.index_cast %add3A_298 : i32 to index
        %get3A_309 = arith.constant 16 : index
        %get3A_310 = tpu.vector_load %arg6[%get3A_308, %get3A_309] {strides = array<i32>} : memref<128x128xf32, #tpu.memory_space<vmem>>, vector<1x16xf32>,
        %get3A_311 = vector.shape_cast %get3A_310 : vector<1x16xf32> to vector<16xf32>
        %swap3A_312 = arith.index_cast %add3A_298 : i32 to index
        %swap3A_313 = arith.constant 16 : index
        %swap3A_314 = tpu.vector_load %arg10[%swap3A_312, %swap3A_313] {strides = array<i32>} : memref<128x64xf32, #tpu.memory_space<vmem>>, vector<1x16xf32>,
        %swap3A_315 = vector.shape_cast %swap3A_314 : vector<1x16xf32> to vector<16xf32>
        %swap3A_316 = vector.shape_cast %get3A_311 : vector<16xf32> to vector<1x16xf32>
        tpu.vector_store %arg10[%swap3A_312, %swap3A_313], %swap3A_316 {strides = array<i32>} : memref<128x64xf32, #tpu.memory_space<vmem>>, vector<1x16xf32>,
        %get3A_317 = arith.index_cast %add3A_298 : i32 to index
        %get3A_318 = arith.constant 32 : index
        %get3A_319 = tpu.vector_load %arg6[%get3A_317, %get3A_318] {strides = array<i32>} : memref<128x128xf32, #tpu.memory_space<vmem>>, vector<1x16xf32>,
        %get3A_320 = vector.shape_cast %get3A_319 : vector<1x16xf32> to vector<16xf32>
        %swap3A_321 = arith.index_cast %add3A_298 : i32 to index
        %swap3A_322 = arith.constant 32 : index
        %swap3A_323 = tpu.vector_load %arg10[%swap3A_321, %swap3A_322] {strides = array<i32>} : memref<128x64xf32, #tpu.memory_space<vmem>>, vector<1x16xf32>,
        %swap3A_324 = vector.shape_cast %swap3A_323 : vector<1x16xf32> to vector<16xf32>
        %swap3A_325 = vector.shape_cast %get3A_320 : vector<16xf32> to vector<1x16xf32>
        tpu.vector_store %arg10[%swap3A_321, %swap3A_322], %swap3A_325 {strides = array<i32>} : memref<128x64xf32, #tpu.memory_space<vmem>>, vector<1x16xf32>,
        %get3A_326 = arith.index_cast %add3A_298 : i32 to index
        %get3A_327 = arith.constant 48 : index
        %get3A_328 = tpu.vector_load %arg6[%get3A_326, %get3A_327] {strides = array<i32>} : memref<128x128xf32, #tpu.memory_space<vmem>>, vector<1x16xf32>,
        %get3A_329 = vector.shape_cast %get3A_328 : vector<1x16xf32> to vector<16xf32>
        %swap3A_330 = arith.index_cast %add3A_298 : i32 to index
        %swap3A_331 = arith.constant 48 : index
        %swap3A_332 = tpu.vector_load %arg10[%swap3A_330, %swap3A_331] {strides = array<i32>} : memref<128x64xf32, #tpu.memory_space<vmem>>, vector<1x16xf32>,
        %swap3A_333 = vector.shape_cast %swap3A_332 : vector<1x16xf32> to vector<16xf32>
        %swap3A_334 = vector.shape_cast %get3A_329 : vector<16xf32> to vector<1x16xf32>
        tpu.vector_store %arg10[%swap3A_330, %swap3A_331], %swap3A_334 {strides = array<i32>} : memref<128x64xf32, #tpu.memory_space<vmem>>, vector<1x16xf32>,
        %scan3A_335 = arith.constant 4 : i32
        %scan3A_336 = arith.addi %scan3A_170, %scan3A_335 : i32
        %mul3A_337 = arith.constant 1 : i32
        %mul3A_338 = arith.muli %scan3A_336, %mul3A_337 : i32
        %add3A_339 = arith.constant 0 : i32
        %add3A_340 = arith.addi %add3A_339, %mul3A_338 : i32
        %get3A_341 = arith.index_cast %add3A_340 : i32 to index
        %get3A_342 = arith.constant 0 : index
        %get3A_343 = tpu.vector_load %arg6[%get3A_341, %get3A_342] {strides = array<i32>} : memref<128x128xf32, #tpu.memory_space<vmem>>, vector<1x16xf32>,
        %get3A_344 = vector.shape_cast %get3A_343 : vector<1x16xf32> to vector<16xf32>
        %swap3A_345 = arith.index_cast %add3A_340 : i32 to index
        %swap3A_346 = arith.constant 0 : index
        %swap3A_347 = tpu.vector_load %arg10[%swap3A_345, %swap3A_346] {strides = array<i32>} : memref<128x64xf32, #tpu.memory_space<vmem>>, vector<1x16xf32>,
        %swap3A_348 = vector.shape_cast %swap3A_347 : vector<1x16xf32> to vector<16xf32>
        %swap3A_349 = vector.shape_cast %get3A_344 : vector<16xf32> to vector<1x16xf32>
        tpu.vector_store %arg10[%swap3A_345, %swap3A_346], %swap3A_349 {strides = array<i32>} : memref<128x64xf32, #tpu.memory_space<vmem>>, vector<1x16xf32>,
        %get3A_350 = arith.index_cast %add3A_340 : i32 to index
        %get3A_351 = arith.constant 16 : index
        %get3A_352 = tpu.vector_load %arg6[%get3A_350, %get3A_351] {strides = array<i32>} : memref<128x128xf32, #tpu.memory_space<vmem>>, vector<1x16xf32>,
        %get3A_353 = vector.shape_cast %get3A_352 : vector<1x16xf32> to vector<16xf32>
        %swap3A_354 = arith.index_cast %add3A_340 : i32 to index
        %swap3A_355 = arith.constant 16 : index
        %swap3A_356 = tpu.vector_load %arg10[%swap3A_354, %swap3A_355] {strides = array<i32>} : memref<128x64xf32, #tpu.memory_space<vmem>>, vector<1x16xf32>,
        %swap3A_357 = vector.shape_cast %swap3A_356 : vector<1x16xf32> to vector<16xf32>
        %swap3A_358 = vector.shape_cast %get3A_353 : vector<16xf32> to vector<1x16xf32>
        tpu.vector_store %arg10[%swap3A_354, %swap3A_355], %swap3A_358 {strides = array<i32>} : memref<128x64xf32, #tpu.memory_space<vmem>>, vector<1x16xf32>,
        %get3A_359 = arith.index_cast %add3A_340 : i32 to index
        %get3A_360 = arith.constant 32 : index
        %get3A_361 = tpu.vector_load %arg6[%get3A_359, %get3A_360] {strides = array<i32>} : memref<128x128xf32, #tpu.memory_space<vmem>>, vector<1x16xf32>,
        %get3A_362 = vector.shape_cast %get3A_361 : vector<1x16xf32> to vector<16xf32>
        %swap3A_363 = arith.index_cast %add3A_340 : i32 to index
        %swap3A_364 = arith.constant 32 : index
        %swap3A_365 = tpu.vector_load %arg10[%swap3A_363, %swap3A_364] {strides = array<i32>} : memref<128x64xf32, #tpu.memory_space<vmem>>, vector<1x16xf32>,
        %swap3A_366 = vector.shape_cast %swap3A_365 : vector<1x16xf32> to vector<16xf32>
        %swap3A_367 = vector.shape_cast %get3A_362 : vector<16xf32> to vector<1x16xf32>
        tpu.vector_store %arg10[%swap3A_363, %swap3A_364], %swap3A_367 {strides = array<i32>} : memref<128x64xf32, #tpu.memory_space<vmem>>, vector<1x16xf32>,
        %get3A_368 = arith.index_cast %add3A_340 : i32 to index
        %get3A_369 = arith.constant 48 : index
        %get3A_370 = tpu.vector_load %arg6[%get3A_368, %get3A_369] {strides = array<i32>} : memref<128x128xf32, #tpu.memory_space<vmem>>, vector<1x16xf32>,
        %get3A_371 = vector.shape_cast %get3A_370 : vector<1x16xf32> to vector<16xf32>
        %swap3A_372 = arith.index_cast %add3A_340 : i32 to index
        %swap3A_373 = arith.constant 48 : index
        %swap3A_374 = tpu.vector_load %arg10[%swap3A_372, %swap3A_373] {strides = array<i32>} : memref<128x64xf32, #tpu.memory_space<vmem>>, vector<1x16xf32>,
        %swap3A_375 = vector.shape_cast %swap3A_374 : vector<1x16xf32> to vector<16xf32>
        %swap3A_376 = vector.shape_cast %get3A_371 : vector<16xf32> to vector<1x16xf32>
        tpu.vector_store %arg10[%swap3A_372, %swap3A_373], %swap3A_376 {strides = array<i32>} : memref<128x64xf32, #tpu.memory_space<vmem>>, vector<1x16xf32>,
        %scan3A_377 = arith.constant 5 : i32
        %scan3A_378 = arith.addi %scan3A_170, %scan3A_377 : i32
        %mul3A_379 = arith.constant 1 : i32
        %mul3A_380 = arith.muli %scan3A_378, %mul3A_379 : i32
        %add3A_381 = arith.constant 0 : i32
        %add3A_382 = arith.addi %add3A_381, %mul3A_380 : i32
        %get3A_383 = arith.index_cast %add3A_382 : i32 to index
        %get3A_384 = arith.constant 0 : index
        %get3A_385 = tpu.vector_load %arg6[%get3A_383, %get3A_384] {strides = array<i32>} : memref<128x128xf32, #tpu.memory_space<vmem>>, vector<1x16xf32>,
        %get3A_386 = vector.shape_cast %get3A_385 : vector<1x16xf32> to vector<16xf32>
        %swap3A_387 = arith.index_cast %add3A_382 : i32 to index
        %swap3A_388 = arith.constant 0 : index
        %swap3A_389 = tpu.vector_load %arg10[%swap3A_387, %swap3A_388] {strides = array<i32>} : memref<128x64xf32, #tpu.memory_space<vmem>>, vector<1x16xf32>,
        %swap3A_390 = vector.shape_cast %swap3A_389 : vector<1x16xf32> to vector<16xf32>
        %swap3A_391 = vector.shape_cast %get3A_386 : vector<16xf32> to vector<1x16xf32>
        tpu.vector_store %arg10[%swap3A_387, %swap3A_388], %swap3A_391 {strides = array<i32>} : memref<128x64xf32, #tpu.memory_space<vmem>>, vector<1x16xf32>,
        %get3A_392 = arith.index_cast %add3A_382 : i32 to index
        %get3A_393 = arith.constant 16 : index
        %get3A_394 = tpu.vector_load %arg6[%get3A_392, %get3A_393] {strides = array<i32>} : memref<128x128xf32, #tpu.memory_space<vmem>>, vector<1x16xf32>,
        %get3A_395 = vector.shape_cast %get3A_394 : vector<1x16xf32> to vector<16xf32>
        %swap3A_396 = arith.index_cast %add3A_382 : i32 to index
        %swap3A_397 = arith.constant 16 : index
        %swap3A_398 = tpu.vector_load %arg10[%swap3A_396, %swap3A_397] {strides = array<i32>} : memref<128x64xf32, #tpu.memory_space<vmem>>, vector<1x16xf32>,
        %swap3A_399 = vector.shape_cast %swap3A_398 : vector<1x16xf32> to vector<16xf32>
        %swap3A_400 = vector.shape_cast %get3A_395 : vector<16xf32> to vector<1x16xf32>
        tpu.vector_store %arg10[%swap3A_396, %swap3A_397], %swap3A_400 {strides = array<i32>} : memref<128x64xf32, #tpu.memory_space<vmem>>, vector<1x16xf32>,
        %get3A_401 = arith.index_cast %add3A_382 : i32 to index
        %get3A_402 = arith.constant 32 : index
        %get3A_403 = tpu.vector_load %arg6[%get3A_401, %get3A_402] {strides = array<i32>} : memref<128x128xf32, #tpu.memory_space<vmem>>, vector<1x16xf32>,
        %get3A_404 = vector.shape_cast %get3A_403 : vector<1x16xf32> to vector<16xf32>
        %swap3A_405 = arith.index_cast %add3A_382 : i32 to index
        %swap3A_406 = arith.constant 32 : index
        %swap3A_407 = tpu.vector_load %arg10[%swap3A_405, %swap3A_406] {strides = array<i32>} : memref<128x64xf32, #tpu.memory_space<vmem>>, vector<1x16xf32>,
        %swap3A_408 = vector.shape_cast %swap3A_407 : vector<1x16xf32> to vector<16xf32>
        %swap3A_409 = vector.shape_cast %get3A_404 : vector<16xf32> to vector<1x16xf32>
        tpu.vector_store %arg10[%swap3A_405, %swap3A_406], %swap3A_409 {strides = array<i32>} : memref<128x64xf32, #tpu.memory_space<vmem>>, vector<1x16xf32>,
        %get3A_410 = arith.index_cast %add3A_382 : i32 to index
        %get3A_411 = arith.constant 48 : index
        %get3A_412 = tpu.vector_load %arg6[%get3A_410, %get3A_411] {strides = array<i32>} : memref<128x128xf32, #tpu.memory_space<vmem>>, vector<1x16xf32>,
        %get3A_413 = vector.shape_cast %get3A_412 : vector<1x16xf32> to vector<16xf32>
        %swap3A_414 = arith.index_cast %add3A_382 : i32 to index
        %swap3A_415 = arith.constant 48 : index
        %swap3A_416 = tpu.vector_load %arg10[%swap3A_414, %swap3A_415] {strides = array<i32>} : memref<128x64xf32, #tpu.memory_space<vmem>>, vector<1x16xf32>,
        %swap3A_417 = vector.shape_cast %swap3A_416 : vector<1x16xf32> to vector<16xf32>
        %swap3A_418 = vector.shape_cast %get3A_413 : vector<16xf32> to vector<1x16xf32>
        tpu.vector_store %arg10[%swap3A_414, %swap3A_415], %swap3A_418 {strides = array<i32>} : memref<128x64xf32, #tpu.memory_space<vmem>>, vector<1x16xf32>,
        %scan3A_419 = arith.constant 6 : i32
        %scan3A_420 = arith.addi %scan3A_170, %scan3A_419 : i32
        %mul3A_421 = arith.constant 1 : i32
        %mul3A_422 = arith.muli %scan3A_420, %mul3A_421 : i32
        %add3A_423 = arith.constant 0 : i32
        %add3A_424 = arith.addi %add3A_423, %mul3A_422 : i32
        %get3A_425 = arith.index_cast %add3A_424 : i32 to index
        %get3A_426 = arith.constant 0 : index
        %get3A_427 = tpu.vector_load %arg6[%get3A_425, %get3A_426] {strides = array<i32>} : memref<128x128xf32, #tpu.memory_space<vmem>>, vector<1x16xf32>,
        %get3A_428 = vector.shape_cast %get3A_427 : vector<1x16xf32> to vector<16xf32>
        %swap3A_429 = arith.index_cast %add3A_424 : i32 to index
        %swap3A_430 = arith.constant 0 : index
        %swap3A_431 = tpu.vector_load %arg10[%swap3A_429, %swap3A_430] {strides = array<i32>} : memref<128x64xf32, #tpu.memory_space<vmem>>, vector<1x16xf32>,
        %swap3A_432 = vector.shape_cast %swap3A_431 : vector<1x16xf32> to vector<16xf32>
        %swap3A_433 = vector.shape_cast %get3A_428 : vector<16xf32> to vector<1x16xf32>
        tpu.vector_store %arg10[%swap3A_429, %swap3A_430], %swap3A_433 {strides = array<i32>} : memref<128x64xf32, #tpu.memory_space<vmem>>, vector<1x16xf32>,
        %get3A_434 = arith.index_cast %add3A_424 : i32 to index
        %get3A_435 = arith.constant 16 : index
        %get3A_436 = tpu.vector_load %arg6[%get3A_434, %get3A_435] {strides = array<i32>} : memref<128x128xf32, #tpu.memory_space<vmem>>, vector<1x16xf32>,
        %get3A_437 = vector.shape_cast %get3A_436 : vector<1x16xf32> to vector<16xf32>
        %swap3A_438 = arith.index_cast %add3A_424 : i32 to index
        %swap3A_439 = arith.constant 16 : index
        %swap3A_440 = tpu.vector_load %arg10[%swap3A_438, %swap3A_439] {strides = array<i32>} : memref<128x64xf32, #tpu.memory_space<vmem>>, vector<1x16xf32>,
        %swap3A_441 = vector.shape_cast %swap3A_440 : vector<1x16xf32> to vector<16xf32>
        %swap3A_442 = vector.shape_cast %get3A_437 : vector<16xf32> to vector<1x16xf32>
        tpu.vector_store %arg10[%swap3A_438, %swap3A_439], %swap3A_442 {strides = array<i32>} : memref<128x64xf32, #tpu.memory_space<vmem>>, vector<1x16xf32>,
        %get3A_443 = arith.index_cast %add3A_424 : i32 to index
        %get3A_444 = arith.constant 32 : index
        %get3A_445 = tpu.vector_load %arg6[%get3A_443, %get3A_444] {strides = array<i32>} : memref<128x128xf32, #tpu.memory_space<vmem>>, vector<1x16xf32>,
        %get3A_446 = vector.shape_cast %get3A_445 : vector<1x16xf32> to vector<16xf32>
        %swap3A_447 = arith.index_cast %add3A_424 : i32 to index
        %swap3A_448 = arith.constant 32 : index
        %swap3A_449 = tpu.vector_load %arg10[%swap3A_447, %swap3A_448] {strides = array<i32>} : memref<128x64xf32, #tpu.memory_space<vmem>>, vector<1x16xf32>,
        %swap3A_450 = vector.shape_cast %swap3A_449 : vector<1x16xf32> to vector<16xf32>
        %swap3A_451 = vector.shape_cast %get3A_446 : vector<16xf32> to vector<1x16xf32>
        tpu.vector_store %arg10[%swap3A_447, %swap3A_448], %swap3A_451 {strides = array<i32>} : memref<128x64xf32, #tpu.memory_space<vmem>>, vector<1x16xf32>,
        %get3A_452 = arith.index_cast %add3A_424 : i32 to index
        %get3A_453 = arith.constant 48 : index
        %get3A_454 = tpu.vector_load %arg6[%get3A_452, %get3A_453] {strides = array<i32>} : memref<128x128xf32, #tpu.memory_space<vmem>>, vector<1x16xf32>,
        %get3A_455 = vector.shape_cast %get3A_454 : vector<1x16xf32> to vector<16xf32>
        %swap3A_456 = arith.index_cast %add3A_424 : i32 to index
        %swap3A_457 = arith.constant 48 : index
        %swap3A_458 = tpu.vector_load %arg10[%swap3A_456, %swap3A_457] {strides = array<i32>} : memref<128x64xf32, #tpu.memory_space<vmem>>, vector<1x16xf32>,
        %swap3A_459 = vector.shape_cast %swap3A_458 : vector<1x16xf32> to vector<16xf32>
        %swap3A_460 = vector.shape_cast %get3A_455 : vector<16xf32> to vector<1x16xf32>
        tpu.vector_store %arg10[%swap3A_456, %swap3A_457], %swap3A_460 {strides = array<i32>} : memref<128x64xf32, #tpu.memory_space<vmem>>, vector<1x16xf32>,
        %scan3A_461 = arith.constant 7 : i32
        %scan3A_462 = arith.addi %scan3A_170, %scan3A_461 : i32
        %mul3A_463 = arith.constant 1 : i32
        %mul3A_464 = arith.muli %scan3A_462, %mul3A_463 : i32
        %add3A_465 = arith.constant 0 : i32
        %add3A_466 = arith.addi %add3A_465, %mul3A_464 : i32
        %get3A_467 = arith.index_cast %add3A_466 : i32 to index
        %get3A_468 = arith.constant 0 : index
        %get3A_469 = tpu.vector_load %arg6[%get3A_467, %get3A_468] {strides = array<i32>} : memref<128x128xf32, #tpu.memory_space<vmem>>, vector<1x16xf32>,
        %get3A_470 = vector.shape_cast %get3A_469 : vector<1x16xf32> to vector<16xf32>
        %swap3A_471 = arith.index_cast %add3A_466 : i32 to index
        %swap3A_472 = arith.constant 0 : index
        %swap3A_473 = tpu.vector_load %arg10[%swap3A_471, %swap3A_472] {strides = array<i32>} : memref<128x64xf32, #tpu.memory_space<vmem>>, vector<1x16xf32>,
        %swap3A_474 = vector.shape_cast %swap3A_473 : vector<1x16xf32> to vector<16xf32>
        %swap3A_475 = vector.shape_cast %get3A_470 : vector<16xf32> to vector<1x16xf32>
        tpu.vector_store %arg10[%swap3A_471, %swap3A_472], %swap3A_475 {strides = array<i32>} : memref<128x64xf32, #tpu.memory_space<vmem>>, vector<1x16xf32>,
        %get3A_476 = arith.index_cast %add3A_466 : i32 to index
        %get3A_477 = arith.constant 16 : index
        %get3A_478 = tpu.vector_load %arg6[%get3A_476, %get3A_477] {strides = array<i32>} : memref<128x128xf32, #tpu.memory_space<vmem>>, vector<1x16xf32>,
        %get3A_479 = vector.shape_cast %get3A_478 : vector<1x16xf32> to vector<16xf32>
        %swap3A_480 = arith.index_cast %add3A_466 : i32 to index
        %swap3A_481 = arith.constant 16 : index
        %swap3A_482 = tpu.vector_load %arg10[%swap3A_480, %swap3A_481] {strides = array<i32>} : memref<128x64xf32, #tpu.memory_space<vmem>>, vector<1x16xf32>,
        %swap3A_483 = vector.shape_cast %swap3A_482 : vector<1x16xf32> to vector<16xf32>
        %swap3A_484 = vector.shape_cast %get3A_479 : vector<16xf32> to vector<1x16xf32>
        tpu.vector_store %arg10[%swap3A_480, %swap3A_481], %swap3A_484 {strides = array<i32>} : memref<128x64xf32, #tpu.memory_space<vmem>>, vector<1x16xf32>,
        %get3A_485 = arith.index_cast %add3A_466 : i32 to index
        %get3A_486 = arith.constant 32 : index
        %get3A_487 = tpu.vector_load %arg6[%get3A_485, %get3A_486] {strides = array<i32>} : memref<128x128xf32, #tpu.memory_space<vmem>>, vector<1x16xf32>,
        %get3A_488 = vector.shape_cast %get3A_487 : vector<1x16xf32> to vector<16xf32>
        %swap3A_489 = arith.index_cast %add3A_466 : i32 to index
        %swap3A_490 = arith.constant 32 : index
        %swap3A_491 = tpu.vector_load %arg10[%swap3A_489, %swap3A_490] {strides = array<i32>} : memref<128x64xf32, #tpu.memory_space<vmem>>, vector<1x16xf32>,
        %swap3A_492 = vector.shape_cast %swap3A_491 : vector<1x16xf32> to vector<16xf32>
        %swap3A_493 = vector.shape_cast %get3A_488 : vector<16xf32> to vector<1x16xf32>
        tpu.vector_store %arg10[%swap3A_489, %swap3A_490], %swap3A_493 {strides = array<i32>} : memref<128x64xf32, #tpu.memory_space<vmem>>, vector<1x16xf32>,
        %get3A_494 = arith.index_cast %add3A_466 : i32 to index
        %get3A_495 = arith.constant 48 : index
        %get3A_496 = tpu.vector_load %arg6[%get3A_494, %get3A_495] {strides = array<i32>} : memref<128x128xf32, #tpu.memory_space<vmem>>, vector<1x16xf32>,
        %get3A_497 = vector.shape_cast %get3A_496 : vector<1x16xf32> to vector<16xf32>
        %swap3A_498 = arith.index_cast %add3A_466 : i32 to index
        %swap3A_499 = arith.constant 48 : index
        %swap3A_500 = tpu.vector_load %arg10[%swap3A_498, %swap3A_499] {strides = array<i32>} : memref<128x64xf32, #tpu.memory_space<vmem>>, vector<1x16xf32>,
        %swap3A_501 = vector.shape_cast %swap3A_500 : vector<1x16xf32> to vector<16xf32>
        %swap3A_502 = vector.shape_cast %get3A_497 : vector<16xf32> to vector<1x16xf32>
        tpu.vector_store %arg10[%swap3A_498, %swap3A_499], %swap3A_502 {strides = array<i32>} : memref<128x64xf32, #tpu.memory_space<vmem>>, vector<1x16xf32>,
      }
      %scan3A_60 = arith.constant 128 : i32
      %mul3A_61 = arith.constant 128 : i32
      %mul3A_62 = arith.muli %add3A_41, %mul3A_61 : i32
      %add3A_63 = arith.addi %mul3A_2, %mul3A_62 : i32
      %dma_start3A_64 = arith.constant 0 : i32
      %dma_start3A_65 = tpu.memref_slice %arg4[%add3A_63, %dma_start3A_64] : memref<425984x64xf32, #tpu.memory_space<hbm>> -> memref<128x64xf32, #tpu.memory_space<hbm>>
      %dma_start3A_66 = arith.constant 0 : i32
      %dma_start3A_67 = tpu.memref_slice %arg4[%add3A_63, %dma_start3A_66] : memref<425984x64xf32, #tpu.memory_space<hbm>> -> memref<128x64xf32, #tpu.memory_space<hbm>>
      tpu.enqueue_dma source(%arg10 : memref<128x64xf32, #tpu.memory_space<vmem>>) target(%dma_start3A_67 : memref<128x64xf32, #tpu.memory_space<hbm>>) target_semaphore(%arg16 : memref<!tpu.dma_semaphore, #tpu.memory_space<semaphore_mem>>)
      %mul3A_68 = arith.constant 4 : i32
      %mul3A_69 = arith.muli %add3A_37, %mul3A_68 : i32
      %add3A_70 = arith.constant 1 : i32
      %add3A_71 = arith.addi %mul3A_69, %add3A_70 : i32
      %add3A_72 = arith.constant 2 : i32
      %add3A_73 = arith.addi %add3A_71, %add3A_72 : i32
      %lt3A_74 = arith.constant 104 : i32
      %lt3A_75 = arith.cmpi slt, %add3A_73, %lt3A_74 : i32
      %convert_element_type3A_76 = arith.extui %lt3A_75 : i1 to i32
      %cond3A_77 = arith.constant 0 : i32
      %cond3A_78 = arith.cmpi ne, %convert_element_type3A_76, %cond3A_77 : i32
      scf.if %cond3A_78 {
        %dma_start3A_170 = arith.constant 0 : i32
        %dma_start3A_171 = tpu.memref_slice %arg5[%add3A_73, %dma_start3A_170] : memref<104x128xi32, #tpu.memory_space<vmem>> -> memref<1x128xi32, #tpu.memory_space<vmem>>
        %dma_start3A_172 = tpu.memref_squeeze %dma_start3A_171 : memref<1x128xi32, #tpu.memory_space<vmem>> -> memref<128xi32, #tpu.memory_space<vmem>>
        %dma_start3A_173 = arith.constant 0 : i32
        %dma_start3A_174 = arith.constant 0 : i32
        %dma_start3A_175 = tpu.memref_slice %arg2[%dma_start3A_173, %dma_start3A_174] : memref<1664x128xf32, #tpu.memory_space<hbm>> -> memref<1664x128xf32, #tpu.memory_space<hbm>>
        tpu.enqueue_indirect_dma source(%dma_start3A_175 : memref<1664x128xf32, #tpu.memory_space<hbm>>) target(%arg9 : memref<128x128xf32, #tpu.memory_space<vmem>>) offsets(%dma_start3A_172 : memref<128xi32, #tpu.memory_space<vmem>>) semaphore(%arg15 : memref<!tpu.dma_semaphore, #tpu.memory_space<semaphore_mem>>)
      } else {
      }
      %dma_wait3A_79 = arith.constant 0 : i32
      %dma_wait3A_80 = arith.constant 0 : i32
      %dma_wait3A_81 = tpu.memref_slice %arg2[%dma_wait3A_79, %dma_wait3A_80] : memref<1664x128xf32, #tpu.memory_space<hbm>> -> memref<128x128xf32, #tpu.memory_space<hbm>>
      %dma_wait3A_82 = arith.constant 0 : i32
      %dma_wait3A_83 = arith.constant 0 : i32
      %dma_wait3A_84 = tpu.memref_slice %arg2[%dma_wait3A_82, %dma_wait3A_83] : memref<1664x128xf32, #tpu.memory_space<hbm>> -> memref<128x128xf32, #tpu.memory_space<hbm>>
      tpu.wait_dma2 semaphore(%arg13 : memref<!tpu.dma_semaphore, #tpu.memory_space<semaphore_mem>>) src(%dma_wait3A_84 : memref<128x128xf32, #tpu.memory_space<hbm>>) dst(%arg7 : memref<128x128xf32, #tpu.memory_space<vmem>>)
      %ge3A_85 = arith.constant 2 : i32
      %ge3A_86 = arith.cmpi sge, %add3A_71, %ge3A_85 : i32
      %convert_element_type3A_87 = arith.extui %ge3A_86 : i1 to i32
      %cond3A_88 = arith.constant 0 : i32
      %cond3A_89 = arith.cmpi ne, %convert_element_type3A_87, %cond3A_88 : i32
      scf.if %cond3A_89 {
        %dma_wait3A_170 = arith.constant 0 : i32
        %dma_wait3A_171 = arith.constant 0 : i32
        %dma_wait3A_172 = tpu.memref_slice %arg4[%dma_wait3A_170, %dma_wait3A_171] : memref<425984x64xf32, #tpu.memory_space<hbm>> -> memref<128x64xf32, #tpu.memory_space<hbm>>
        %dma_wait3A_173 = arith.constant 0 : i32
        %dma_wait3A_174 = arith.constant 0 : i32
        %dma_wait3A_175 = tpu.memref_slice %arg4[%dma_wait3A_173, %dma_wait3A_174] : memref<425984x64xf32, #tpu.memory_space<hbm>> -> memref<128x64xf32, #tpu.memory_space<hbm>>
        tpu.wait_dma2 semaphore(%arg17 : memref<!tpu.dma_semaphore, #tpu.memory_space<semaphore_mem>>) src(%arg11 : memref<128x64xf32, #tpu.memory_space<vmem>>) dst(%dma_wait3A_175 : memref<128x64xf32, #tpu.memory_space<hbm>>)
      } else {
      }
      %scan3A_90 = arith.constant 0 : i32
      %scan3A_91 = arith.constant 128 : i32
      %scan3A_92 = arith.addi %scan3A_90, %scan3A_91 : i32
      %scan3A_93 = arith.constant 8 : i32
      scf.for %scan3A_170 = %scan3A_90 to %scan3A_92 step %scan3A_93  : i32 {
        %mul3A_171 = arith.constant 1 : i32
        %mul3A_172 = arith.muli %scan3A_170, %mul3A_171 : i32
        %add3A_173 = arith.constant 0 : i32
        %add3A_174 = arith.addi %add3A_173, %mul3A_172 : i32
        %get3A = arith.index_cast %add3A_174 : i32 to index
        %get3A_175 = arith.constant 0 : index
        %get3A_176 = tpu.vector_load %arg7[%get3A, %get3A_175] {strides = array<i32>} : memref<128x128xf32, #tpu.memory_space<vmem>>, vector<1x16xf32>,
        %get3A_177 = vector.shape_cast %get3A_176 : vector<1x16xf32> to vector<16xf32>
        %swap3A = arith.index_cast %add3A_174 : i32 to index
        %swap3A_178 = arith.constant 0 : index
        %swap3A_179 = tpu.vector_load %arg11[%swap3A, %swap3A_178] {strides = array<i32>} : memref<128x64xf32, #tpu.memory_space<vmem>>, vector<1x16xf32>,
        %swap3A_180 = vector.shape_cast %swap3A_179 : vector<1x16xf32> to vector<16xf32>
        %swap3A_181 = vector.shape_cast %get3A_177 : vector<16xf32> to vector<1x16xf32>
        tpu.vector_store %arg11[%swap3A, %swap3A_178], %swap3A_181 {strides = array<i32>} : memref<128x64xf32, #tpu.memory_space<vmem>>, vector<1x16xf32>,
        %get3A_182 = arith.index_cast %add3A_174 : i32 to index
        %get3A_183 = arith.constant 16 : index
        %get3A_184 = tpu.vector_load %arg7[%get3A_182, %get3A_183] {strides = array<i32>} : memref<128x128xf32, #tpu.memory_space<vmem>>, vector<1x16xf32>,
        %get3A_185 = vector.shape_cast %get3A_184 : vector<1x16xf32> to vector<16xf32>
        %swap3A_186 = arith.index_cast %add3A_174 : i32 to index
        %swap3A_187 = arith.constant 16 : index
        %swap3A_188 = tpu.vector_load %arg11[%swap3A_186, %swap3A_187] {strides = array<i32>} : memref<128x64xf32, #tpu.memory_space<vmem>>, vector<1x16xf32>,
        %swap3A_189 = vector.shape_cast %swap3A_188 : vector<1x16xf32> to vector<16xf32>
        %swap3A_190 = vector.shape_cast %get3A_185 : vector<16xf32> to vector<1x16xf32>
        tpu.vector_store %arg11[%swap3A_186, %swap3A_187], %swap3A_190 {strides = array<i32>} : memref<128x64xf32, #tpu.memory_space<vmem>>, vector<1x16xf32>,
        %get3A_191 = arith.index_cast %add3A_174 : i32 to index
        %get3A_192 = arith.constant 32 : index
        %get3A_193 = tpu.vector_load %arg7[%get3A_191, %get3A_192] {strides = array<i32>} : memref<128x128xf32, #tpu.memory_space<vmem>>, vector<1x16xf32>,
        %get3A_194 = vector.shape_cast %get3A_193 : vector<1x16xf32> to vector<16xf32>
        %swap3A_195 = arith.index_cast %add3A_174 : i32 to index
        %swap3A_196 = arith.constant 32 : index
        %swap3A_197 = tpu.vector_load %arg11[%swap3A_195, %swap3A_196] {strides = array<i32>} : memref<128x64xf32, #tpu.memory_space<vmem>>, vector<1x16xf32>,
        %swap3A_198 = vector.shape_cast %swap3A_197 : vector<1x16xf32> to vector<16xf32>
        %swap3A_199 = vector.shape_cast %get3A_194 : vector<16xf32> to vector<1x16xf32>
        tpu.vector_store %arg11[%swap3A_195, %swap3A_196], %swap3A_199 {strides = array<i32>} : memref<128x64xf32, #tpu.memory_space<vmem>>, vector<1x16xf32>,
        %get3A_200 = arith.index_cast %add3A_174 : i32 to index
        %get3A_201 = arith.constant 48 : index
        %get3A_202 = tpu.vector_load %arg7[%get3A_200, %get3A_201] {strides = array<i32>} : memref<128x128xf32, #tpu.memory_space<vmem>>, vector<1x16xf32>,
        %get3A_203 = vector.shape_cast %get3A_202 : vector<1x16xf32> to vector<16xf32>
        %swap3A_204 = arith.index_cast %add3A_174 : i32 to index
        %swap3A_205 = arith.constant 48 : index
        %swap3A_206 = tpu.vector_load %arg11[%swap3A_204, %swap3A_205] {strides = array<i32>} : memref<128x64xf32, #tpu.memory_space<vmem>>, vector<1x16xf32>,
        %swap3A_207 = vector.shape_cast %swap3A_206 : vector<1x16xf32> to vector<16xf32>
        %swap3A_208 = vector.shape_cast %get3A_203 : vector<16xf32> to vector<1x16xf32>
        tpu.vector_store %arg11[%swap3A_204, %swap3A_205], %swap3A_208 {strides = array<i32>} : memref<128x64xf32, #tpu.memory_space<vmem>>, vector<1x16xf32>,
        %scan3A_209 = arith.constant 1 : i32
        %scan3A_210 = arith.addi %scan3A_170, %scan3A_209 : i32
        %mul3A_211 = arith.constant 1 : i32
        %mul3A_212 = arith.muli %scan3A_210, %mul3A_211 : i32
        %add3A_213 = arith.constant 0 : i32
        %add3A_214 = arith.addi %add3A_213, %mul3A_212 : i32
        %get3A_215 = arith.index_cast %add3A_214 : i32 to index
        %get3A_216 = arith.constant 0 : index
        %get3A_217 = tpu.vector_load %arg7[%get3A_215, %get3A_216] {strides = array<i32>} : memref<128x128xf32, #tpu.memory_space<vmem>>, vector<1x16xf32>,
        %get3A_218 = vector.shape_cast %get3A_217 : vector<1x16xf32> to vector<16xf32>
        %swap3A_219 = arith.index_cast %add3A_214 : i32 to index
        %swap3A_220 = arith.constant 0 : index
        %swap3A_221 = tpu.vector_load %arg11[%swap3A_219, %swap3A_220] {strides = array<i32>} : memref<128x64xf32, #tpu.memory_space<vmem>>, vector<1x16xf32>,
        %swap3A_222 = vector.shape_cast %swap3A_221 : vector<1x16xf32> to vector<16xf32>
        %swap3A_223 = vector.shape_cast %get3A_218 : vector<16xf32> to vector<1x16xf32>
        tpu.vector_store %arg11[%swap3A_219, %swap3A_220], %swap3A_223 {strides = array<i32>} : memref<128x64xf32, #tpu.memory_space<vmem>>, vector<1x16xf32>,
        %get3A_224 = arith.index_cast %add3A_214 : i32 to index
        %get3A_225 = arith.constant 16 : index
        %get3A_226 = tpu.vector_load %arg7[%get3A_224, %get3A_225] {strides = array<i32>} : memref<128x128xf32, #tpu.memory_space<vmem>>, vector<1x16xf32>,
        %get3A_227 = vector.shape_cast %get3A_226 : vector<1x16xf32> to vector<16xf32>
        %swap3A_228 = arith.index_cast %add3A_214 : i32 to index
        %swap3A_229 = arith.constant 16 : index
        %swap3A_230 = tpu.vector_load %arg11[%swap3A_228, %swap3A_229] {strides = array<i32>} : memref<128x64xf32, #tpu.memory_space<vmem>>, vector<1x16xf32>,
        %swap3A_231 = vector.shape_cast %swap3A_230 : vector<1x16xf32> to vector<16xf32>
        %swap3A_232 = vector.shape_cast %get3A_227 : vector<16xf32> to vector<1x16xf32>
        tpu.vector_store %arg11[%swap3A_228, %swap3A_229], %swap3A_232 {strides = array<i32>} : memref<128x64xf32, #tpu.memory_space<vmem>>, vector<1x16xf32>,
        %get3A_233 = arith.index_cast %add3A_214 : i32 to index
        %get3A_234 = arith.constant 32 : index
        %get3A_235 = tpu.vector_load %arg7[%get3A_233, %get3A_234] {strides = array<i32>} : memref<128x128xf32, #tpu.memory_space<vmem>>, vector<1x16xf32>,
        %get3A_236 = vector.shape_cast %get3A_235 : vector<1x16xf32> to vector<16xf32>
        %swap3A_237 = arith.index_cast %add3A_214 : i32 to index
        %swap3A_238 = arith.constant 32 : index
        %swap3A_239 = tpu.vector_load %arg11[%swap3A_237, %swap3A_238] {strides = array<i32>} : memref<128x64xf32, #tpu.memory_space<vmem>>, vector<1x16xf32>,
        %swap3A_240 = vector.shape_cast %swap3A_239 : vector<1x16xf32> to vector<16xf32>
        %swap3A_241 = vector.shape_cast %get3A_236 : vector<16xf32> to vector<1x16xf32>
        tpu.vector_store %arg11[%swap3A_237, %swap3A_238], %swap3A_241 {strides = array<i32>} : memref<128x64xf32, #tpu.memory_space<vmem>>, vector<1x16xf32>,
        %get3A_242 = arith.index_cast %add3A_214 : i32 to index
        %get3A_243 = arith.constant 48 : index
        %get3A_244 = tpu.vector_load %arg7[%get3A_242, %get3A_243] {strides = array<i32>} : memref<128x128xf32, #tpu.memory_space<vmem>>, vector<1x16xf32>,
        %get3A_245 = vector.shape_cast %get3A_244 : vector<1x16xf32> to vector<16xf32>
        %swap3A_246 = arith.index_cast %add3A_214 : i32 to index
        %swap3A_247 = arith.constant 48 : index
        %swap3A_248 = tpu.vector_load %arg11[%swap3A_246, %swap3A_247] {strides = array<i32>} : memref<128x64xf32, #tpu.memory_space<vmem>>, vector<1x16xf32>,
        %swap3A_249 = vector.shape_cast %swap3A_248 : vector<1x16xf32> to vector<16xf32>
        %swap3A_250 = vector.shape_cast %get3A_245 : vector<16xf32> to vector<1x16xf32>
        tpu.vector_store %arg11[%swap3A_246, %swap3A_247], %swap3A_250 {strides = array<i32>} : memref<128x64xf32, #tpu.memory_space<vmem>>, vector<1x16xf32>,
        %scan3A_251 = arith.constant 2 : i32
        %scan3A_252 = arith.addi %scan3A_170, %scan3A_251 : i32
        %mul3A_253 = arith.constant 1 : i32
        %mul3A_254 = arith.muli %scan3A_252, %mul3A_253 : i32
        %add3A_255 = arith.constant 0 : i32
        %add3A_256 = arith.addi %add3A_255, %mul3A_254 : i32
        %get3A_257 = arith.index_cast %add3A_256 : i32 to index
        %get3A_258 = arith.constant 0 : index
        %get3A_259 = tpu.vector_load %arg7[%get3A_257, %get3A_258] {strides = array<i32>} : memref<128x128xf32, #tpu.memory_space<vmem>>, vector<1x16xf32>,
        %get3A_260 = vector.shape_cast %get3A_259 : vector<1x16xf32> to vector<16xf32>
        %swap3A_261 = arith.index_cast %add3A_256 : i32 to index
        %swap3A_262 = arith.constant 0 : index
        %swap3A_263 = tpu.vector_load %arg11[%swap3A_261, %swap3A_262] {strides = array<i32>} : memref<128x64xf32, #tpu.memory_space<vmem>>, vector<1x16xf32>,
        %swap3A_264 = vector.shape_cast %swap3A_263 : vector<1x16xf32> to vector<16xf32>
        %swap3A_265 = vector.shape_cast %get3A_260 : vector<16xf32> to vector<1x16xf32>
        tpu.vector_store %arg11[%swap3A_261, %swap3A_262], %swap3A_265 {strides = array<i32>} : memref<128x64xf32, #tpu.memory_space<vmem>>, vector<1x16xf32>,
        %get3A_266 = arith.index_cast %add3A_256 : i32 to index
        %get3A_267 = arith.constant 16 : index
        %get3A_268 = tpu.vector_load %arg7[%get3A_266, %get3A_267] {strides = array<i32>} : memref<128x128xf32, #tpu.memory_space<vmem>>, vector<1x16xf32>,
        %get3A_269 = vector.shape_cast %get3A_268 : vector<1x16xf32> to vector<16xf32>
        %swap3A_270 = arith.index_cast %add3A_256 : i32 to index
        %swap3A_271 = arith.constant 16 : index
        %swap3A_272 = tpu.vector_load %arg11[%swap3A_270, %swap3A_271] {strides = array<i32>} : memref<128x64xf32, #tpu.memory_space<vmem>>, vector<1x16xf32>,
        %swap3A_273 = vector.shape_cast %swap3A_272 : vector<1x16xf32> to vector<16xf32>
        %swap3A_274 = vector.shape_cast %get3A_269 : vector<16xf32> to vector<1x16xf32>
        tpu.vector_store %arg11[%swap3A_270, %swap3A_271], %swap3A_274 {strides = array<i32>} : memref<128x64xf32, #tpu.memory_space<vmem>>, vector<1x16xf32>,
        %get3A_275 = arith.index_cast %add3A_256 : i32 to index
        %get3A_276 = arith.constant 32 : index
        %get3A_277 = tpu.vector_load %arg7[%get3A_275, %get3A_276] {strides = array<i32>} : memref<128x128xf32, #tpu.memory_space<vmem>>, vector<1x16xf32>,
        %get3A_278 = vector.shape_cast %get3A_277 : vector<1x16xf32> to vector<16xf32>
        %swap3A_279 = arith.index_cast %add3A_256 : i32 to index
        %swap3A_280 = arith.constant 32 : index
        %swap3A_281 = tpu.vector_load %arg11[%swap3A_279, %swap3A_280] {strides = array<i32>} : memref<128x64xf32, #tpu.memory_space<vmem>>, vector<1x16xf32>,
        %swap3A_282 = vector.shape_cast %swap3A_281 : vector<1x16xf32> to vector<16xf32>
        %swap3A_283 = vector.shape_cast %get3A_278 : vector<16xf32> to vector<1x16xf32>
        tpu.vector_store %arg11[%swap3A_279, %swap3A_280], %swap3A_283 {strides = array<i32>} : memref<128x64xf32, #tpu.memory_space<vmem>>, vector<1x16xf32>,
        %get3A_284 = arith.index_cast %add3A_256 : i32 to index
        %get3A_285 = arith.constant 48 : index
        %get3A_286 = tpu.vector_load %arg7[%get3A_284, %get3A_285] {strides = array<i32>} : memref<128x128xf32, #tpu.memory_space<vmem>>, vector<1x16xf32>,
        %get3A_287 = vector.shape_cast %get3A_286 : vector<1x16xf32> to vector<16xf32>
        %swap3A_288 = arith.index_cast %add3A_256 : i32 to index
        %swap3A_289 = arith.constant 48 : index
        %swap3A_290 = tpu.vector_load %arg11[%swap3A_288, %swap3A_289] {strides = array<i32>} : memref<128x64xf32, #tpu.memory_space<vmem>>, vector<1x16xf32>,
        %swap3A_291 = vector.shape_cast %swap3A_290 : vector<1x16xf32> to vector<16xf32>
        %swap3A_292 = vector.shape_cast %get3A_287 : vector<16xf32> to vector<1x16xf32>
        tpu.vector_store %arg11[%swap3A_288, %swap3A_289], %swap3A_292 {strides = array<i32>} : memref<128x64xf32, #tpu.memory_space<vmem>>, vector<1x16xf32>,
        %scan3A_293 = arith.constant 3 : i32
        %scan3A_294 = arith.addi %scan3A_170, %scan3A_293 : i32
        %mul3A_295 = arith.constant 1 : i32
        %mul3A_296 = arith.muli %scan3A_294, %mul3A_295 : i32
        %add3A_297 = arith.constant 0 : i32
        %add3A_298 = arith.addi %add3A_297, %mul3A_296 : i32
        %get3A_299 = arith.index_cast %add3A_298 : i32 to index
        %get3A_300 = arith.constant 0 : index
        %get3A_301 = tpu.vector_load %arg7[%get3A_299, %get3A_300] {strides = array<i32>} : memref<128x128xf32, #tpu.memory_space<vmem>>, vector<1x16xf32>,
        %get3A_302 = vector.shape_cast %get3A_301 : vector<1x16xf32> to vector<16xf32>
        %swap3A_303 = arith.index_cast %add3A_298 : i32 to index
        %swap3A_304 = arith.constant 0 : index
        %swap3A_305 = tpu.vector_load %arg11[%swap3A_303, %swap3A_304] {strides = array<i32>} : memref<128x64xf32, #tpu.memory_space<vmem>>, vector<1x16xf32>,
        %swap3A_306 = vector.shape_cast %swap3A_305 : vector<1x16xf32> to vector<16xf32>
        %swap3A_307 = vector.shape_cast %get3A_302 : vector<16xf32> to vector<1x16xf32>
        tpu.vector_store %arg11[%swap3A_303, %swap3A_304], %swap3A_307 {strides = array<i32>} : memref<128x64xf32, #tpu.memory_space<vmem>>, vector<1x16xf32>,
        %get3A_308 = arith.index_cast %add3A_298 : i32 to index
        %get3A_309 = arith.constant 16 : index
        %get3A_310 = tpu.vector_load %arg7[%get3A_308, %get3A_309] {strides = array<i32>} : memref<128x128xf32, #tpu.memory_space<vmem>>, vector<1x16xf32>,
        %get3A_311 = vector.shape_cast %get3A_310 : vector<1x16xf32> to vector<16xf32>
        %swap3A_312 = arith.index_cast %add3A_298 : i32 to index
        %swap3A_313 = arith.constant 16 : index
        %swap3A_314 = tpu.vector_load %arg11[%swap3A_312, %swap3A_313] {strides = array<i32>} : memref<128x64xf32, #tpu.memory_space<vmem>>, vector<1x16xf32>,
        %swap3A_315 = vector.shape_cast %swap3A_314 : vector<1x16xf32> to vector<16xf32>
        %swap3A_316 = vector.shape_cast %get3A_311 : vector<16xf32> to vector<1x16xf32>
        tpu.vector_store %arg11[%swap3A_312, %swap3A_313], %swap3A_316 {strides = array<i32>} : memref<128x64xf32, #tpu.memory_space<vmem>>, vector<1x16xf32>,
        %get3A_317 = arith.index_cast %add3A_298 : i32 to index
        %get3A_318 = arith.constant 32 : index
        %get3A_319 = tpu.vector_load %arg7[%get3A_317, %get3A_318] {strides = array<i32>} : memref<128x128xf32, #tpu.memory_space<vmem>>, vector<1x16xf32>,
        %get3A_320 = vector.shape_cast %get3A_319 : vector<1x16xf32> to vector<16xf32>
        %swap3A_321 = arith.index_cast %add3A_298 : i32 to index
        %swap3A_322 = arith.constant 32 : index
        %swap3A_323 = tpu.vector_load %arg11[%swap3A_321, %swap3A_322] {strides = array<i32>} : memref<128x64xf32, #tpu.memory_space<vmem>>, vector<1x16xf32>,
        %swap3A_324 = vector.shape_cast %swap3A_323 : vector<1x16xf32> to vector<16xf32>
        %swap3A_325 = vector.shape_cast %get3A_320 : vector<16xf32> to vector<1x16xf32>
        tpu.vector_store %arg11[%swap3A_321, %swap3A_322], %swap3A_325 {strides = array<i32>} : memref<128x64xf32, #tpu.memory_space<vmem>>, vector<1x16xf32>,
        %get3A_326 = arith.index_cast %add3A_298 : i32 to index
        %get3A_327 = arith.constant 48 : index
        %get3A_328 = tpu.vector_load %arg7[%get3A_326, %get3A_327] {strides = array<i32>} : memref<128x128xf32, #tpu.memory_space<vmem>>, vector<1x16xf32>,
        %get3A_329 = vector.shape_cast %get3A_328 : vector<1x16xf32> to vector<16xf32>
        %swap3A_330 = arith.index_cast %add3A_298 : i32 to index
        %swap3A_331 = arith.constant 48 : index
        %swap3A_332 = tpu.vector_load %arg11[%swap3A_330, %swap3A_331] {strides = array<i32>} : memref<128x64xf32, #tpu.memory_space<vmem>>, vector<1x16xf32>,
        %swap3A_333 = vector.shape_cast %swap3A_332 : vector<1x16xf32> to vector<16xf32>
        %swap3A_334 = vector.shape_cast %get3A_329 : vector<16xf32> to vector<1x16xf32>
        tpu.vector_store %arg11[%swap3A_330, %swap3A_331], %swap3A_334 {strides = array<i32>} : memref<128x64xf32, #tpu.memory_space<vmem>>, vector<1x16xf32>,
        %scan3A_335 = arith.constant 4 : i32
        %scan3A_336 = arith.addi %scan3A_170, %scan3A_335 : i32
        %mul3A_337 = arith.constant 1 : i32
        %mul3A_338 = arith.muli %scan3A_336, %mul3A_337 : i32
        %add3A_339 = arith.constant 0 : i32
        %add3A_340 = arith.addi %add3A_339, %mul3A_338 : i32
        %get3A_341 = arith.index_cast %add3A_340 : i32 to index
        %get3A_342 = arith.constant 0 : index
        %get3A_343 = tpu.vector_load %arg7[%get3A_341, %get3A_342] {strides = array<i32>} : memref<128x128xf32, #tpu.memory_space<vmem>>, vector<1x16xf32>,
        %get3A_344 = vector.shape_cast %get3A_343 : vector<1x16xf32> to vector<16xf32>
        %swap3A_345 = arith.index_cast %add3A_340 : i32 to index
        %swap3A_346 = arith.constant 0 : index
        %swap3A_347 = tpu.vector_load %arg11[%swap3A_345, %swap3A_346] {strides = array<i32>} : memref<128x64xf32, #tpu.memory_space<vmem>>, vector<1x16xf32>,
        %swap3A_348 = vector.shape_cast %swap3A_347 : vector<1x16xf32> to vector<16xf32>
        %swap3A_349 = vector.shape_cast %get3A_344 : vector<16xf32> to vector<1x16xf32>
        tpu.vector_store %arg11[%swap3A_345, %swap3A_346], %swap3A_349 {strides = array<i32>} : memref<128x64xf32, #tpu.memory_space<vmem>>, vector<1x16xf32>,
        %get3A_350 = arith.index_cast %add3A_340 : i32 to index
        %get3A_351 = arith.constant 16 : index
        %get3A_352 = tpu.vector_load %arg7[%get3A_350, %get3A_351] {strides = array<i32>} : memref<128x128xf32, #tpu.memory_space<vmem>>, vector<1x16xf32>,
        %get3A_353 = vector.shape_cast %get3A_352 : vector<1x16xf32> to vector<16xf32>
        %swap3A_354 = arith.index_cast %add3A_340 : i32 to index
        %swap3A_355 = arith.constant 16 : index
        %swap3A_356 = tpu.vector_load %arg11[%swap3A_354, %swap3A_355] {strides = array<i32>} : memref<128x64xf32, #tpu.memory_space<vmem>>, vector<1x16xf32>,
        %swap3A_357 = vector.shape_cast %swap3A_356 : vector<1x16xf32> to vector<16xf32>
        %swap3A_358 = vector.shape_cast %get3A_353 : vector<16xf32> to vector<1x16xf32>
        tpu.vector_store %arg11[%swap3A_354, %swap3A_355], %swap3A_358 {strides = array<i32>} : memref<128x64xf32, #tpu.memory_space<vmem>>, vector<1x16xf32>,
        %get3A_359 = arith.index_cast %add3A_340 : i32 to index
        %get3A_360 = arith.constant 32 : index
        %get3A_361 = tpu.vector_load %arg7[%get3A_359, %get3A_360] {strides = array<i32>} : memref<128x128xf32, #tpu.memory_space<vmem>>, vector<1x16xf32>,
        %get3A_362 = vector.shape_cast %get3A_361 : vector<1x16xf32> to vector<16xf32>
        %swap3A_363 = arith.index_cast %add3A_340 : i32 to index
        %swap3A_364 = arith.constant 32 : index
        %swap3A_365 = tpu.vector_load %arg11[%swap3A_363, %swap3A_364] {strides = array<i32>} : memref<128x64xf32, #tpu.memory_space<vmem>>, vector<1x16xf32>,
        %swap3A_366 = vector.shape_cast %swap3A_365 : vector<1x16xf32> to vector<16xf32>
        %swap3A_367 = vector.shape_cast %get3A_362 : vector<16xf32> to vector<1x16xf32>
        tpu.vector_store %arg11[%swap3A_363, %swap3A_364], %swap3A_367 {strides = array<i32>} : memref<128x64xf32, #tpu.memory_space<vmem>>, vector<1x16xf32>,
        %get3A_368 = arith.index_cast %add3A_340 : i32 to index
        %get3A_369 = arith.constant 48 : index
        %get3A_370 = tpu.vector_load %arg7[%get3A_368, %get3A_369] {strides = array<i32>} : memref<128x128xf32, #tpu.memory_space<vmem>>, vector<1x16xf32>,
        %get3A_371 = vector.shape_cast %get3A_370 : vector<1x16xf32> to vector<16xf32>
        %swap3A_372 = arith.index_cast %add3A_340 : i32 to index
        %swap3A_373 = arith.constant 48 : index
        %swap3A_374 = tpu.vector_load %arg11[%swap3A_372, %swap3A_373] {strides = array<i32>} : memref<128x64xf32, #tpu.memory_space<vmem>>, vector<1x16xf32>,
        %swap3A_375 = vector.shape_cast %swap3A_374 : vector<1x16xf32> to vector<16xf32>
        %swap3A_376 = vector.shape_cast %get3A_371 : vector<16xf32> to vector<1x16xf32>
        tpu.vector_store %arg11[%swap3A_372, %swap3A_373], %swap3A_376 {strides = array<i32>} : memref<128x64xf32, #tpu.memory_space<vmem>>, vector<1x16xf32>,
        %scan3A_377 = arith.constant 5 : i32
        %scan3A_378 = arith.addi %scan3A_170, %scan3A_377 : i32
        %mul3A_379 = arith.constant 1 : i32
        %mul3A_380 = arith.muli %scan3A_378, %mul3A_379 : i32
        %add3A_381 = arith.constant 0 : i32
        %add3A_382 = arith.addi %add3A_381, %mul3A_380 : i32
        %get3A_383 = arith.index_cast %add3A_382 : i32 to index
        %get3A_384 = arith.constant 0 : index
        %get3A_385 = tpu.vector_load %arg7[%get3A_383, %get3A_384] {strides = array<i32>} : memref<128x128xf32, #tpu.memory_space<vmem>>, vector<1x16xf32>,
        %get3A_386 = vector.shape_cast %get3A_385 : vector<1x16xf32> to vector<16xf32>
        %swap3A_387 = arith.index_cast %add3A_382 : i32 to index
        %swap3A_388 = arith.constant 0 : index
        %swap3A_389 = tpu.vector_load %arg11[%swap3A_387, %swap3A_388] {strides = array<i32>} : memref<128x64xf32, #tpu.memory_space<vmem>>, vector<1x16xf32>,
        %swap3A_390 = vector.shape_cast %swap3A_389 : vector<1x16xf32> to vector<16xf32>
        %swap3A_391 = vector.shape_cast %get3A_386 : vector<16xf32> to vector<1x16xf32>
        tpu.vector_store %arg11[%swap3A_387, %swap3A_388], %swap3A_391 {strides = array<i32>} : memref<128x64xf32, #tpu.memory_space<vmem>>, vector<1x16xf32>,
        %get3A_392 = arith.index_cast %add3A_382 : i32 to index
        %get3A_393 = arith.constant 16 : index
        %get3A_394 = tpu.vector_load %arg7[%get3A_392, %get3A_393] {strides = array<i32>} : memref<128x128xf32, #tpu.memory_space<vmem>>, vector<1x16xf32>,
        %get3A_395 = vector.shape_cast %get3A_394 : vector<1x16xf32> to vector<16xf32>
        %swap3A_396 = arith.index_cast %add3A_382 : i32 to index
        %swap3A_397 = arith.constant 16 : index
        %swap3A_398 = tpu.vector_load %arg11[%swap3A_396, %swap3A_397] {strides = array<i32>} : memref<128x64xf32, #tpu.memory_space<vmem>>, vector<1x16xf32>,
        %swap3A_399 = vector.shape_cast %swap3A_398 : vector<1x16xf32> to vector<16xf32>
        %swap3A_400 = vector.shape_cast %get3A_395 : vector<16xf32> to vector<1x16xf32>
        tpu.vector_store %arg11[%swap3A_396, %swap3A_397], %swap3A_400 {strides = array<i32>} : memref<128x64xf32, #tpu.memory_space<vmem>>, vector<1x16xf32>,
        %get3A_401 = arith.index_cast %add3A_382 : i32 to index
        %get3A_402 = arith.constant 32 : index
        %get3A_403 = tpu.vector_load %arg7[%get3A_401, %get3A_402] {strides = array<i32>} : memref<128x128xf32, #tpu.memory_space<vmem>>, vector<1x16xf32>,
        %get3A_404 = vector.shape_cast %get3A_403 : vector<1x16xf32> to vector<16xf32>
        %swap3A_405 = arith.index_cast %add3A_382 : i32 to index
        %swap3A_406 = arith.constant 32 : index
        %swap3A_407 = tpu.vector_load %arg11[%swap3A_405, %swap3A_406] {strides = array<i32>} : memref<128x64xf32, #tpu.memory_space<vmem>>, vector<1x16xf32>,
        %swap3A_408 = vector.shape_cast %swap3A_407 : vector<1x16xf32> to vector<16xf32>
        %swap3A_409 = vector.shape_cast %get3A_404 : vector<16xf32> to vector<1x16xf32>
        tpu.vector_store %arg11[%swap3A_405, %swap3A_406], %swap3A_409 {strides = array<i32>} : memref<128x64xf32, #tpu.memory_space<vmem>>, vector<1x16xf32>,
        %get3A_410 = arith.index_cast %add3A_382 : i32 to index
        %get3A_411 = arith.constant 48 : index
        %get3A_412 = tpu.vector_load %arg7[%get3A_410, %get3A_411] {strides = array<i32>} : memref<128x128xf32, #tpu.memory_space<vmem>>, vector<1x16xf32>,
        %get3A_413 = vector.shape_cast %get3A_412 : vector<1x16xf32> to vector<16xf32>
        %swap3A_414 = arith.index_cast %add3A_382 : i32 to index
        %swap3A_415 = arith.constant 48 : index
        %swap3A_416 = tpu.vector_load %arg11[%swap3A_414, %swap3A_415] {strides = array<i32>} : memref<128x64xf32, #tpu.memory_space<vmem>>, vector<1x16xf32>,
        %swap3A_417 = vector.shape_cast %swap3A_416 : vector<1x16xf32> to vector<16xf32>
        %swap3A_418 = vector.shape_cast %get3A_413 : vector<16xf32> to vector<1x16xf32>
        tpu.vector_store %arg11[%swap3A_414, %swap3A_415], %swap3A_418 {strides = array<i32>} : memref<128x64xf32, #tpu.memory_space<vmem>>, vector<1x16xf32>,
        %scan3A_419 = arith.constant 6 : i32
        %scan3A_420 = arith.addi %scan3A_170, %scan3A_419 : i32
        %mul3A_421 = arith.constant 1 : i32
        %mul3A_422 = arith.muli %scan3A_420, %mul3A_421 : i32
        %add3A_423 = arith.constant 0 : i32
        %add3A_424 = arith.addi %add3A_423, %mul3A_422 : i32
        %get3A_425 = arith.index_cast %add3A_424 : i32 to index
        %get3A_426 = arith.constant 0 : index
        %get3A_427 = tpu.vector_load %arg7[%get3A_425, %get3A_426] {strides = array<i32>} : memref<128x128xf32, #tpu.memory_space<vmem>>, vector<1x16xf32>,
        %get3A_428 = vector.shape_cast %get3A_427 : vector<1x16xf32> to vector<16xf32>
        %swap3A_429 = arith.index_cast %add3A_424 : i32 to index
        %swap3A_430 = arith.constant 0 : index
        %swap3A_431 = tpu.vector_load %arg11[%swap3A_429, %swap3A_430] {strides = array<i32>} : memref<128x64xf32, #tpu.memory_space<vmem>>, vector<1x16xf32>,
        %swap3A_432 = vector.shape_cast %swap3A_431 : vector<1x16xf32> to vector<16xf32>
        %swap3A_433 = vector.shape_cast %get3A_428 : vector<16xf32> to vector<1x16xf32>
        tpu.vector_store %arg11[%swap3A_429, %swap3A_430], %swap3A_433 {strides = array<i32>} : memref<128x64xf32, #tpu.memory_space<vmem>>, vector<1x16xf32>,
        %get3A_434 = arith.index_cast %add3A_424 : i32 to index
        %get3A_435 = arith.constant 16 : index
        %get3A_436 = tpu.vector_load %arg7[%get3A_434, %get3A_435] {strides = array<i32>} : memref<128x128xf32, #tpu.memory_space<vmem>>, vector<1x16xf32>,
        %get3A_437 = vector.shape_cast %get3A_436 : vector<1x16xf32> to vector<16xf32>
        %swap3A_438 = arith.index_cast %add3A_424 : i32 to index
        %swap3A_439 = arith.constant 16 : index
        %swap3A_440 = tpu.vector_load %arg11[%swap3A_438, %swap3A_439] {strides = array<i32>} : memref<128x64xf32, #tpu.memory_space<vmem>>, vector<1x16xf32>,
        %swap3A_441 = vector.shape_cast %swap3A_440 : vector<1x16xf32> to vector<16xf32>
        %swap3A_442 = vector.shape_cast %get3A_437 : vector<16xf32> to vector<1x16xf32>
        tpu.vector_store %arg11[%swap3A_438, %swap3A_439], %swap3A_442 {strides = array<i32>} : memref<128x64xf32, #tpu.memory_space<vmem>>, vector<1x16xf32>,
        %get3A_443 = arith.index_cast %add3A_424 : i32 to index
        %get3A_444 = arith.constant 32 : index
        %get3A_445 = tpu.vector_load %arg7[%get3A_443, %get3A_444] {strides = array<i32>} : memref<128x128xf32, #tpu.memory_space<vmem>>, vector<1x16xf32>,
        %get3A_446 = vector.shape_cast %get3A_445 : vector<1x16xf32> to vector<16xf32>
        %swap3A_447 = arith.index_cast %add3A_424 : i32 to index
        %swap3A_448 = arith.constant 32 : index
        %swap3A_449 = tpu.vector_load %arg11[%swap3A_447, %swap3A_448] {strides = array<i32>} : memref<128x64xf32, #tpu.memory_space<vmem>>, vector<1x16xf32>,
        %swap3A_450 = vector.shape_cast %swap3A_449 : vector<1x16xf32> to vector<16xf32>
        %swap3A_451 = vector.shape_cast %get3A_446 : vector<16xf32> to vector<1x16xf32>
        tpu.vector_store %arg11[%swap3A_447, %swap3A_448], %swap3A_451 {strides = array<i32>} : memref<128x64xf32, #tpu.memory_space<vmem>>, vector<1x16xf32>,
        %get3A_452 = arith.index_cast %add3A_424 : i32 to index
        %get3A_453 = arith.constant 48 : index
        %get3A_454 = tpu.vector_load %arg7[%get3A_452, %get3A_453] {strides = array<i32>} : memref<128x128xf32, #tpu.memory_space<vmem>>, vector<1x16xf32>,
        %get3A_455 = vector.shape_cast %get3A_454 : vector<1x16xf32> to vector<16xf32>
        %swap3A_456 = arith.index_cast %add3A_424 : i32 to index
        %swap3A_457 = arith.constant 48 : index
        %swap3A_458 = tpu.vector_load %arg11[%swap3A_456, %swap3A_457] {strides = array<i32>} : memref<128x64xf32, #tpu.memory_space<vmem>>, vector<1x16xf32>,
        %swap3A_459 = vector.shape_cast %swap3A_458 : vector<1x16xf32> to vector<16xf32>
        %swap3A_460 = vector.shape_cast %get3A_455 : vector<16xf32> to vector<1x16xf32>
        tpu.vector_store %arg11[%swap3A_456, %swap3A_457], %swap3A_460 {strides = array<i32>} : memref<128x64xf32, #tpu.memory_space<vmem>>, vector<1x16xf32>,
        %scan3A_461 = arith.constant 7 : i32
        %scan3A_462 = arith.addi %scan3A_170, %scan3A_461 : i32
        %mul3A_463 = arith.constant 1 : i32
        %mul3A_464 = arith.muli %scan3A_462, %mul3A_463 : i32
        %add3A_465 = arith.constant 0 : i32
        %add3A_466 = arith.addi %add3A_465, %mul3A_464 : i32
        %get3A_467 = arith.index_cast %add3A_466 : i32 to index
        %get3A_468 = arith.constant 0 : index
        %get3A_469 = tpu.vector_load %arg7[%get3A_467, %get3A_468] {strides = array<i32>} : memref<128x128xf32, #tpu.memory_space<vmem>>, vector<1x16xf32>,
        %get3A_470 = vector.shape_cast %get3A_469 : vector<1x16xf32> to vector<16xf32>
        %swap3A_471 = arith.index_cast %add3A_466 : i32 to index
        %swap3A_472 = arith.constant 0 : index
        %swap3A_473 = tpu.vector_load %arg11[%swap3A_471, %swap3A_472] {strides = array<i32>} : memref<128x64xf32, #tpu.memory_space<vmem>>, vector<1x16xf32>,
        %swap3A_474 = vector.shape_cast %swap3A_473 : vector<1x16xf32> to vector<16xf32>
        %swap3A_475 = vector.shape_cast %get3A_470 : vector<16xf32> to vector<1x16xf32>
        tpu.vector_store %arg11[%swap3A_471, %swap3A_472], %swap3A_475 {strides = array<i32>} : memref<128x64xf32, #tpu.memory_space<vmem>>, vector<1x16xf32>,
        %get3A_476 = arith.index_cast %add3A_466 : i32 to index
        %get3A_477 = arith.constant 16 : index
        %get3A_478 = tpu.vector_load %arg7[%get3A_476, %get3A_477] {strides = array<i32>} : memref<128x128xf32, #tpu.memory_space<vmem>>, vector<1x16xf32>,
        %get3A_479 = vector.shape_cast %get3A_478 : vector<1x16xf32> to vector<16xf32>
        %swap3A_480 = arith.index_cast %add3A_466 : i32 to index
        %swap3A_481 = arith.constant 16 : index
        %swap3A_482 = tpu.vector_load %arg11[%swap3A_480, %swap3A_481] {strides = array<i32>} : memref<128x64xf32, #tpu.memory_space<vmem>>, vector<1x16xf32>,
        %swap3A_483 = vector.shape_cast %swap3A_482 : vector<1x16xf32> to vector<16xf32>
        %swap3A_484 = vector.shape_cast %get3A_479 : vector<16xf32> to vector<1x16xf32>
        tpu.vector_store %arg11[%swap3A_480, %swap3A_481], %swap3A_484 {strides = array<i32>} : memref<128x64xf32, #tpu.memory_space<vmem>>, vector<1x16xf32>,
        %get3A_485 = arith.index_cast %add3A_466 : i32 to index
        %get3A_486 = arith.constant 32 : index
        %get3A_487 = tpu.vector_load %arg7[%get3A_485, %get3A_486] {strides = array<i32>} : memref<128x128xf32, #tpu.memory_space<vmem>>, vector<1x16xf32>,
        %get3A_488 = vector.shape_cast %get3A_487 : vector<1x16xf32> to vector<16xf32>
        %swap3A_489 = arith.index_cast %add3A_466 : i32 to index
        %swap3A_490 = arith.constant 32 : index
        %swap3A_491 = tpu.vector_load %arg11[%swap3A_489, %swap3A_490] {strides = array<i32>} : memref<128x64xf32, #tpu.memory_space<vmem>>, vector<1x16xf32>,
        %swap3A_492 = vector.shape_cast %swap3A_491 : vector<1x16xf32> to vector<16xf32>
        %swap3A_493 = vector.shape_cast %get3A_488 : vector<16xf32> to vector<1x16xf32>
        tpu.vector_store %arg11[%swap3A_489, %swap3A_490], %swap3A_493 {strides = array<i32>} : memref<128x64xf32, #tpu.memory_space<vmem>>, vector<1x16xf32>,
        %get3A_494 = arith.index_cast %add3A_466 : i32 to index
        %get3A_495 = arith.constant 48 : index
        %get3A_496 = tpu.vector_load %arg7[%get3A_494, %get3A_495] {strides = array<i32>} : memref<128x128xf32, #tpu.memory_space<vmem>>, vector<1x16xf32>,
        %get3A_497 = vector.shape_cast %get3A_496 : vector<1x16xf32> to vector<16xf32>
        %swap3A_498 = arith.index_cast %add3A_466 : i32 to index
        %swap3A_499 = arith.constant 48 : index
        %swap3A_500 = tpu.vector_load %arg11[%swap3A_498, %swap3A_499] {strides = array<i32>} : memref<128x64xf32, #tpu.memory_space<vmem>>, vector<1x16xf32>,
        %swap3A_501 = vector.shape_cast %swap3A_500 : vector<1x16xf32> to vector<16xf32>
        %swap3A_502 = vector.shape_cast %get3A_497 : vector<16xf32> to vector<1x16xf32>
        tpu.vector_store %arg11[%swap3A_498, %swap3A_499], %swap3A_502 {strides = array<i32>} : memref<128x64xf32, #tpu.memory_space<vmem>>, vector<1x16xf32>,
      }
      %scan3A_94 = arith.constant 128 : i32
      %mul3A_95 = arith.constant 128 : i32
      %mul3A_96 = arith.muli %add3A_71, %mul3A_95 : i32
      %add3A_97 = arith.addi %mul3A_2, %mul3A_96 : i32
      %dma_start3A_98 = arith.constant 0 : i32
      %dma_start3A_99 = tpu.memref_slice %arg4[%add3A_97, %dma_start3A_98] : memref<425984x64xf32, #tpu.memory_space<hbm>> -> memref<128x64xf32, #tpu.memory_space<hbm>>
      %dma_start3A_100 = arith.constant 0 : i32
      %dma_start3A_101 = tpu.memref_slice %arg4[%add3A_97, %dma_start3A_100] : memref<425984x64xf32, #tpu.memory_space<hbm>> -> memref<128x64xf32, #tpu.memory_space<hbm>>
      tpu.enqueue_dma source(%arg11 : memref<128x64xf32, #tpu.memory_space<vmem>>) target(%dma_start3A_101 : memref<128x64xf32, #tpu.memory_space<hbm>>) target_semaphore(%arg17 : memref<!tpu.dma_semaphore, #tpu.memory_space<semaphore_mem>>)
      %mul3A_102 = arith.constant 4 : i32
      %mul3A_103 = arith.muli %add3A_37, %mul3A_102 : i32
      %add3A_104 = arith.constant 2 : i32
      %add3A_105 = arith.addi %mul3A_103, %add3A_104 : i32
      %add3A_106 = arith.constant 2 : i32
      %add3A_107 = arith.addi %add3A_105, %add3A_106 : i32
      %lt3A_108 = arith.constant 104 : i32
      %lt3A_109 = arith.cmpi slt, %add3A_107, %lt3A_108 : i32
      %convert_element_type3A_110 = arith.extui %lt3A_109 : i1 to i32
      %cond3A_111 = arith.constant 0 : i32
      %cond3A_112 = arith.cmpi ne, %convert_element_type3A_110, %cond3A_111 : i32
      scf.if %cond3A_112 {
        %dma_start3A_170 = arith.constant 0 : i32
        %dma_start3A_171 = tpu.memref_slice %arg5[%add3A_107, %dma_start3A_170] : memref<104x128xi32, #tpu.memory_space<vmem>> -> memref<1x128xi32, #tpu.memory_space<vmem>>
        %dma_start3A_172 = tpu.memref_squeeze %dma_start3A_171 : memref<1x128xi32, #tpu.memory_space<vmem>> -> memref<128xi32, #tpu.memory_space<vmem>>
        %dma_start3A_173 = arith.constant 0 : i32
        %dma_start3A_174 = arith.constant 0 : i32
        %dma_start3A_175 = tpu.memref_slice %arg2[%dma_start3A_173, %dma_start3A_174] : memref<1664x128xf32, #tpu.memory_space<hbm>> -> memref<1664x128xf32, #tpu.memory_space<hbm>>
        tpu.enqueue_indirect_dma source(%dma_start3A_175 : memref<1664x128xf32, #tpu.memory_space<hbm>>) target(%arg6 : memref<128x128xf32, #tpu.memory_space<vmem>>) offsets(%dma_start3A_172 : memref<128xi32, #tpu.memory_space<vmem>>) semaphore(%arg12 : memref<!tpu.dma_semaphore, #tpu.memory_space<semaphore_mem>>)
      } else {
      }
      %dma_wait3A_113 = arith.constant 0 : i32
      %dma_wait3A_114 = arith.constant 0 : i32
      %dma_wait3A_115 = tpu.memref_slice %arg2[%dma_wait3A_113, %dma_wait3A_114] : memref<1664x128xf32, #tpu.memory_space<hbm>> -> memref<128x128xf32, #tpu.memory_space<hbm>>
      %dma_wait3A_116 = arith.constant 0 : i32
      %dma_wait3A_117 = arith.constant 0 : i32
      %dma_wait3A_118 = tpu.memref_slice %arg2[%dma_wait3A_116, %dma_wait3A_117] : memref<1664x128xf32, #tpu.memory_space<hbm>> -> memref<128x128xf32, #tpu.memory_space<hbm>>
      tpu.wait_dma2 semaphore(%arg14 : memref<!tpu.dma_semaphore, #tpu.memory_space<semaphore_mem>>) src(%dma_wait3A_118 : memref<128x128xf32, #tpu.memory_space<hbm>>) dst(%arg8 : memref<128x128xf32, #tpu.memory_space<vmem>>)
      %ge3A_119 = arith.constant 2 : i32
      %ge3A_120 = arith.cmpi sge, %add3A_105, %ge3A_119 : i32
      %convert_element_type3A_121 = arith.extui %ge3A_120 : i1 to i32
      %cond3A_122 = arith.constant 0 : i32
      %cond3A_123 = arith.cmpi ne, %convert_element_type3A_121, %cond3A_122 : i32
      scf.if %cond3A_123 {
        %dma_wait3A_170 = arith.constant 0 : i32
        %dma_wait3A_171 = arith.constant 0 : i32
        %dma_wait3A_172 = tpu.memref_slice %arg4[%dma_wait3A_170, %dma_wait3A_171] : memref<425984x64xf32, #tpu.memory_space<hbm>> -> memref<128x64xf32, #tpu.memory_space<hbm>>
        %dma_wait3A_173 = arith.constant 0 : i32
        %dma_wait3A_174 = arith.constant 0 : i32
        %dma_wait3A_175 = tpu.memref_slice %arg4[%dma_wait3A_173, %dma_wait3A_174] : memref<425984x64xf32, #tpu.memory_space<hbm>> -> memref<128x64xf32, #tpu.memory_space<hbm>>
        tpu.wait_dma2 semaphore(%arg16 : memref<!tpu.dma_semaphore, #tpu.memory_space<semaphore_mem>>) src(%arg10 : memref<128x64xf32, #tpu.memory_space<vmem>>) dst(%dma_wait3A_175 : memref<128x64xf32, #tpu.memory_space<hbm>>)
      } else {
      }
      %scan3A_124 = arith.constant 0 : i32
      %scan3A_125 = arith.constant 128 : i32
      %scan3A_126 = arith.addi %scan3A_124, %scan3A_125 : i32
      %scan3A_127 = arith.constant 8 : i32
      scf.for %scan3A_170 = %scan3A_124 to %scan3A_126 step %scan3A_127  : i32 {
        %mul3A_171 = arith.constant 1 : i32
        %mul3A_172 = arith.muli %scan3A_170, %mul3A_171 : i32
        %add3A_173 = arith.constant 0 : i32
        %add3A_174 = arith.addi %add3A_173, %mul3A_172 : i32
        %get3A = arith.index_cast %add3A_174 : i32 to index
        %get3A_175 = arith.constant 0 : index
        %get3A_176 = tpu.vector_load %arg8[%get3A, %get3A_175] {strides = array<i32>} : memref<128x128xf32, #tpu.memory_space<vmem>>, vector<1x16xf32>,
        %get3A_177 = vector.shape_cast %get3A_176 : vector<1x16xf32> to vector<16xf32>
        %swap3A = arith.index_cast %add3A_174 : i32 to index
        %swap3A_178 = arith.constant 0 : index
        %swap3A_179 = tpu.vector_load %arg10[%swap3A, %swap3A_178] {strides = array<i32>} : memref<128x64xf32, #tpu.memory_space<vmem>>, vector<1x16xf32>,
        %swap3A_180 = vector.shape_cast %swap3A_179 : vector<1x16xf32> to vector<16xf32>
        %swap3A_181 = vector.shape_cast %get3A_177 : vector<16xf32> to vector<1x16xf32>
        tpu.vector_store %arg10[%swap3A, %swap3A_178], %swap3A_181 {strides = array<i32>} : memref<128x64xf32, #tpu.memory_space<vmem>>, vector<1x16xf32>,
        %get3A_182 = arith.index_cast %add3A_174 : i32 to index
        %get3A_183 = arith.constant 16 : index
        %get3A_184 = tpu.vector_load %arg8[%get3A_182, %get3A_183] {strides = array<i32>} : memref<128x128xf32, #tpu.memory_space<vmem>>, vector<1x16xf32>,
        %get3A_185 = vector.shape_cast %get3A_184 : vector<1x16xf32> to vector<16xf32>
        %swap3A_186 = arith.index_cast %add3A_174 : i32 to index
        %swap3A_187 = arith.constant 16 : index
        %swap3A_188 = tpu.vector_load %arg10[%swap3A_186, %swap3A_187] {strides = array<i32>} : memref<128x64xf32, #tpu.memory_space<vmem>>, vector<1x16xf32>,
        %swap3A_189 = vector.shape_cast %swap3A_188 : vector<1x16xf32> to vector<16xf32>
        %swap3A_190 = vector.shape_cast %get3A_185 : vector<16xf32> to vector<1x16xf32>
        tpu.vector_store %arg10[%swap3A_186, %swap3A_187], %swap3A_190 {strides = array<i32>} : memref<128x64xf32, #tpu.memory_space<vmem>>, vector<1x16xf32>,
        %get3A_191 = arith.index_cast %add3A_174 : i32 to index
        %get3A_192 = arith.constant 32 : index
        %get3A_193 = tpu.vector_load %arg8[%get3A_191, %get3A_192] {strides = array<i32>} : memref<128x128xf32, #tpu.memory_space<vmem>>, vector<1x16xf32>,
        %get3A_194 = vector.shape_cast %get3A_193 : vector<1x16xf32> to vector<16xf32>
        %swap3A_195 = arith.index_cast %add3A_174 : i32 to index
        %swap3A_196 = arith.constant 32 : index
        %swap3A_197 = tpu.vector_load %arg10[%swap3A_195, %swap3A_196] {strides = array<i32>} : memref<128x64xf32, #tpu.memory_space<vmem>>, vector<1x16xf32>,
        %swap3A_198 = vector.shape_cast %swap3A_197 : vector<1x16xf32> to vector<16xf32>
        %swap3A_199 = vector.shape_cast %get3A_194 : vector<16xf32> to vector<1x16xf32>
        tpu.vector_store %arg10[%swap3A_195, %swap3A_196], %swap3A_199 {strides = array<i32>} : memref<128x64xf32, #tpu.memory_space<vmem>>, vector<1x16xf32>,
        %get3A_200 = arith.index_cast %add3A_174 : i32 to index
        %get3A_201 = arith.constant 48 : index
        %get3A_202 = tpu.vector_load %arg8[%get3A_200, %get3A_201] {strides = array<i32>} : memref<128x128xf32, #tpu.memory_space<vmem>>, vector<1x16xf32>,
        %get3A_203 = vector.shape_cast %get3A_202 : vector<1x16xf32> to vector<16xf32>
        %swap3A_204 = arith.index_cast %add3A_174 : i32 to index
        %swap3A_205 = arith.constant 48 : index
        %swap3A_206 = tpu.vector_load %arg10[%swap3A_204, %swap3A_205] {strides = array<i32>} : memref<128x64xf32, #tpu.memory_space<vmem>>, vector<1x16xf32>,
        %swap3A_207 = vector.shape_cast %swap3A_206 : vector<1x16xf32> to vector<16xf32>
        %swap3A_208 = vector.shape_cast %get3A_203 : vector<16xf32> to vector<1x16xf32>
        tpu.vector_store %arg10[%swap3A_204, %swap3A_205], %swap3A_208 {strides = array<i32>} : memref<128x64xf32, #tpu.memory_space<vmem>>, vector<1x16xf32>,
        %scan3A_209 = arith.constant 1 : i32
        %scan3A_210 = arith.addi %scan3A_170, %scan3A_209 : i32
        %mul3A_211 = arith.constant 1 : i32
        %mul3A_212 = arith.muli %scan3A_210, %mul3A_211 : i32
        %add3A_213 = arith.constant 0 : i32
        %add3A_214 = arith.addi %add3A_213, %mul3A_212 : i32
        %get3A_215 = arith.index_cast %add3A_214 : i32 to index
        %get3A_216 = arith.constant 0 : index
        %get3A_217 = tpu.vector_load %arg8[%get3A_215, %get3A_216] {strides = array<i32>} : memref<128x128xf32, #tpu.memory_space<vmem>>, vector<1x16xf32>,
        %get3A_218 = vector.shape_cast %get3A_217 : vector<1x16xf32> to vector<16xf32>
        %swap3A_219 = arith.index_cast %add3A_214 : i32 to index
        %swap3A_220 = arith.constant 0 : index
        %swap3A_221 = tpu.vector_load %arg10[%swap3A_219, %swap3A_220] {strides = array<i32>} : memref<128x64xf32, #tpu.memory_space<vmem>>, vector<1x16xf32>,
        %swap3A_222 = vector.shape_cast %swap3A_221 : vector<1x16xf32> to vector<16xf32>
        %swap3A_223 = vector.shape_cast %get3A_218 : vector<16xf32> to vector<1x16xf32>
        tpu.vector_store %arg10[%swap3A_219, %swap3A_220], %swap3A_223 {strides = array<i32>} : memref<128x64xf32, #tpu.memory_space<vmem>>, vector<1x16xf32>,
        %get3A_224 = arith.index_cast %add3A_214 : i32 to index
        %get3A_225 = arith.constant 16 : index
        %get3A_226 = tpu.vector_load %arg8[%get3A_224, %get3A_225] {strides = array<i32>} : memref<128x128xf32, #tpu.memory_space<vmem>>, vector<1x16xf32>,
        %get3A_227 = vector.shape_cast %get3A_226 : vector<1x16xf32> to vector<16xf32>
        %swap3A_228 = arith.index_cast %add3A_214 : i32 to index
        %swap3A_229 = arith.constant 16 : index
        %swap3A_230 = tpu.vector_load %arg10[%swap3A_228, %swap3A_229] {strides = array<i32>} : memref<128x64xf32, #tpu.memory_space<vmem>>, vector<1x16xf32>,
        %swap3A_231 = vector.shape_cast %swap3A_230 : vector<1x16xf32> to vector<16xf32>
        %swap3A_232 = vector.shape_cast %get3A_227 : vector<16xf32> to vector<1x16xf32>
        tpu.vector_store %arg10[%swap3A_228, %swap3A_229], %swap3A_232 {strides = array<i32>} : memref<128x64xf32, #tpu.memory_space<vmem>>, vector<1x16xf32>,
        %get3A_233 = arith.index_cast %add3A_214 : i32 to index
        %get3A_234 = arith.constant 32 : index
        %get3A_235 = tpu.vector_load %arg8[%get3A_233, %get3A_234] {strides = array<i32>} : memref<128x128xf32, #tpu.memory_space<vmem>>, vector<1x16xf32>,
        %get3A_236 = vector.shape_cast %get3A_235 : vector<1x16xf32> to vector<16xf32>
        %swap3A_237 = arith.index_cast %add3A_214 : i32 to index
        %swap3A_238 = arith.constant 32 : index
        %swap3A_239 = tpu.vector_load %arg10[%swap3A_237, %swap3A_238] {strides = array<i32>} : memref<128x64xf32, #tpu.memory_space<vmem>>, vector<1x16xf32>,
        %swap3A_240 = vector.shape_cast %swap3A_239 : vector<1x16xf32> to vector<16xf32>
        %swap3A_241 = vector.shape_cast %get3A_236 : vector<16xf32> to vector<1x16xf32>
        tpu.vector_store %arg10[%swap3A_237, %swap3A_238], %swap3A_241 {strides = array<i32>} : memref<128x64xf32, #tpu.memory_space<vmem>>, vector<1x16xf32>,
        %get3A_242 = arith.index_cast %add3A_214 : i32 to index
        %get3A_243 = arith.constant 48 : index
        %get3A_244 = tpu.vector_load %arg8[%get3A_242, %get3A_243] {strides = array<i32>} : memref<128x128xf32, #tpu.memory_space<vmem>>, vector<1x16xf32>,
        %get3A_245 = vector.shape_cast %get3A_244 : vector<1x16xf32> to vector<16xf32>
        %swap3A_246 = arith.index_cast %add3A_214 : i32 to index
        %swap3A_247 = arith.constant 48 : index
        %swap3A_248 = tpu.vector_load %arg10[%swap3A_246, %swap3A_247] {strides = array<i32>} : memref<128x64xf32, #tpu.memory_space<vmem>>, vector<1x16xf32>,
        %swap3A_249 = vector.shape_cast %swap3A_248 : vector<1x16xf32> to vector<16xf32>
        %swap3A_250 = vector.shape_cast %get3A_245 : vector<16xf32> to vector<1x16xf32>
        tpu.vector_store %arg10[%swap3A_246, %swap3A_247], %swap3A_250 {strides = array<i32>} : memref<128x64xf32, #tpu.memory_space<vmem>>, vector<1x16xf32>,
        %scan3A_251 = arith.constant 2 : i32
        %scan3A_252 = arith.addi %scan3A_170, %scan3A_251 : i32
        %mul3A_253 = arith.constant 1 : i32
        %mul3A_254 = arith.muli %scan3A_252, %mul3A_253 : i32
        %add3A_255 = arith.constant 0 : i32
        %add3A_256 = arith.addi %add3A_255, %mul3A_254 : i32
        %get3A_257 = arith.index_cast %add3A_256 : i32 to index
        %get3A_258 = arith.constant 0 : index
        %get3A_259 = tpu.vector_load %arg8[%get3A_257, %get3A_258] {strides = array<i32>} : memref<128x128xf32, #tpu.memory_space<vmem>>, vector<1x16xf32>,
        %get3A_260 = vector.shape_cast %get3A_259 : vector<1x16xf32> to vector<16xf32>
        %swap3A_261 = arith.index_cast %add3A_256 : i32 to index
        %swap3A_262 = arith.constant 0 : index
        %swap3A_263 = tpu.vector_load %arg10[%swap3A_261, %swap3A_262] {strides = array<i32>} : memref<128x64xf32, #tpu.memory_space<vmem>>, vector<1x16xf32>,
        %swap3A_264 = vector.shape_cast %swap3A_263 : vector<1x16xf32> to vector<16xf32>
        %swap3A_265 = vector.shape_cast %get3A_260 : vector<16xf32> to vector<1x16xf32>
        tpu.vector_store %arg10[%swap3A_261, %swap3A_262], %swap3A_265 {strides = array<i32>} : memref<128x64xf32, #tpu.memory_space<vmem>>, vector<1x16xf32>,
        %get3A_266 = arith.index_cast %add3A_256 : i32 to index
        %get3A_267 = arith.constant 16 : index
        %get3A_268 = tpu.vector_load %arg8[%get3A_266, %get3A_267] {strides = array<i32>} : memref<128x128xf32, #tpu.memory_space<vmem>>, vector<1x16xf32>,
        %get3A_269 = vector.shape_cast %get3A_268 : vector<1x16xf32> to vector<16xf32>
        %swap3A_270 = arith.index_cast %add3A_256 : i32 to index
        %swap3A_271 = arith.constant 16 : index
        %swap3A_272 = tpu.vector_load %arg10[%swap3A_270, %swap3A_271] {strides = array<i32>} : memref<128x64xf32, #tpu.memory_space<vmem>>, vector<1x16xf32>,
        %swap3A_273 = vector.shape_cast %swap3A_272 : vector<1x16xf32> to vector<16xf32>
        %swap3A_274 = vector.shape_cast %get3A_269 : vector<16xf32> to vector<1x16xf32>
        tpu.vector_store %arg10[%swap3A_270, %swap3A_271], %swap3A_274 {strides = array<i32>} : memref<128x64xf32, #tpu.memory_space<vmem>>, vector<1x16xf32>,
        %get3A_275 = arith.index_cast %add3A_256 : i32 to index
        %get3A_276 = arith.constant 32 : index
        %get3A_277 = tpu.vector_load %arg8[%get3A_275, %get3A_276] {strides = array<i32>} : memref<128x128xf32, #tpu.memory_space<vmem>>, vector<1x16xf32>,
        %get3A_278 = vector.shape_cast %get3A_277 : vector<1x16xf32> to vector<16xf32>
        %swap3A_279 = arith.index_cast %add3A_256 : i32 to index
        %swap3A_280 = arith.constant 32 : index
        %swap3A_281 = tpu.vector_load %arg10[%swap3A_279, %swap3A_280] {strides = array<i32>} : memref<128x64xf32, #tpu.memory_space<vmem>>, vector<1x16xf32>,
        %swap3A_282 = vector.shape_cast %swap3A_281 : vector<1x16xf32> to vector<16xf32>
        %swap3A_283 = vector.shape_cast %get3A_278 : vector<16xf32> to vector<1x16xf32>
        tpu.vector_store %arg10[%swap3A_279, %swap3A_280], %swap3A_283 {strides = array<i32>} : memref<128x64xf32, #tpu.memory_space<vmem>>, vector<1x16xf32>,
        %get3A_284 = arith.index_cast %add3A_256 : i32 to index
        %get3A_285 = arith.constant 48 : index
        %get3A_286 = tpu.vector_load %arg8[%get3A_284, %get3A_285] {strides = array<i32>} : memref<128x128xf32, #tpu.memory_space<vmem>>, vector<1x16xf32>,
        %get3A_287 = vector.shape_cast %get3A_286 : vector<1x16xf32> to vector<16xf32>
        %swap3A_288 = arith.index_cast %add3A_256 : i32 to index
        %swap3A_289 = arith.constant 48 : index
        %swap3A_290 = tpu.vector_load %arg10[%swap3A_288, %swap3A_289] {strides = array<i32>} : memref<128x64xf32, #tpu.memory_space<vmem>>, vector<1x16xf32>,
        %swap3A_291 = vector.shape_cast %swap3A_290 : vector<1x16xf32> to vector<16xf32>
        %swap3A_292 = vector.shape_cast %get3A_287 : vector<16xf32> to vector<1x16xf32>
        tpu.vector_store %arg10[%swap3A_288, %swap3A_289], %swap3A_292 {strides = array<i32>} : memref<128x64xf32, #tpu.memory_space<vmem>>, vector<1x16xf32>,
        %scan3A_293 = arith.constant 3 : i32
        %scan3A_294 = arith.addi %scan3A_170, %scan3A_293 : i32
        %mul3A_295 = arith.constant 1 : i32
        %mul3A_296 = arith.muli %scan3A_294, %mul3A_295 : i32
        %add3A_297 = arith.constant 0 : i32
        %add3A_298 = arith.addi %add3A_297, %mul3A_296 : i32
        %get3A_299 = arith.index_cast %add3A_298 : i32 to index
        %get3A_300 = arith.constant 0 : index
        %get3A_301 = tpu.vector_load %arg8[%get3A_299, %get3A_300] {strides = array<i32>} : memref<128x128xf32, #tpu.memory_space<vmem>>, vector<1x16xf32>,
        %get3A_302 = vector.shape_cast %get3A_301 : vector<1x16xf32> to vector<16xf32>
        %swap3A_303 = arith.index_cast %add3A_298 : i32 to index
        %swap3A_304 = arith.constant 0 : index
        %swap3A_305 = tpu.vector_load %arg10[%swap3A_303, %swap3A_304] {strides = array<i32>} : memref<128x64xf32, #tpu.memory_space<vmem>>, vector<1x16xf32>,
        %swap3A_306 = vector.shape_cast %swap3A_305 : vector<1x16xf32> to vector<16xf32>
        %swap3A_307 = vector.shape_cast %get3A_302 : vector<16xf32> to vector<1x16xf32>
        tpu.vector_store %arg10[%swap3A_303, %swap3A_304], %swap3A_307 {strides = array<i32>} : memref<128x64xf32, #tpu.memory_space<vmem>>, vector<1x16xf32>,
        %get3A_308 = arith.index_cast %add3A_298 : i32 to index
        %get3A_309 = arith.constant 16 : index
        %get3A_310 = tpu.vector_load %arg8[%get3A_308, %get3A_309] {strides = array<i32>} : memref<128x128xf32, #tpu.memory_space<vmem>>, vector<1x16xf32>,
        %get3A_311 = vector.shape_cast %get3A_310 : vector<1x16xf32> to vector<16xf32>
        %swap3A_312 = arith.index_cast %add3A_298 : i32 to index
        %swap3A_313 = arith.constant 16 : index
        %swap3A_314 = tpu.vector_load %arg10[%swap3A_312, %swap3A_313] {strides = array<i32>} : memref<128x64xf32, #tpu.memory_space<vmem>>, vector<1x16xf32>,
        %swap3A_315 = vector.shape_cast %swap3A_314 : vector<1x16xf32> to vector<16xf32>
        %swap3A_316 = vector.shape_cast %get3A_311 : vector<16xf32> to vector<1x16xf32>
        tpu.vector_store %arg10[%swap3A_312, %swap3A_313], %swap3A_316 {strides = array<i32>} : memref<128x64xf32, #tpu.memory_space<vmem>>, vector<1x16xf32>,
        %get3A_317 = arith.index_cast %add3A_298 : i32 to index
        %get3A_318 = arith.constant 32 : index
        %get3A_319 = tpu.vector_load %arg8[%get3A_317, %get3A_318] {strides = array<i32>} : memref<128x128xf32, #tpu.memory_space<vmem>>, vector<1x16xf32>,
        %get3A_320 = vector.shape_cast %get3A_319 : vector<1x16xf32> to vector<16xf32>
        %swap3A_321 = arith.index_cast %add3A_298 : i32 to index
        %swap3A_322 = arith.constant 32 : index
        %swap3A_323 = tpu.vector_load %arg10[%swap3A_321, %swap3A_322] {strides = array<i32>} : memref<128x64xf32, #tpu.memory_space<vmem>>, vector<1x16xf32>,
        %swap3A_324 = vector.shape_cast %swap3A_323 : vector<1x16xf32> to vector<16xf32>
        %swap3A_325 = vector.shape_cast %get3A_320 : vector<16xf32> to vector<1x16xf32>
        tpu.vector_store %arg10[%swap3A_321, %swap3A_322], %swap3A_325 {strides = array<i32>} : memref<128x64xf32, #tpu.memory_space<vmem>>, vector<1x16xf32>,
        %get3A_326 = arith.index_cast %add3A_298 : i32 to index
        %get3A_327 = arith.constant 48 : index
        %get3A_328 = tpu.vector_load %arg8[%get3A_326, %get3A_327] {strides = array<i32>} : memref<128x128xf32, #tpu.memory_space<vmem>>, vector<1x16xf32>,
        %get3A_329 = vector.shape_cast %get3A_328 : vector<1x16xf32> to vector<16xf32>
        %swap3A_330 = arith.index_cast %add3A_298 : i32 to index
        %swap3A_331 = arith.constant 48 : index
        %swap3A_332 = tpu.vector_load %arg10[%swap3A_330, %swap3A_331] {strides = array<i32>} : memref<128x64xf32, #tpu.memory_space<vmem>>, vector<1x16xf32>,
        %swap3A_333 = vector.shape_cast %swap3A_332 : vector<1x16xf32> to vector<16xf32>
        %swap3A_334 = vector.shape_cast %get3A_329 : vector<16xf32> to vector<1x16xf32>
        tpu.vector_store %arg10[%swap3A_330, %swap3A_331], %swap3A_334 {strides = array<i32>} : memref<128x64xf32, #tpu.memory_space<vmem>>, vector<1x16xf32>,
        %scan3A_335 = arith.constant 4 : i32
        %scan3A_336 = arith.addi %scan3A_170, %scan3A_335 : i32
        %mul3A_337 = arith.constant 1 : i32
        %mul3A_338 = arith.muli %scan3A_336, %mul3A_337 : i32
        %add3A_339 = arith.constant 0 : i32
        %add3A_340 = arith.addi %add3A_339, %mul3A_338 : i32
        %get3A_341 = arith.index_cast %add3A_340 : i32 to index
        %get3A_342 = arith.constant 0 : index
        %get3A_343 = tpu.vector_load %arg8[%get3A_341, %get3A_342] {strides = array<i32>} : memref<128x128xf32, #tpu.memory_space<vmem>>, vector<1x16xf32>,
        %get3A_344 = vector.shape_cast %get3A_343 : vector<1x16xf32> to vector<16xf32>
        %swap3A_345 = arith.index_cast %add3A_340 : i32 to index
        %swap3A_346 = arith.constant 0 : index
        %swap3A_347 = tpu.vector_load %arg10[%swap3A_345, %swap3A_346] {strides = array<i32>} : memref<128x64xf32, #tpu.memory_space<vmem>>, vector<1x16xf32>,
        %swap3A_348 = vector.shape_cast %swap3A_347 : vector<1x16xf32> to vector<16xf32>
        %swap3A_349 = vector.shape_cast %get3A_344 : vector<16xf32> to vector<1x16xf32>
        tpu.vector_store %arg10[%swap3A_345, %swap3A_346], %swap3A_349 {strides = array<i32>} : memref<128x64xf32, #tpu.memory_space<vmem>>, vector<1x16xf32>,
        %get3A_350 = arith.index_cast %add3A_340 : i32 to index
        %get3A_351 = arith.constant 16 : index
        %get3A_352 = tpu.vector_load %arg8[%get3A_350, %get3A_351] {strides = array<i32>} : memref<128x128xf32, #tpu.memory_space<vmem>>, vector<1x16xf32>,
        %get3A_353 = vector.shape_cast %get3A_352 : vector<1x16xf32> to vector<16xf32>
        %swap3A_354 = arith.index_cast %add3A_340 : i32 to index
        %swap3A_355 = arith.constant 16 : index
        %swap3A_356 = tpu.vector_load %arg10[%swap3A_354, %swap3A_355] {strides = array<i32>} : memref<128x64xf32, #tpu.memory_space<vmem>>, vector<1x16xf32>,
        %swap3A_357 = vector.shape_cast %swap3A_356 : vector<1x16xf32> to vector<16xf32>
        %swap3A_358 = vector.shape_cast %get3A_353 : vector<16xf32> to vector<1x16xf32>
        tpu.vector_store %arg10[%swap3A_354, %swap3A_355], %swap3A_358 {strides = array<i32>} : memref<128x64xf32, #tpu.memory_space<vmem>>, vector<1x16xf32>,
        %get3A_359 = arith.index_cast %add3A_340 : i32 to index
        %get3A_360 = arith.constant 32 : index
        %get3A_361 = tpu.vector_load %arg8[%get3A_359, %get3A_360] {strides = array<i32>} : memref<128x128xf32, #tpu.memory_space<vmem>>, vector<1x16xf32>,
        %get3A_362 = vector.shape_cast %get3A_361 : vector<1x16xf32> to vector<16xf32>
        %swap3A_363 = arith.index_cast %add3A_340 : i32 to index
        %swap3A_364 = arith.constant 32 : index
        %swap3A_365 = tpu.vector_load %arg10[%swap3A_363, %swap3A_364] {strides = array<i32>} : memref<128x64xf32, #tpu.memory_space<vmem>>, vector<1x16xf32>,
        %swap3A_366 = vector.shape_cast %swap3A_365 : vector<1x16xf32> to vector<16xf32>
        %swap3A_367 = vector.shape_cast %get3A_362 : vector<16xf32> to vector<1x16xf32>
        tpu.vector_store %arg10[%swap3A_363, %swap3A_364], %swap3A_367 {strides = array<i32>} : memref<128x64xf32, #tpu.memory_space<vmem>>, vector<1x16xf32>,
        %get3A_368 = arith.index_cast %add3A_340 : i32 to index
        %get3A_369 = arith.constant 48 : index
        %get3A_370 = tpu.vector_load %arg8[%get3A_368, %get3A_369] {strides = array<i32>} : memref<128x128xf32, #tpu.memory_space<vmem>>, vector<1x16xf32>,
        %get3A_371 = vector.shape_cast %get3A_370 : vector<1x16xf32> to vector<16xf32>
        %swap3A_372 = arith.index_cast %add3A_340 : i32 to index
        %swap3A_373 = arith.constant 48 : index
        %swap3A_374 = tpu.vector_load %arg10[%swap3A_372, %swap3A_373] {strides = array<i32>} : memref<128x64xf32, #tpu.memory_space<vmem>>, vector<1x16xf32>,
        %swap3A_375 = vector.shape_cast %swap3A_374 : vector<1x16xf32> to vector<16xf32>
        %swap3A_376 = vector.shape_cast %get3A_371 : vector<16xf32> to vector<1x16xf32>
        tpu.vector_store %arg10[%swap3A_372, %swap3A_373], %swap3A_376 {strides = array<i32>} : memref<128x64xf32, #tpu.memory_space<vmem>>, vector<1x16xf32>,
        %scan3A_377 = arith.constant 5 : i32
        %scan3A_378 = arith.addi %scan3A_170, %scan3A_377 : i32
        %mul3A_379 = arith.constant 1 : i32
        %mul3A_380 = arith.muli %scan3A_378, %mul3A_379 : i32
        %add3A_381 = arith.constant 0 : i32
        %add3A_382 = arith.addi %add3A_381, %mul3A_380 : i32
        %get3A_383 = arith.index_cast %add3A_382 : i32 to index
        %get3A_384 = arith.constant 0 : index
        %get3A_385 = tpu.vector_load %arg8[%get3A_383, %get3A_384] {strides = array<i32>} : memref<128x128xf32, #tpu.memory_space<vmem>>, vector<1x16xf32>,
        %get3A_386 = vector.shape_cast %get3A_385 : vector<1x16xf32> to vector<16xf32>
        %swap3A_387 = arith.index_cast %add3A_382 : i32 to index
        %swap3A_388 = arith.constant 0 : index
        %swap3A_389 = tpu.vector_load %arg10[%swap3A_387, %swap3A_388] {strides = array<i32>} : memref<128x64xf32, #tpu.memory_space<vmem>>, vector<1x16xf32>,
        %swap3A_390 = vector.shape_cast %swap3A_389 : vector<1x16xf32> to vector<16xf32>
        %swap3A_391 = vector.shape_cast %get3A_386 : vector<16xf32> to vector<1x16xf32>
        tpu.vector_store %arg10[%swap3A_387, %swap3A_388], %swap3A_391 {strides = array<i32>} : memref<128x64xf32, #tpu.memory_space<vmem>>, vector<1x16xf32>,
        %get3A_392 = arith.index_cast %add3A_382 : i32 to index
        %get3A_393 = arith.constant 16 : index
        %get3A_394 = tpu.vector_load %arg8[%get3A_392, %get3A_393] {strides = array<i32>} : memref<128x128xf32, #tpu.memory_space<vmem>>, vector<1x16xf32>,
        %get3A_395 = vector.shape_cast %get3A_394 : vector<1x16xf32> to vector<16xf32>
        %swap3A_396 = arith.index_cast %add3A_382 : i32 to index
        %swap3A_397 = arith.constant 16 : index
        %swap3A_398 = tpu.vector_load %arg10[%swap3A_396, %swap3A_397] {strides = array<i32>} : memref<128x64xf32, #tpu.memory_space<vmem>>, vector<1x16xf32>,
        %swap3A_399 = vector.shape_cast %swap3A_398 : vector<1x16xf32> to vector<16xf32>
        %swap3A_400 = vector.shape_cast %get3A_395 : vector<16xf32> to vector<1x16xf32>
        tpu.vector_store %arg10[%swap3A_396, %swap3A_397], %swap3A_400 {strides = array<i32>} : memref<128x64xf32, #tpu.memory_space<vmem>>, vector<1x16xf32>,
        %get3A_401 = arith.index_cast %add3A_382 : i32 to index
        %get3A_402 = arith.constant 32 : index
        %get3A_403 = tpu.vector_load %arg8[%get3A_401, %get3A_402] {strides = array<i32>} : memref<128x128xf32, #tpu.memory_space<vmem>>, vector<1x16xf32>,
        %get3A_404 = vector.shape_cast %get3A_403 : vector<1x16xf32> to vector<16xf32>
        %swap3A_405 = arith.index_cast %add3A_382 : i32 to index
        %swap3A_406 = arith.constant 32 : index
        %swap3A_407 = tpu.vector_load %arg10[%swap3A_405, %swap3A_406] {strides = array<i32>} : memref<128x64xf32, #tpu.memory_space<vmem>>, vector<1x16xf32>,
        %swap3A_408 = vector.shape_cast %swap3A_407 : vector<1x16xf32> to vector<16xf32>
        %swap3A_409 = vector.shape_cast %get3A_404 : vector<16xf32> to vector<1x16xf32>
        tpu.vector_store %arg10[%swap3A_405, %swap3A_406], %swap3A_409 {strides = array<i32>} : memref<128x64xf32, #tpu.memory_space<vmem>>, vector<1x16xf32>,
        %get3A_410 = arith.index_cast %add3A_382 : i32 to index
        %get3A_411 = arith.constant 48 : index
        %get3A_412 = tpu.vector_load %arg8[%get3A_410, %get3A_411] {strides = array<i32>} : memref<128x128xf32, #tpu.memory_space<vmem>>, vector<1x16xf32>,
        %get3A_413 = vector.shape_cast %get3A_412 : vector<1x16xf32> to vector<16xf32>
        %swap3A_414 = arith.index_cast %add3A_382 : i32 to index
        %swap3A_415 = arith.constant 48 : index
        %swap3A_416 = tpu.vector_load %arg10[%swap3A_414, %swap3A_415] {strides = array<i32>} : memref<128x64xf32, #tpu.memory_space<vmem>>, vector<1x16xf32>,
        %swap3A_417 = vector.shape_cast %swap3A_416 : vector<1x16xf32> to vector<16xf32>
        %swap3A_418 = vector.shape_cast %get3A_413 : vector<16xf32> to vector<1x16xf32>
        tpu.vector_store %arg10[%swap3A_414, %swap3A_415], %swap3A_418 {strides = array<i32>} : memref<128x64xf32, #tpu.memory_space<vmem>>, vector<1x16xf32>,
        %scan3A_419 = arith.constant 6 : i32
        %scan3A_420 = arith.addi %scan3A_170, %scan3A_419 : i32
        %mul3A_421 = arith.constant 1 : i32
        %mul3A_422 = arith.muli %scan3A_420, %mul3A_421 : i32
        %add3A_423 = arith.constant 0 : i32
        %add3A_424 = arith.addi %add3A_423, %mul3A_422 : i32
        %get3A_425 = arith.index_cast %add3A_424 : i32 to index
        %get3A_426 = arith.constant 0 : index
        %get3A_427 = tpu.vector_load %arg8[%get3A_425, %get3A_426] {strides = array<i32>} : memref<128x128xf32, #tpu.memory_space<vmem>>, vector<1x16xf32>,
        %get3A_428 = vector.shape_cast %get3A_427 : vector<1x16xf32> to vector<16xf32>
        %swap3A_429 = arith.index_cast %add3A_424 : i32 to index
        %swap3A_430 = arith.constant 0 : index
        %swap3A_431 = tpu.vector_load %arg10[%swap3A_429, %swap3A_430] {strides = array<i32>} : memref<128x64xf32, #tpu.memory_space<vmem>>, vector<1x16xf32>,
        %swap3A_432 = vector.shape_cast %swap3A_431 : vector<1x16xf32> to vector<16xf32>
        %swap3A_433 = vector.shape_cast %get3A_428 : vector<16xf32> to vector<1x16xf32>
        tpu.vector_store %arg10[%swap3A_429, %swap3A_430], %swap3A_433 {strides = array<i32>} : memref<128x64xf32, #tpu.memory_space<vmem>>, vector<1x16xf32>,
        %get3A_434 = arith.index_cast %add3A_424 : i32 to index
        %get3A_435 = arith.constant 16 : index
        %get3A_436 = tpu.vector_load %arg8[%get3A_434, %get3A_435] {strides = array<i32>} : memref<128x128xf32, #tpu.memory_space<vmem>>, vector<1x16xf32>,
        %get3A_437 = vector.shape_cast %get3A_436 : vector<1x16xf32> to vector<16xf32>
        %swap3A_438 = arith.index_cast %add3A_424 : i32 to index
        %swap3A_439 = arith.constant 16 : index
        %swap3A_440 = tpu.vector_load %arg10[%swap3A_438, %swap3A_439] {strides = array<i32>} : memref<128x64xf32, #tpu.memory_space<vmem>>, vector<1x16xf32>,
        %swap3A_441 = vector.shape_cast %swap3A_440 : vector<1x16xf32> to vector<16xf32>
        %swap3A_442 = vector.shape_cast %get3A_437 : vector<16xf32> to vector<1x16xf32>
        tpu.vector_store %arg10[%swap3A_438, %swap3A_439], %swap3A_442 {strides = array<i32>} : memref<128x64xf32, #tpu.memory_space<vmem>>, vector<1x16xf32>,
        %get3A_443 = arith.index_cast %add3A_424 : i32 to index
        %get3A_444 = arith.constant 32 : index
        %get3A_445 = tpu.vector_load %arg8[%get3A_443, %get3A_444] {strides = array<i32>} : memref<128x128xf32, #tpu.memory_space<vmem>>, vector<1x16xf32>,
        %get3A_446 = vector.shape_cast %get3A_445 : vector<1x16xf32> to vector<16xf32>
        %swap3A_447 = arith.index_cast %add3A_424 : i32 to index
        %swap3A_448 = arith.constant 32 : index
        %swap3A_449 = tpu.vector_load %arg10[%swap3A_447, %swap3A_448] {strides = array<i32>} : memref<128x64xf32, #tpu.memory_space<vmem>>, vector<1x16xf32>,
        %swap3A_450 = vector.shape_cast %swap3A_449 : vector<1x16xf32> to vector<16xf32>
        %swap3A_451 = vector.shape_cast %get3A_446 : vector<16xf32> to vector<1x16xf32>
        tpu.vector_store %arg10[%swap3A_447, %swap3A_448], %swap3A_451 {strides = array<i32>} : memref<128x64xf32, #tpu.memory_space<vmem>>, vector<1x16xf32>,
        %get3A_452 = arith.index_cast %add3A_424 : i32 to index
        %get3A_453 = arith.constant 48 : index
        %get3A_454 = tpu.vector_load %arg8[%get3A_452, %get3A_453] {strides = array<i32>} : memref<128x128xf32, #tpu.memory_space<vmem>>, vector<1x16xf32>,
        %get3A_455 = vector.shape_cast %get3A_454 : vector<1x16xf32> to vector<16xf32>
        %swap3A_456 = arith.index_cast %add3A_424 : i32 to index
        %swap3A_457 = arith.constant 48 : index
        %swap3A_458 = tpu.vector_load %arg10[%swap3A_456, %swap3A_457] {strides = array<i32>} : memref<128x64xf32, #tpu.memory_space<vmem>>, vector<1x16xf32>,
        %swap3A_459 = vector.shape_cast %swap3A_458 : vector<1x16xf32> to vector<16xf32>
        %swap3A_460 = vector.shape_cast %get3A_455 : vector<16xf32> to vector<1x16xf32>
        tpu.vector_store %arg10[%swap3A_456, %swap3A_457], %swap3A_460 {strides = array<i32>} : memref<128x64xf32, #tpu.memory_space<vmem>>, vector<1x16xf32>,
        %scan3A_461 = arith.constant 7 : i32
        %scan3A_462 = arith.addi %scan3A_170, %scan3A_461 : i32
        %mul3A_463 = arith.constant 1 : i32
        %mul3A_464 = arith.muli %scan3A_462, %mul3A_463 : i32
        %add3A_465 = arith.constant 0 : i32
        %add3A_466 = arith.addi %add3A_465, %mul3A_464 : i32
        %get3A_467 = arith.index_cast %add3A_466 : i32 to index
        %get3A_468 = arith.constant 0 : index
        %get3A_469 = tpu.vector_load %arg8[%get3A_467, %get3A_468] {strides = array<i32>} : memref<128x128xf32, #tpu.memory_space<vmem>>, vector<1x16xf32>,
        %get3A_470 = vector.shape_cast %get3A_469 : vector<1x16xf32> to vector<16xf32>
        %swap3A_471 = arith.index_cast %add3A_466 : i32 to index
        %swap3A_472 = arith.constant 0 : index
        %swap3A_473 = tpu.vector_load %arg10[%swap3A_471, %swap3A_472] {strides = array<i32>} : memref<128x64xf32, #tpu.memory_space<vmem>>, vector<1x16xf32>,
        %swap3A_474 = vector.shape_cast %swap3A_473 : vector<1x16xf32> to vector<16xf32>
        %swap3A_475 = vector.shape_cast %get3A_470 : vector<16xf32> to vector<1x16xf32>
        tpu.vector_store %arg10[%swap3A_471, %swap3A_472], %swap3A_475 {strides = array<i32>} : memref<128x64xf32, #tpu.memory_space<vmem>>, vector<1x16xf32>,
        %get3A_476 = arith.index_cast %add3A_466 : i32 to index
        %get3A_477 = arith.constant 16 : index
        %get3A_478 = tpu.vector_load %arg8[%get3A_476, %get3A_477] {strides = array<i32>} : memref<128x128xf32, #tpu.memory_space<vmem>>, vector<1x16xf32>,
        %get3A_479 = vector.shape_cast %get3A_478 : vector<1x16xf32> to vector<16xf32>
        %swap3A_480 = arith.index_cast %add3A_466 : i32 to index
        %swap3A_481 = arith.constant 16 : index
        %swap3A_482 = tpu.vector_load %arg10[%swap3A_480, %swap3A_481] {strides = array<i32>} : memref<128x64xf32, #tpu.memory_space<vmem>>, vector<1x16xf32>,
        %swap3A_483 = vector.shape_cast %swap3A_482 : vector<1x16xf32> to vector<16xf32>
        %swap3A_484 = vector.shape_cast %get3A_479 : vector<16xf32> to vector<1x16xf32>
        tpu.vector_store %arg10[%swap3A_480, %swap3A_481], %swap3A_484 {strides = array<i32>} : memref<128x64xf32, #tpu.memory_space<vmem>>, vector<1x16xf32>,
        %get3A_485 = arith.index_cast %add3A_466 : i32 to index
        %get3A_486 = arith.constant 32 : index
        %get3A_487 = tpu.vector_load %arg8[%get3A_485, %get3A_486] {strides = array<i32>} : memref<128x128xf32, #tpu.memory_space<vmem>>, vector<1x16xf32>,
        %get3A_488 = vector.shape_cast %get3A_487 : vector<1x16xf32> to vector<16xf32>
        %swap3A_489 = arith.index_cast %add3A_466 : i32 to index
        %swap3A_490 = arith.constant 32 : index
        %swap3A_491 = tpu.vector_load %arg10[%swap3A_489, %swap3A_490] {strides = array<i32>} : memref<128x64xf32, #tpu.memory_space<vmem>>, vector<1x16xf32>,
        %swap3A_492 = vector.shape_cast %swap3A_491 : vector<1x16xf32> to vector<16xf32>
        %swap3A_493 = vector.shape_cast %get3A_488 : vector<16xf32> to vector<1x16xf32>
        tpu.vector_store %arg10[%swap3A_489, %swap3A_490], %swap3A_493 {strides = array<i32>} : memref<128x64xf32, #tpu.memory_space<vmem>>, vector<1x16xf32>,
        %get3A_494 = arith.index_cast %add3A_466 : i32 to index
        %get3A_495 = arith.constant 48 : index
        %get3A_496 = tpu.vector_load %arg8[%get3A_494, %get3A_495] {strides = array<i32>} : memref<128x128xf32, #tpu.memory_space<vmem>>, vector<1x16xf32>,
        %get3A_497 = vector.shape_cast %get3A_496 : vector<1x16xf32> to vector<16xf32>
        %swap3A_498 = arith.index_cast %add3A_466 : i32 to index
        %swap3A_499 = arith.constant 48 : index
        %swap3A_500 = tpu.vector_load %arg10[%swap3A_498, %swap3A_499] {strides = array<i32>} : memref<128x64xf32, #tpu.memory_space<vmem>>, vector<1x16xf32>,
        %swap3A_501 = vector.shape_cast %swap3A_500 : vector<1x16xf32> to vector<16xf32>
        %swap3A_502 = vector.shape_cast %get3A_497 : vector<16xf32> to vector<1x16xf32>
        tpu.vector_store %arg10[%swap3A_498, %swap3A_499], %swap3A_502 {strides = array<i32>} : memref<128x64xf32, #tpu.memory_space<vmem>>, vector<1x16xf32>,
      }
      %scan3A_128 = arith.constant 128 : i32
      %mul3A_129 = arith.constant 128 : i32
      %mul3A_130 = arith.muli %add3A_105, %mul3A_129 : i32
      %add3A_131 = arith.addi %mul3A_2, %mul3A_130 : i32
      %dma_start3A_132 = arith.constant 0 : i32
      %dma_start3A_133 = tpu.memref_slice %arg4[%add3A_131, %dma_start3A_132] : memref<425984x64xf32, #tpu.memory_space<hbm>> -> memref<128x64xf32, #tpu.memory_space<hbm>>
      %dma_start3A_134 = arith.constant 0 : i32
      %dma_start3A_135 = tpu.memref_slice %arg4[%add3A_131, %dma_start3A_134] : memref<425984x64xf32, #tpu.memory_space<hbm>> -> memref<128x64xf32, #tpu.memory_space<hbm>>
      tpu.enqueue_dma source(%arg10 : memref<128x64xf32, #tpu.memory_space<vmem>>) target(%dma_start3A_135 : memref<128x64xf32, #tpu.memory_space<hbm>>) target_semaphore(%arg16 : memref<!tpu.dma_semaphore, #tpu.memory_space<semaphore_mem>>)
      %mul3A_136 = arith.constant 4 : i32
      %mul3A_137 = arith.muli %add3A_37, %mul3A_136 : i32
      %add3A_138 = arith.constant 3 : i32
      %add3A_139 = arith.addi %mul3A_137, %add3A_138 : i32
      %add3A_140 = arith.constant 2 : i32
      %add3A_141 = arith.addi %add3A_139, %add3A_140 : i32
      %lt3A_142 = arith.constant 104 : i32
      %lt3A_143 = arith.cmpi slt, %add3A_141, %lt3A_142 : i32
      %convert_element_type3A_144 = arith.extui %lt3A_143 : i1 to i32
      %cond3A_145 = arith.constant 0 : i32
      %cond3A_146 = arith.cmpi ne, %convert_element_type3A_144, %cond3A_145 : i32
      scf.if %cond3A_146 {
        %dma_start3A_170 = arith.constant 0 : i32
        %dma_start3A_171 = tpu.memref_slice %arg5[%add3A_141, %dma_start3A_170] : memref<104x128xi32, #tpu.memory_space<vmem>> -> memref<1x128xi32, #tpu.memory_space<vmem>>
        %dma_start3A_172 = tpu.memref_squeeze %dma_start3A_171 : memref<1x128xi32, #tpu.memory_space<vmem>> -> memref<128xi32, #tpu.memory_space<vmem>>
        %dma_start3A_173 = arith.constant 0 : i32
        %dma_start3A_174 = arith.constant 0 : i32
        %dma_start3A_175 = tpu.memref_slice %arg2[%dma_start3A_173, %dma_start3A_174] : memref<1664x128xf32, #tpu.memory_space<hbm>> -> memref<1664x128xf32, #tpu.memory_space<hbm>>
        tpu.enqueue_indirect_dma source(%dma_start3A_175 : memref<1664x128xf32, #tpu.memory_space<hbm>>) target(%arg7 : memref<128x128xf32, #tpu.memory_space<vmem>>) offsets(%dma_start3A_172 : memref<128xi32, #tpu.memory_space<vmem>>) semaphore(%arg13 : memref<!tpu.dma_semaphore, #tpu.memory_space<semaphore_mem>>)
      } else {
      }
      %dma_wait3A_147 = arith.constant 0 : i32
      %dma_wait3A_148 = arith.constant 0 : i32
      %dma_wait3A_149 = tpu.memref_slice %arg2[%dma_wait3A_147, %dma_wait3A_148] : memref<1664x128xf32, #tpu.memory_space<hbm>> -> memref<128x128xf32, #tpu.memory_space<hbm>>
      %dma_wait3A_150 = arith.constant 0 : i32
      %dma_wait3A_151 = arith.constant 0 : i32
      %dma_wait3A_152 = tpu.memref_slice %arg2[%dma_wait3A_150, %dma_wait3A_151] : memref<1664x128xf32, #tpu.memory_space<hbm>> -> memref<128x128xf32, #tpu.memory_space<hbm>>
      tpu.wait_dma2 semaphore(%arg15 : memref<!tpu.dma_semaphore, #tpu.memory_space<semaphore_mem>>) src(%dma_wait3A_152 : memref<128x128xf32, #tpu.memory_space<hbm>>) dst(%arg9 : memref<128x128xf32, #tpu.memory_space<vmem>>)
      %ge3A_153 = arith.constant 2 : i32
      %ge3A_154 = arith.cmpi sge, %add3A_139, %ge3A_153 : i32
      %convert_element_type3A_155 = arith.extui %ge3A_154 : i1 to i32
      %cond3A_156 = arith.constant 0 : i32
      %cond3A_157 = arith.cmpi ne, %convert_element_type3A_155, %cond3A_156 : i32
      scf.if %cond3A_157 {
        %dma_wait3A_170 = arith.constant 0 : i32
        %dma_wait3A_171 = arith.constant 0 : i32
        %dma_wait3A_172 = tpu.memref_slice %arg4[%dma_wait3A_170, %dma_wait3A_171] : memref<425984x64xf32, #tpu.memory_space<hbm>> -> memref<128x64xf32, #tpu.memory_space<hbm>>
        %dma_wait3A_173 = arith.constant 0 : i32
        %dma_wait3A_174 = arith.constant 0 : i32
        %dma_wait3A_175 = tpu.memref_slice %arg4[%dma_wait3A_173, %dma_wait3A_174] : memref<425984x64xf32, #tpu.memory_space<hbm>> -> memref<128x64xf32, #tpu.memory_space<hbm>>
        tpu.wait_dma2 semaphore(%arg17 : memref<!tpu.dma_semaphore, #tpu.memory_space<semaphore_mem>>) src(%arg11 : memref<128x64xf32, #tpu.memory_space<vmem>>) dst(%dma_wait3A_175 : memref<128x64xf32, #tpu.memory_space<hbm>>)
      } else {
      }
      %scan3A_158 = arith.constant 0 : i32
      %scan3A_159 = arith.constant 128 : i32
      %scan3A_160 = arith.addi %scan3A_158, %scan3A_159 : i32
      %scan3A_161 = arith.constant 8 : i32
      scf.for %scan3A_170 = %scan3A_158 to %scan3A_160 step %scan3A_161  : i32 {
        %mul3A_171 = arith.constant 1 : i32
        %mul3A_172 = arith.muli %scan3A_170, %mul3A_171 : i32
        %add3A_173 = arith.constant 0 : i32
        %add3A_174 = arith.addi %add3A_173, %mul3A_172 : i32
        %get3A = arith.index_cast %add3A_174 : i32 to index
        %get3A_175 = arith.constant 0 : index
        %get3A_176 = tpu.vector_load %arg9[%get3A, %get3A_175] {strides = array<i32>} : memref<128x128xf32, #tpu.memory_space<vmem>>, vector<1x16xf32>,
        %get3A_177 = vector.shape_cast %get3A_176 : vector<1x16xf32> to vector<16xf32>
        %swap3A = arith.index_cast %add3A_174 : i32 to index
        %swap3A_178 = arith.constant 0 : index
        %swap3A_179 = tpu.vector_load %arg11[%swap3A, %swap3A_178] {strides = array<i32>} : memref<128x64xf32, #tpu.memory_space<vmem>>, vector<1x16xf32>,
        %swap3A_180 = vector.shape_cast %swap3A_179 : vector<1x16xf32> to vector<16xf32>
        %swap3A_181 = vector.shape_cast %get3A_177 : vector<16xf32> to vector<1x16xf32>
        tpu.vector_store %arg11[%swap3A, %swap3A_178], %swap3A_181 {strides = array<i32>} : memref<128x64xf32, #tpu.memory_space<vmem>>, vector<1x16xf32>,
        %get3A_182 = arith.index_cast %add3A_174 : i32 to index
        %get3A_183 = arith.constant 16 : index
        %get3A_184 = tpu.vector_load %arg9[%get3A_182, %get3A_183] {strides = array<i32>} : memref<128x128xf32, #tpu.memory_space<vmem>>, vector<1x16xf32>,
        %get3A_185 = vector.shape_cast %get3A_184 : vector<1x16xf32> to vector<16xf32>
        %swap3A_186 = arith.index_cast %add3A_174 : i32 to index
        %swap3A_187 = arith.constant 16 : index
        %swap3A_188 = tpu.vector_load %arg11[%swap3A_186, %swap3A_187] {strides = array<i32>} : memref<128x64xf32, #tpu.memory_space<vmem>>, vector<1x16xf32>,
        %swap3A_189 = vector.shape_cast %swap3A_188 : vector<1x16xf32> to vector<16xf32>
        %swap3A_190 = vector.shape_cast %get3A_185 : vector<16xf32> to vector<1x16xf32>
        tpu.vector_store %arg11[%swap3A_186, %swap3A_187], %swap3A_190 {strides = array<i32>} : memref<128x64xf32, #tpu.memory_space<vmem>>, vector<1x16xf32>,
        %get3A_191 = arith.index_cast %add3A_174 : i32 to index
        %get3A_192 = arith.constant 32 : index
        %get3A_193 = tpu.vector_load %arg9[%get3A_191, %get3A_192] {strides = array<i32>} : memref<128x128xf32, #tpu.memory_space<vmem>>, vector<1x16xf32>,
        %get3A_194 = vector.shape_cast %get3A_193 : vector<1x16xf32> to vector<16xf32>
        %swap3A_195 = arith.index_cast %add3A_174 : i32 to index
        %swap3A_196 = arith.constant 32 : index
        %swap3A_197 = tpu.vector_load %arg11[%swap3A_195, %swap3A_196] {strides = array<i32>} : memref<128x64xf32, #tpu.memory_space<vmem>>, vector<1x16xf32>,
        %swap3A_198 = vector.shape_cast %swap3A_197 : vector<1x16xf32> to vector<16xf32>
        %swap3A_199 = vector.shape_cast %get3A_194 : vector<16xf32> to vector<1x16xf32>
        tpu.vector_store %arg11[%swap3A_195, %swap3A_196], %swap3A_199 {strides = array<i32>} : memref<128x64xf32, #tpu.memory_space<vmem>>, vector<1x16xf32>,
        %get3A_200 = arith.index_cast %add3A_174 : i32 to index
        %get3A_201 = arith.constant 48 : index
        %get3A_202 = tpu.vector_load %arg9[%get3A_200, %get3A_201] {strides = array<i32>} : memref<128x128xf32, #tpu.memory_space<vmem>>, vector<1x16xf32>,
        %get3A_203 = vector.shape_cast %get3A_202 : vector<1x16xf32> to vector<16xf32>
        %swap3A_204 = arith.index_cast %add3A_174 : i32 to index
        %swap3A_205 = arith.constant 48 : index
        %swap3A_206 = tpu.vector_load %arg11[%swap3A_204, %swap3A_205] {strides = array<i32>} : memref<128x64xf32, #tpu.memory_space<vmem>>, vector<1x16xf32>,
        %swap3A_207 = vector.shape_cast %swap3A_206 : vector<1x16xf32> to vector<16xf32>
        %swap3A_208 = vector.shape_cast %get3A_203 : vector<16xf32> to vector<1x16xf32>
        tpu.vector_store %arg11[%swap3A_204, %swap3A_205], %swap3A_208 {strides = array<i32>} : memref<128x64xf32, #tpu.memory_space<vmem>>, vector<1x16xf32>,
        %scan3A_209 = arith.constant 1 : i32
        %scan3A_210 = arith.addi %scan3A_170, %scan3A_209 : i32
        %mul3A_211 = arith.constant 1 : i32
        %mul3A_212 = arith.muli %scan3A_210, %mul3A_211 : i32
        %add3A_213 = arith.constant 0 : i32
        %add3A_214 = arith.addi %add3A_213, %mul3A_212 : i32
        %get3A_215 = arith.index_cast %add3A_214 : i32 to index
        %get3A_216 = arith.constant 0 : index
        %get3A_217 = tpu.vector_load %arg9[%get3A_215, %get3A_216] {strides = array<i32>} : memref<128x128xf32, #tpu.memory_space<vmem>>, vector<1x16xf32>,
        %get3A_218 = vector.shape_cast %get3A_217 : vector<1x16xf32> to vector<16xf32>
        %swap3A_219 = arith.index_cast %add3A_214 : i32 to index
        %swap3A_220 = arith.constant 0 : index
        %swap3A_221 = tpu.vector_load %arg11[%swap3A_219, %swap3A_220] {strides = array<i32>} : memref<128x64xf32, #tpu.memory_space<vmem>>, vector<1x16xf32>,
        %swap3A_222 = vector.shape_cast %swap3A_221 : vector<1x16xf32> to vector<16xf32>
        %swap3A_223 = vector.shape_cast %get3A_218 : vector<16xf32> to vector<1x16xf32>
        tpu.vector_store %arg11[%swap3A_219, %swap3A_220], %swap3A_223 {strides = array<i32>} : memref<128x64xf32, #tpu.memory_space<vmem>>, vector<1x16xf32>,
        %get3A_224 = arith.index_cast %add3A_214 : i32 to index
        %get3A_225 = arith.constant 16 : index
        %get3A_226 = tpu.vector_load %arg9[%get3A_224, %get3A_225] {strides = array<i32>} : memref<128x128xf32, #tpu.memory_space<vmem>>, vector<1x16xf32>,
        %get3A_227 = vector.shape_cast %get3A_226 : vector<1x16xf32> to vector<16xf32>
        %swap3A_228 = arith.index_cast %add3A_214 : i32 to index
        %swap3A_229 = arith.constant 16 : index
        %swap3A_230 = tpu.vector_load %arg11[%swap3A_228, %swap3A_229] {strides = array<i32>} : memref<128x64xf32, #tpu.memory_space<vmem>>, vector<1x16xf32>,
        %swap3A_231 = vector.shape_cast %swap3A_230 : vector<1x16xf32> to vector<16xf32>
        %swap3A_232 = vector.shape_cast %get3A_227 : vector<16xf32> to vector<1x16xf32>
        tpu.vector_store %arg11[%swap3A_228, %swap3A_229], %swap3A_232 {strides = array<i32>} : memref<128x64xf32, #tpu.memory_space<vmem>>, vector<1x16xf32>,
        %get3A_233 = arith.index_cast %add3A_214 : i32 to index
        %get3A_234 = arith.constant 32 : index
        %get3A_235 = tpu.vector_load %arg9[%get3A_233, %get3A_234] {strides = array<i32>} : memref<128x128xf32, #tpu.memory_space<vmem>>, vector<1x16xf32>,
        %get3A_236 = vector.shape_cast %get3A_235 : vector<1x16xf32> to vector<16xf32>
        %swap3A_237 = arith.index_cast %add3A_214 : i32 to index
        %swap3A_238 = arith.constant 32 : index
        %swap3A_239 = tpu.vector_load %arg11[%swap3A_237, %swap3A_238] {strides = array<i32>} : memref<128x64xf32, #tpu.memory_space<vmem>>, vector<1x16xf32>,
        %swap3A_240 = vector.shape_cast %swap3A_239 : vector<1x16xf32> to vector<16xf32>
        %swap3A_241 = vector.shape_cast %get3A_236 : vector<16xf32> to vector<1x16xf32>
        tpu.vector_store %arg11[%swap3A_237, %swap3A_238], %swap3A_241 {strides = array<i32>} : memref<128x64xf32, #tpu.memory_space<vmem>>, vector<1x16xf32>,
        %get3A_242 = arith.index_cast %add3A_214 : i32 to index
        %get3A_243 = arith.constant 48 : index
        %get3A_244 = tpu.vector_load %arg9[%get3A_242, %get3A_243] {strides = array<i32>} : memref<128x128xf32, #tpu.memory_space<vmem>>, vector<1x16xf32>,
        %get3A_245 = vector.shape_cast %get3A_244 : vector<1x16xf32> to vector<16xf32>
        %swap3A_246 = arith.index_cast %add3A_214 : i32 to index
        %swap3A_247 = arith.constant 48 : index
        %swap3A_248 = tpu.vector_load %arg11[%swap3A_246, %swap3A_247] {strides = array<i32>} : memref<128x64xf32, #tpu.memory_space<vmem>>, vector<1x16xf32>,
        %swap3A_249 = vector.shape_cast %swap3A_248 : vector<1x16xf32> to vector<16xf32>
        %swap3A_250 = vector.shape_cast %get3A_245 : vector<16xf32> to vector<1x16xf32>
        tpu.vector_store %arg11[%swap3A_246, %swap3A_247], %swap3A_250 {strides = array<i32>} : memref<128x64xf32, #tpu.memory_space<vmem>>, vector<1x16xf32>,
        %scan3A_251 = arith.constant 2 : i32
        %scan3A_252 = arith.addi %scan3A_170, %scan3A_251 : i32
        %mul3A_253 = arith.constant 1 : i32
        %mul3A_254 = arith.muli %scan3A_252, %mul3A_253 : i32
        %add3A_255 = arith.constant 0 : i32
        %add3A_256 = arith.addi %add3A_255, %mul3A_254 : i32
        %get3A_257 = arith.index_cast %add3A_256 : i32 to index
        %get3A_258 = arith.constant 0 : index
        %get3A_259 = tpu.vector_load %arg9[%get3A_257, %get3A_258] {strides = array<i32>} : memref<128x128xf32, #tpu.memory_space<vmem>>, vector<1x16xf32>,
        %get3A_260 = vector.shape_cast %get3A_259 : vector<1x16xf32> to vector<16xf32>
        %swap3A_261 = arith.index_cast %add3A_256 : i32 to index
        %swap3A_262 = arith.constant 0 : index
        %swap3A_263 = tpu.vector_load %arg11[%swap3A_261, %swap3A_262] {strides = array<i32>} : memref<128x64xf32, #tpu.memory_space<vmem>>, vector<1x16xf32>,
        %swap3A_264 = vector.shape_cast %swap3A_263 : vector<1x16xf32> to vector<16xf32>
        %swap3A_265 = vector.shape_cast %get3A_260 : vector<16xf32> to vector<1x16xf32>
        tpu.vector_store %arg11[%swap3A_261, %swap3A_262], %swap3A_265 {strides = array<i32>} : memref<128x64xf32, #tpu.memory_space<vmem>>, vector<1x16xf32>,
        %get3A_266 = arith.index_cast %add3A_256 : i32 to index
        %get3A_267 = arith.constant 16 : index
        %get3A_268 = tpu.vector_load %arg9[%get3A_266, %get3A_267] {strides = array<i32>} : memref<128x128xf32, #tpu.memory_space<vmem>>, vector<1x16xf32>,
        %get3A_269 = vector.shape_cast %get3A_268 : vector<1x16xf32> to vector<16xf32>
        %swap3A_270 = arith.index_cast %add3A_256 : i32 to index
        %swap3A_271 = arith.constant 16 : index
        %swap3A_272 = tpu.vector_load %arg11[%swap3A_270, %swap3A_271] {strides = array<i32>} : memref<128x64xf32, #tpu.memory_space<vmem>>, vector<1x16xf32>,
        %swap3A_273 = vector.shape_cast %swap3A_272 : vector<1x16xf32> to vector<16xf32>
        %swap3A_274 = vector.shape_cast %get3A_269 : vector<16xf32> to vector<1x16xf32>
        tpu.vector_store %arg11[%swap3A_270, %swap3A_271], %swap3A_274 {strides = array<i32>} : memref<128x64xf32, #tpu.memory_space<vmem>>, vector<1x16xf32>,
        %get3A_275 = arith.index_cast %add3A_256 : i32 to index
        %get3A_276 = arith.constant 32 : index
        %get3A_277 = tpu.vector_load %arg9[%get3A_275, %get3A_276] {strides = array<i32>} : memref<128x128xf32, #tpu.memory_space<vmem>>, vector<1x16xf32>,
        %get3A_278 = vector.shape_cast %get3A_277 : vector<1x16xf32> to vector<16xf32>
        %swap3A_279 = arith.index_cast %add3A_256 : i32 to index
        %swap3A_280 = arith.constant 32 : index
        %swap3A_281 = tpu.vector_load %arg11[%swap3A_279, %swap3A_280] {strides = array<i32>} : memref<128x64xf32, #tpu.memory_space<vmem>>, vector<1x16xf32>,
        %swap3A_282 = vector.shape_cast %swap3A_281 : vector<1x16xf32> to vector<16xf32>
        %swap3A_283 = vector.shape_cast %get3A_278 : vector<16xf32> to vector<1x16xf32>
        tpu.vector_store %arg11[%swap3A_279, %swap3A_280], %swap3A_283 {strides = array<i32>} : memref<128x64xf32, #tpu.memory_space<vmem>>, vector<1x16xf32>,
        %get3A_284 = arith.index_cast %add3A_256 : i32 to index
        %get3A_285 = arith.constant 48 : index
        %get3A_286 = tpu.vector_load %arg9[%get3A_284, %get3A_285] {strides = array<i32>} : memref<128x128xf32, #tpu.memory_space<vmem>>, vector<1x16xf32>,
        %get3A_287 = vector.shape_cast %get3A_286 : vector<1x16xf32> to vector<16xf32>
        %swap3A_288 = arith.index_cast %add3A_256 : i32 to index
        %swap3A_289 = arith.constant 48 : index
        %swap3A_290 = tpu.vector_load %arg11[%swap3A_288, %swap3A_289] {strides = array<i32>} : memref<128x64xf32, #tpu.memory_space<vmem>>, vector<1x16xf32>,
        %swap3A_291 = vector.shape_cast %swap3A_290 : vector<1x16xf32> to vector<16xf32>
        %swap3A_292 = vector.shape_cast %get3A_287 : vector<16xf32> to vector<1x16xf32>
        tpu.vector_store %arg11[%swap3A_288, %swap3A_289], %swap3A_292 {strides = array<i32>} : memref<128x64xf32, #tpu.memory_space<vmem>>, vector<1x16xf32>,
        %scan3A_293 = arith.constant 3 : i32
        %scan3A_294 = arith.addi %scan3A_170, %scan3A_293 : i32
        %mul3A_295 = arith.constant 1 : i32
        %mul3A_296 = arith.muli %scan3A_294, %mul3A_295 : i32
        %add3A_297 = arith.constant 0 : i32
        %add3A_298 = arith.addi %add3A_297, %mul3A_296 : i32
        %get3A_299 = arith.index_cast %add3A_298 : i32 to index
        %get3A_300 = arith.constant 0 : index
        %get3A_301 = tpu.vector_load %arg9[%get3A_299, %get3A_300] {strides = array<i32>} : memref<128x128xf32, #tpu.memory_space<vmem>>, vector<1x16xf32>,
        %get3A_302 = vector.shape_cast %get3A_301 : vector<1x16xf32> to vector<16xf32>
        %swap3A_303 = arith.index_cast %add3A_298 : i32 to index
        %swap3A_304 = arith.constant 0 : index
        %swap3A_305 = tpu.vector_load %arg11[%swap3A_303, %swap3A_304] {strides = array<i32>} : memref<128x64xf32, #tpu.memory_space<vmem>>, vector<1x16xf32>,
        %swap3A_306 = vector.shape_cast %swap3A_305 : vector<1x16xf32> to vector<16xf32>
        %swap3A_307 = vector.shape_cast %get3A_302 : vector<16xf32> to vector<1x16xf32>
        tpu.vector_store %arg11[%swap3A_303, %swap3A_304], %swap3A_307 {strides = array<i32>} : memref<128x64xf32, #tpu.memory_space<vmem>>, vector<1x16xf32>,
        %get3A_308 = arith.index_cast %add3A_298 : i32 to index
        %get3A_309 = arith.constant 16 : index
        %get3A_310 = tpu.vector_load %arg9[%get3A_308, %get3A_309] {strides = array<i32>} : memref<128x128xf32, #tpu.memory_space<vmem>>, vector<1x16xf32>,
        %get3A_311 = vector.shape_cast %get3A_310 : vector<1x16xf32> to vector<16xf32>
        %swap3A_312 = arith.index_cast %add3A_298 : i32 to index
        %swap3A_313 = arith.constant 16 : index
        %swap3A_314 = tpu.vector_load %arg11[%swap3A_312, %swap3A_313] {strides = array<i32>} : memref<128x64xf32, #tpu.memory_space<vmem>>, vector<1x16xf32>,
        %swap3A_315 = vector.shape_cast %swap3A_314 : vector<1x16xf32> to vector<16xf32>
        %swap3A_316 = vector.shape_cast %get3A_311 : vector<16xf32> to vector<1x16xf32>
        tpu.vector_store %arg11[%swap3A_312, %swap3A_313], %swap3A_316 {strides = array<i32>} : memref<128x64xf32, #tpu.memory_space<vmem>>, vector<1x16xf32>,
        %get3A_317 = arith.index_cast %add3A_298 : i32 to index
        %get3A_318 = arith.constant 32 : index
        %get3A_319 = tpu.vector_load %arg9[%get3A_317, %get3A_318] {strides = array<i32>} : memref<128x128xf32, #tpu.memory_space<vmem>>, vector<1x16xf32>,
        %get3A_320 = vector.shape_cast %get3A_319 : vector<1x16xf32> to vector<16xf32>
        %swap3A_321 = arith.index_cast %add3A_298 : i32 to index
        %swap3A_322 = arith.constant 32 : index
        %swap3A_323 = tpu.vector_load %arg11[%swap3A_321, %swap3A_322] {strides = array<i32>} : memref<128x64xf32, #tpu.memory_space<vmem>>, vector<1x16xf32>,
        %swap3A_324 = vector.shape_cast %swap3A_323 : vector<1x16xf32> to vector<16xf32>
        %swap3A_325 = vector.shape_cast %get3A_320 : vector<16xf32> to vector<1x16xf32>
        tpu.vector_store %arg11[%swap3A_321, %swap3A_322], %swap3A_325 {strides = array<i32>} : memref<128x64xf32, #tpu.memory_space<vmem>>, vector<1x16xf32>,
        %get3A_326 = arith.index_cast %add3A_298 : i32 to index
        %get3A_327 = arith.constant 48 : index
        %get3A_328 = tpu.vector_load %arg9[%get3A_326, %get3A_327] {strides = array<i32>} : memref<128x128xf32, #tpu.memory_space<vmem>>, vector<1x16xf32>,
        %get3A_329 = vector.shape_cast %get3A_328 : vector<1x16xf32> to vector<16xf32>
        %swap3A_330 = arith.index_cast %add3A_298 : i32 to index
        %swap3A_331 = arith.constant 48 : index
        %swap3A_332 = tpu.vector_load %arg11[%swap3A_330, %swap3A_331] {strides = array<i32>} : memref<128x64xf32, #tpu.memory_space<vmem>>, vector<1x16xf32>,
        %swap3A_333 = vector.shape_cast %swap3A_332 : vector<1x16xf32> to vector<16xf32>
        %swap3A_334 = vector.shape_cast %get3A_329 : vector<16xf32> to vector<1x16xf32>
        tpu.vector_store %arg11[%swap3A_330, %swap3A_331], %swap3A_334 {strides = array<i32>} : memref<128x64xf32, #tpu.memory_space<vmem>>, vector<1x16xf32>,
        %scan3A_335 = arith.constant 4 : i32
        %scan3A_336 = arith.addi %scan3A_170, %scan3A_335 : i32
        %mul3A_337 = arith.constant 1 : i32
        %mul3A_338 = arith.muli %scan3A_336, %mul3A_337 : i32
        %add3A_339 = arith.constant 0 : i32
        %add3A_340 = arith.addi %add3A_339, %mul3A_338 : i32
        %get3A_341 = arith.index_cast %add3A_340 : i32 to index
        %get3A_342 = arith.constant 0 : index
        %get3A_343 = tpu.vector_load %arg9[%get3A_341, %get3A_342] {strides = array<i32>} : memref<128x128xf32, #tpu.memory_space<vmem>>, vector<1x16xf32>,
        %get3A_344 = vector.shape_cast %get3A_343 : vector<1x16xf32> to vector<16xf32>
        %swap3A_345 = arith.index_cast %add3A_340 : i32 to index
        %swap3A_346 = arith.constant 0 : index
        %swap3A_347 = tpu.vector_load %arg11[%swap3A_345, %swap3A_346] {strides = array<i32>} : memref<128x64xf32, #tpu.memory_space<vmem>>, vector<1x16xf32>,
        %swap3A_348 = vector.shape_cast %swap3A_347 : vector<1x16xf32> to vector<16xf32>
        %swap3A_349 = vector.shape_cast %get3A_344 : vector<16xf32> to vector<1x16xf32>
        tpu.vector_store %arg11[%swap3A_345, %swap3A_346], %swap3A_349 {strides = array<i32>} : memref<128x64xf32, #tpu.memory_space<vmem>>, vector<1x16xf32>,
        %get3A_350 = arith.index_cast %add3A_340 : i32 to index
        %get3A_351 = arith.constant 16 : index
        %get3A_352 = tpu.vector_load %arg9[%get3A_350, %get3A_351] {strides = array<i32>} : memref<128x128xf32, #tpu.memory_space<vmem>>, vector<1x16xf32>,
        %get3A_353 = vector.shape_cast %get3A_352 : vector<1x16xf32> to vector<16xf32>
        %swap3A_354 = arith.index_cast %add3A_340 : i32 to index
        %swap3A_355 = arith.constant 16 : index
        %swap3A_356 = tpu.vector_load %arg11[%swap3A_354, %swap3A_355] {strides = array<i32>} : memref<128x64xf32, #tpu.memory_space<vmem>>, vector<1x16xf32>,
        %swap3A_357 = vector.shape_cast %swap3A_356 : vector<1x16xf32> to vector<16xf32>
        %swap3A_358 = vector.shape_cast %get3A_353 : vector<16xf32> to vector<1x16xf32>
        tpu.vector_store %arg11[%swap3A_354, %swap3A_355], %swap3A_358 {strides = array<i32>} : memref<128x64xf32, #tpu.memory_space<vmem>>, vector<1x16xf32>,
        %get3A_359 = arith.index_cast %add3A_340 : i32 to index
        %get3A_360 = arith.constant 32 : index
        %get3A_361 = tpu.vector_load %arg9[%get3A_359, %get3A_360] {strides = array<i32>} : memref<128x128xf32, #tpu.memory_space<vmem>>, vector<1x16xf32>,
        %get3A_362 = vector.shape_cast %get3A_361 : vector<1x16xf32> to vector<16xf32>
        %swap3A_363 = arith.index_cast %add3A_340 : i32 to index
        %swap3A_364 = arith.constant 32 : index
        %swap3A_365 = tpu.vector_load %arg11[%swap3A_363, %swap3A_364] {strides = array<i32>} : memref<128x64xf32, #tpu.memory_space<vmem>>, vector<1x16xf32>,
        %swap3A_366 = vector.shape_cast %swap3A_365 : vector<1x16xf32> to vector<16xf32>
        %swap3A_367 = vector.shape_cast %get3A_362 : vector<16xf32> to vector<1x16xf32>
        tpu.vector_store %arg11[%swap3A_363, %swap3A_364], %swap3A_367 {strides = array<i32>} : memref<128x64xf32, #tpu.memory_space<vmem>>, vector<1x16xf32>,
        %get3A_368 = arith.index_cast %add3A_340 : i32 to index
        %get3A_369 = arith.constant 48 : index
        %get3A_370 = tpu.vector_load %arg9[%get3A_368, %get3A_369] {strides = array<i32>} : memref<128x128xf32, #tpu.memory_space<vmem>>, vector<1x16xf32>,
        %get3A_371 = vector.shape_cast %get3A_370 : vector<1x16xf32> to vector<16xf32>
        %swap3A_372 = arith.index_cast %add3A_340 : i32 to index
        %swap3A_373 = arith.constant 48 : index
        %swap3A_374 = tpu.vector_load %arg11[%swap3A_372, %swap3A_373] {strides = array<i32>} : memref<128x64xf32, #tpu.memory_space<vmem>>, vector<1x16xf32>,
        %swap3A_375 = vector.shape_cast %swap3A_374 : vector<1x16xf32> to vector<16xf32>
        %swap3A_376 = vector.shape_cast %get3A_371 : vector<16xf32> to vector<1x16xf32>
        tpu.vector_store %arg11[%swap3A_372, %swap3A_373], %swap3A_376 {strides = array<i32>} : memref<128x64xf32, #tpu.memory_space<vmem>>, vector<1x16xf32>,
        %scan3A_377 = arith.constant 5 : i32
        %scan3A_378 = arith.addi %scan3A_170, %scan3A_377 : i32
        %mul3A_379 = arith.constant 1 : i32
        %mul3A_380 = arith.muli %scan3A_378, %mul3A_379 : i32
        %add3A_381 = arith.constant 0 : i32
        %add3A_382 = arith.addi %add3A_381, %mul3A_380 : i32
        %get3A_383 = arith.index_cast %add3A_382 : i32 to index
        %get3A_384 = arith.constant 0 : index
        %get3A_385 = tpu.vector_load %arg9[%get3A_383, %get3A_384] {strides = array<i32>} : memref<128x128xf32, #tpu.memory_space<vmem>>, vector<1x16xf32>,
        %get3A_386 = vector.shape_cast %get3A_385 : vector<1x16xf32> to vector<16xf32>
        %swap3A_387 = arith.index_cast %add3A_382 : i32 to index
        %swap3A_388 = arith.constant 0 : index
        %swap3A_389 = tpu.vector_load %arg11[%swap3A_387, %swap3A_388] {strides = array<i32>} : memref<128x64xf32, #tpu.memory_space<vmem>>, vector<1x16xf32>,
        %swap3A_390 = vector.shape_cast %swap3A_389 : vector<1x16xf32> to vector<16xf32>
        %swap3A_391 = vector.shape_cast %get3A_386 : vector<16xf32> to vector<1x16xf32>
        tpu.vector_store %arg11[%swap3A_387, %swap3A_388], %swap3A_391 {strides = array<i32>} : memref<128x64xf32, #tpu.memory_space<vmem>>, vector<1x16xf32>,
        %get3A_392 = arith.index_cast %add3A_382 : i32 to index
        %get3A_393 = arith.constant 16 : index
        %get3A_394 = tpu.vector_load %arg9[%get3A_392, %get3A_393] {strides = array<i32>} : memref<128x128xf32, #tpu.memory_space<vmem>>, vector<1x16xf32>,
        %get3A_395 = vector.shape_cast %get3A_394 : vector<1x16xf32> to vector<16xf32>
        %swap3A_396 = arith.index_cast %add3A_382 : i32 to index
        %swap3A_397 = arith.constant 16 : index
        %swap3A_398 = tpu.vector_load %arg11[%swap3A_396, %swap3A_397] {strides = array<i32>} : memref<128x64xf32, #tpu.memory_space<vmem>>, vector<1x16xf32>,
        %swap3A_399 = vector.shape_cast %swap3A_398 : vector<1x16xf32> to vector<16xf32>
        %swap3A_400 = vector.shape_cast %get3A_395 : vector<16xf32> to vector<1x16xf32>
        tpu.vector_store %arg11[%swap3A_396, %swap3A_397], %swap3A_400 {strides = array<i32>} : memref<128x64xf32, #tpu.memory_space<vmem>>, vector<1x16xf32>,
        %get3A_401 = arith.index_cast %add3A_382 : i32 to index
        %get3A_402 = arith.constant 32 : index
        %get3A_403 = tpu.vector_load %arg9[%get3A_401, %get3A_402] {strides = array<i32>} : memref<128x128xf32, #tpu.memory_space<vmem>>, vector<1x16xf32>,
        %get3A_404 = vector.shape_cast %get3A_403 : vector<1x16xf32> to vector<16xf32>
        %swap3A_405 = arith.index_cast %add3A_382 : i32 to index
        %swap3A_406 = arith.constant 32 : index
        %swap3A_407 = tpu.vector_load %arg11[%swap3A_405, %swap3A_406] {strides = array<i32>} : memref<128x64xf32, #tpu.memory_space<vmem>>, vector<1x16xf32>,
        %swap3A_408 = vector.shape_cast %swap3A_407 : vector<1x16xf32> to vector<16xf32>
        %swap3A_409 = vector.shape_cast %get3A_404 : vector<16xf32> to vector<1x16xf32>
        tpu.vector_store %arg11[%swap3A_405, %swap3A_406], %swap3A_409 {strides = array<i32>} : memref<128x64xf32, #tpu.memory_space<vmem>>, vector<1x16xf32>,
        %get3A_410 = arith.index_cast %add3A_382 : i32 to index
        %get3A_411 = arith.constant 48 : index
        %get3A_412 = tpu.vector_load %arg9[%get3A_410, %get3A_411] {strides = array<i32>} : memref<128x128xf32, #tpu.memory_space<vmem>>, vector<1x16xf32>,
        %get3A_413 = vector.shape_cast %get3A_412 : vector<1x16xf32> to vector<16xf32>
        %swap3A_414 = arith.index_cast %add3A_382 : i32 to index
        %swap3A_415 = arith.constant 48 : index
        %swap3A_416 = tpu.vector_load %arg11[%swap3A_414, %swap3A_415] {strides = array<i32>} : memref<128x64xf32, #tpu.memory_space<vmem>>, vector<1x16xf32>,
        %swap3A_417 = vector.shape_cast %swap3A_416 : vector<1x16xf32> to vector<16xf32>
        %swap3A_418 = vector.shape_cast %get3A_413 : vector<16xf32> to vector<1x16xf32>
        tpu.vector_store %arg11[%swap3A_414, %swap3A_415], %swap3A_418 {strides = array<i32>} : memref<128x64xf32, #tpu.memory_space<vmem>>, vector<1x16xf32>,
        %scan3A_419 = arith.constant 6 : i32
        %scan3A_420 = arith.addi %scan3A_170, %scan3A_419 : i32
        %mul3A_421 = arith.constant 1 : i32
        %mul3A_422 = arith.muli %scan3A_420, %mul3A_421 : i32
        %add3A_423 = arith.constant 0 : i32
        %add3A_424 = arith.addi %add3A_423, %mul3A_422 : i32
        %get3A_425 = arith.index_cast %add3A_424 : i32 to index
        %get3A_426 = arith.constant 0 : index
        %get3A_427 = tpu.vector_load %arg9[%get3A_425, %get3A_426] {strides = array<i32>} : memref<128x128xf32, #tpu.memory_space<vmem>>, vector<1x16xf32>,
        %get3A_428 = vector.shape_cast %get3A_427 : vector<1x16xf32> to vector<16xf32>
        %swap3A_429 = arith.index_cast %add3A_424 : i32 to index
        %swap3A_430 = arith.constant 0 : index
        %swap3A_431 = tpu.vector_load %arg11[%swap3A_429, %swap3A_430] {strides = array<i32>} : memref<128x64xf32, #tpu.memory_space<vmem>>, vector<1x16xf32>,
        %swap3A_432 = vector.shape_cast %swap3A_431 : vector<1x16xf32> to vector<16xf32>
        %swap3A_433 = vector.shape_cast %get3A_428 : vector<16xf32> to vector<1x16xf32>
        tpu.vector_store %arg11[%swap3A_429, %swap3A_430], %swap3A_433 {strides = array<i32>} : memref<128x64xf32, #tpu.memory_space<vmem>>, vector<1x16xf32>,
        %get3A_434 = arith.index_cast %add3A_424 : i32 to index
        %get3A_435 = arith.constant 16 : index
        %get3A_436 = tpu.vector_load %arg9[%get3A_434, %get3A_435] {strides = array<i32>} : memref<128x128xf32, #tpu.memory_space<vmem>>, vector<1x16xf32>,
        %get3A_437 = vector.shape_cast %get3A_436 : vector<1x16xf32> to vector<16xf32>
        %swap3A_438 = arith.index_cast %add3A_424 : i32 to index
        %swap3A_439 = arith.constant 16 : index
        %swap3A_440 = tpu.vector_load %arg11[%swap3A_438, %swap3A_439] {strides = array<i32>} : memref<128x64xf32, #tpu.memory_space<vmem>>, vector<1x16xf32>,
        %swap3A_441 = vector.shape_cast %swap3A_440 : vector<1x16xf32> to vector<16xf32>
        %swap3A_442 = vector.shape_cast %get3A_437 : vector<16xf32> to vector<1x16xf32>
        tpu.vector_store %arg11[%swap3A_438, %swap3A_439], %swap3A_442 {strides = array<i32>} : memref<128x64xf32, #tpu.memory_space<vmem>>, vector<1x16xf32>,
        %get3A_443 = arith.index_cast %add3A_424 : i32 to index
        %get3A_444 = arith.constant 32 : index
        %get3A_445 = tpu.vector_load %arg9[%get3A_443, %get3A_444] {strides = array<i32>} : memref<128x128xf32, #tpu.memory_space<vmem>>, vector<1x16xf32>,
        %get3A_446 = vector.shape_cast %get3A_445 : vector<1x16xf32> to vector<16xf32>
        %swap3A_447 = arith.index_cast %add3A_424 : i32 to index
        %swap3A_448 = arith.constant 32 : index
        %swap3A_449 = tpu.vector_load %arg11[%swap3A_447, %swap3A_448] {strides = array<i32>} : memref<128x64xf32, #tpu.memory_space<vmem>>, vector<1x16xf32>,
        %swap3A_450 = vector.shape_cast %swap3A_449 : vector<1x16xf32> to vector<16xf32>
        %swap3A_451 = vector.shape_cast %get3A_446 : vector<16xf32> to vector<1x16xf32>
        tpu.vector_store %arg11[%swap3A_447, %swap3A_448], %swap3A_451 {strides = array<i32>} : memref<128x64xf32, #tpu.memory_space<vmem>>, vector<1x16xf32>,
        %get3A_452 = arith.index_cast %add3A_424 : i32 to index
        %get3A_453 = arith.constant 48 : index
        %get3A_454 = tpu.vector_load %arg9[%get3A_452, %get3A_453] {strides = array<i32>} : memref<128x128xf32, #tpu.memory_space<vmem>>, vector<1x16xf32>,
        %get3A_455 = vector.shape_cast %get3A_454 : vector<1x16xf32> to vector<16xf32>
        %swap3A_456 = arith.index_cast %add3A_424 : i32 to index
        %swap3A_457 = arith.constant 48 : index
        %swap3A_458 = tpu.vector_load %arg11[%swap3A_456, %swap3A_457] {strides = array<i32>} : memref<128x64xf32, #tpu.memory_space<vmem>>, vector<1x16xf32>,
        %swap3A_459 = vector.shape_cast %swap3A_458 : vector<1x16xf32> to vector<16xf32>
        %swap3A_460 = vector.shape_cast %get3A_455 : vector<16xf32> to vector<1x16xf32>
        tpu.vector_store %arg11[%swap3A_456, %swap3A_457], %swap3A_460 {strides = array<i32>} : memref<128x64xf32, #tpu.memory_space<vmem>>, vector<1x16xf32>,
        %scan3A_461 = arith.constant 7 : i32
        %scan3A_462 = arith.addi %scan3A_170, %scan3A_461 : i32
        %mul3A_463 = arith.constant 1 : i32
        %mul3A_464 = arith.muli %scan3A_462, %mul3A_463 : i32
        %add3A_465 = arith.constant 0 : i32
        %add3A_466 = arith.addi %add3A_465, %mul3A_464 : i32
        %get3A_467 = arith.index_cast %add3A_466 : i32 to index
        %get3A_468 = arith.constant 0 : index
        %get3A_469 = tpu.vector_load %arg9[%get3A_467, %get3A_468] {strides = array<i32>} : memref<128x128xf32, #tpu.memory_space<vmem>>, vector<1x16xf32>,
        %get3A_470 = vector.shape_cast %get3A_469 : vector<1x16xf32> to vector<16xf32>
        %swap3A_471 = arith.index_cast %add3A_466 : i32 to index
        %swap3A_472 = arith.constant 0 : index
        %swap3A_473 = tpu.vector_load %arg11[%swap3A_471, %swap3A_472] {strides = array<i32>} : memref<128x64xf32, #tpu.memory_space<vmem>>, vector<1x16xf32>,
        %swap3A_474 = vector.shape_cast %swap3A_473 : vector<1x16xf32> to vector<16xf32>
        %swap3A_475 = vector.shape_cast %get3A_470 : vector<16xf32> to vector<1x16xf32>
        tpu.vector_store %arg11[%swap3A_471, %swap3A_472], %swap3A_475 {strides = array<i32>} : memref<128x64xf32, #tpu.memory_space<vmem>>, vector<1x16xf32>,
        %get3A_476 = arith.index_cast %add3A_466 : i32 to index
        %get3A_477 = arith.constant 16 : index
        %get3A_478 = tpu.vector_load %arg9[%get3A_476, %get3A_477] {strides = array<i32>} : memref<128x128xf32, #tpu.memory_space<vmem>>, vector<1x16xf32>,
        %get3A_479 = vector.shape_cast %get3A_478 : vector<1x16xf32> to vector<16xf32>
        %swap3A_480 = arith.index_cast %add3A_466 : i32 to index
        %swap3A_481 = arith.constant 16 : index
        %swap3A_482 = tpu.vector_load %arg11[%swap3A_480, %swap3A_481] {strides = array<i32>} : memref<128x64xf32, #tpu.memory_space<vmem>>, vector<1x16xf32>,
        %swap3A_483 = vector.shape_cast %swap3A_482 : vector<1x16xf32> to vector<16xf32>
        %swap3A_484 = vector.shape_cast %get3A_479 : vector<16xf32> to vector<1x16xf32>
        tpu.vector_store %arg11[%swap3A_480, %swap3A_481], %swap3A_484 {strides = array<i32>} : memref<128x64xf32, #tpu.memory_space<vmem>>, vector<1x16xf32>,
        %get3A_485 = arith.index_cast %add3A_466 : i32 to index
        %get3A_486 = arith.constant 32 : index
        %get3A_487 = tpu.vector_load %arg9[%get3A_485, %get3A_486] {strides = array<i32>} : memref<128x128xf32, #tpu.memory_space<vmem>>, vector<1x16xf32>,
        %get3A_488 = vector.shape_cast %get3A_487 : vector<1x16xf32> to vector<16xf32>
        %swap3A_489 = arith.index_cast %add3A_466 : i32 to index
        %swap3A_490 = arith.constant 32 : index
        %swap3A_491 = tpu.vector_load %arg11[%swap3A_489, %swap3A_490] {strides = array<i32>} : memref<128x64xf32, #tpu.memory_space<vmem>>, vector<1x16xf32>,
        %swap3A_492 = vector.shape_cast %swap3A_491 : vector<1x16xf32> to vector<16xf32>
        %swap3A_493 = vector.shape_cast %get3A_488 : vector<16xf32> to vector<1x16xf32>
        tpu.vector_store %arg11[%swap3A_489, %swap3A_490], %swap3A_493 {strides = array<i32>} : memref<128x64xf32, #tpu.memory_space<vmem>>, vector<1x16xf32>,
        %get3A_494 = arith.index_cast %add3A_466 : i32 to index
        %get3A_495 = arith.constant 48 : index
        %get3A_496 = tpu.vector_load %arg9[%get3A_494, %get3A_495] {strides = array<i32>} : memref<128x128xf32, #tpu.memory_space<vmem>>, vector<1x16xf32>,
        %get3A_497 = vector.shape_cast %get3A_496 : vector<1x16xf32> to vector<16xf32>
        %swap3A_498 = arith.index_cast %add3A_466 : i32 to index
        %swap3A_499 = arith.constant 48 : index
        %swap3A_500 = tpu.vector_load %arg11[%swap3A_498, %swap3A_499] {strides = array<i32>} : memref<128x64xf32, #tpu.memory_space<vmem>>, vector<1x16xf32>,
        %swap3A_501 = vector.shape_cast %swap3A_500 : vector<1x16xf32> to vector<16xf32>
        %swap3A_502 = vector.shape_cast %get3A_497 : vector<16xf32> to vector<1x16xf32>
        tpu.vector_store %arg11[%swap3A_498, %swap3A_499], %swap3A_502 {strides = array<i32>} : memref<128x64xf32, #tpu.memory_space<vmem>>, vector<1x16xf32>,
      }
      %scan3A_162 = arith.constant 128 : i32
      %mul3A_163 = arith.constant 128 : i32
      %mul3A_164 = arith.muli %add3A_139, %mul3A_163 : i32
      %add3A_165 = arith.addi %mul3A_2, %mul3A_164 : i32
      %dma_start3A_166 = arith.constant 0 : i32
      %dma_start3A_167 = tpu.memref_slice %arg4[%add3A_165, %dma_start3A_166] : memref<425984x64xf32, #tpu.memory_space<hbm>> -> memref<128x64xf32, #tpu.memory_space<hbm>>
      %dma_start3A_168 = arith.constant 0 : i32
      %dma_start3A_169 = tpu.memref_slice %arg4[%add3A_165, %dma_start3A_168] : memref<425984x64xf32, #tpu.memory_space<hbm>> -> memref<128x64xf32, #tpu.memory_space<hbm>>
      tpu.enqueue_dma source(%arg11 : memref<128x64xf32, #tpu.memory_space<vmem>>) target(%dma_start3A_169 : memref<128x64xf32, #tpu.memory_space<hbm>>) target_semaphore(%arg17 : memref<!tpu.dma_semaphore, #tpu.memory_space<semaphore_mem>>)
    }
    %scan3A_21 = arith.constant 26 : i32
    %dma_wait3A = arith.constant 0 : i32
    %dma_wait3A_22 = arith.constant 0 : i32
    %dma_wait3A_23 = tpu.memref_slice %arg4[%dma_wait3A, %dma_wait3A_22] : memref<425984x64xf32, #tpu.memory_space<hbm>> -> memref<128x64xf32, #tpu.memory_space<hbm>>
    %dma_wait3A_24 = arith.constant 0 : i32
    %dma_wait3A_25 = arith.constant 0 : i32
    %dma_wait3A_26 = tpu.memref_slice %arg4[%dma_wait3A_24, %dma_wait3A_25] : memref<425984x64xf32, #tpu.memory_space<hbm>> -> memref<128x64xf32, #tpu.memory_space<hbm>>
    tpu.wait_dma2 semaphore(%arg16 : memref<!tpu.dma_semaphore, #tpu.memory_space<semaphore_mem>>) src(%arg10 : memref<128x64xf32, #tpu.memory_space<vmem>>) dst(%dma_wait3A_26 : memref<128x64xf32, #tpu.memory_space<hbm>>)
    %dma_wait3A_27 = arith.constant 0 : i32
    %dma_wait3A_28 = arith.constant 0 : i32
    %dma_wait3A_29 = tpu.memref_slice %arg4[%dma_wait3A_27, %dma_wait3A_28] : memref<425984x64xf32, #tpu.memory_space<hbm>> -> memref<128x64xf32, #tpu.memory_space<hbm>>
    %dma_wait3A_30 = arith.constant 0 : i32
    %dma_wait3A_31 = arith.constant 0 : i32
    %dma_wait3A_32 = tpu.memref_slice %arg4[%dma_wait3A_30, %dma_wait3A_31] : memref<425984x64xf32, #tpu.memory_space<hbm>> -> memref<128x64xf32, #tpu.memory_space<hbm>>
    tpu.wait_dma2 semaphore(%arg17 : memref<!tpu.dma_semaphore, #tpu.memory_space<semaphore_mem>>) src(%arg11 : memref<128x64xf32, #tpu.memory_space<vmem>>) dst(%dma_wait3A_32 : memref<128x64xf32, #tpu.memory_space<hbm>>)
    return
  }
}

module attributes {stable_mosaic.version = 14 : i64} {
  func.func @_gidx_body(%arg0: memref<16384x26xi32, #tpu.memory_space<vmem>>, %arg1: memref<26x16384xi32, #tpu.memory_space<vmem>>) attributes {dimension_semantics = [], scalar_prefetch = 0 : i64, scratch_operands = 0 : i64, tpu.core_type = #tpu.core_type<tc>} {
    %get3A = arith.constant 0 : index
    %get3A_0 = arith.constant 0 : index
    %get3A_1 = vector.load %arg0[%get3A, %get3A_0] : memref<16384x26xi32, #tpu.memory_space<vmem>>, vector<16384x26xi32>
    %transpose3A = tpu.transpose %get3A_1, [1, 0] : vector<16384x26xi32> -> vector<26x16384xi32>
    %ge3A = arith.constant 0 : i32
    %ge3A_2 = vector.broadcast %ge3A : i32 to vector<26x16384xi32>
    %ge3A_3 = arith.cmpi sge, %transpose3A, %ge3A_2 : vector<26x16384xi32>
    %lt3A = arith.constant 64 : i32
    %lt3A_4 = vector.broadcast %lt3A : i32 to vector<26x16384xi32>
    %lt3A_5 = arith.cmpi slt, %transpose3A, %lt3A_4 : vector<26x16384xi32>
    %and3A = arith.andi %ge3A_3, %lt3A_5 : vector<26x16384xi1>
    %jit3A = arith.constant 0 : i32
    %broadcast_in_dim3A = vector.broadcast %jit3A : i32 to vector<26x16384xi32>
    %select_n3A = arith.select %and3A, %transpose3A, %broadcast_in_dim3A : vector<26x16384xi1>, vector<26x16384xi32>
    %iota3A = tpu.iota {dimensions = array<i32: 0>} : vector<26x16384xi32>
    %mul3A = arith.constant 64 : i32
    %mul3A_6 = vector.broadcast %mul3A : i32 to vector<26x16384xi32>
    %mul3A_7 = arith.muli %iota3A, %mul3A_6 : vector<26x16384xi32>
    %add3A = arith.addi %select_n3A, %mul3A_7 : vector<26x16384xi32>
    %swap3A = arith.constant 0 : index
    %swap3A_8 = arith.constant 0 : index
    %swap3A_9 = vector.load %arg1[%swap3A, %swap3A_8] : memref<26x16384xi32, #tpu.memory_space<vmem>>, vector<26x16384xi32>
    tpu.vector_store %arg1[%swap3A, %swap3A_8], %add3A {strides = array<i32>} : memref<26x16384xi32, #tpu.memory_space<vmem>>, vector<26x16384xi32>,
    return
  }
}

module attributes {stable_mosaic.version = 14 : i64} {
  func.func @_mlp_fold_body(%arg0: i32, %arg1: memref<1x64x64xf32, #tpu.memory_space<vmem>>, %arg2: memref<1x64x128xf32, #tpu.memory_space<vmem>>, %arg3: memref<1x1x128xf32, #tpu.memory_space<vmem>>, %arg4: memref<1x128x64xf32, #tpu.memory_space<vmem>>, %arg5: memref<1x1x64xf32, #tpu.memory_space<vmem>>, %arg6: memref<1x64x128xf32, #tpu.memory_space<vmem>>) attributes {dimension_semantics = [#tpu.dimension_semantics<arbitrary>], iteration_bounds = array<i64: 26>, scalar_prefetch = 0 : i64, scratch_operands = 0 : i64, tpu.core_type = #tpu.core_type<tc>, window_params = [{transform_indices = @transform_0, window_bounds = array<i64: 1, 64, 64>}, {transform_indices = @transform_1, window_bounds = array<i64: 1, 64, 128>}, {transform_indices = @transform_2, window_bounds = array<i64: 1, 1, 128>}, {transform_indices = @transform_3, window_bounds = array<i64: 1, 128, 64>}, {transform_indices = @transform_4, window_bounds = array<i64: 1, 1, 64>}, {transform_indices = @transform_5, window_bounds = array<i64: 1, 64, 128>}]} {
    %get3A = arith.constant 0 : index
    %get3A_0 = arith.constant 0 : index
    %get3A_1 = arith.constant 0 : index
    %get3A_2 = vector.load %arg1[%get3A, %get3A_0, %get3A_1] : memref<1x64x64xf32, #tpu.memory_space<vmem>>, vector<1x64x64xf32>
    %get3A_3 = vector.shape_cast %get3A_2 : vector<1x64x64xf32> to vector<64x64xf32>
    %get3A_4 = arith.constant 0 : index
    %get3A_5 = arith.constant 0 : index
    %get3A_6 = arith.constant 0 : index
    %get3A_7 = vector.load %arg2[%get3A_4, %get3A_5, %get3A_6] : memref<1x64x128xf32, #tpu.memory_space<vmem>>, vector<1x64x128xf32>
    %get3A_8 = vector.shape_cast %get3A_7 : vector<1x64x128xf32> to vector<64x128xf32>
    %dot_general3A = arith.constant dense<0.000000e+00> : vector<64x128xf32>
    %dot_general3A_9 = tpu.matmul %get3A_3, %get3A_8, %dot_general3A {dimension_numbers = #tpu.dot_dimension_numbers<[1], [0], [0], [1], [0, 0, 1, 1], [], []>, transpose_lhs_hint = false} : vector<64x64xf32>, vector<64x128xf32>, vector<64x128xf32> -> vector<64x128xf32>
    %get3A_10 = arith.constant 0 : index
    %get3A_11 = arith.constant 0 : index
    %get3A_12 = arith.constant 0 : index
    %get3A_13 = vector.load %arg3[%get3A_10, %get3A_11, %get3A_12] : memref<1x1x128xf32, #tpu.memory_space<vmem>>, vector<1x1x128xf32>
    %get3A_14 = vector.shape_cast %get3A_13 : vector<1x1x128xf32> to vector<1x128xf32>
    %add3A = vector.broadcast %get3A_14 : vector<1x128xf32> to vector<64x128xf32>
    %add3A_15 = arith.addf %dot_general3A_9, %add3A : vector<64x128xf32>
    %max3A = arith.constant 0.000000e+00 : f32
    %max3A_16 = vector.broadcast %max3A : f32 to vector<64x128xf32>
    %max3A_17 = arith.maximumf %add3A_15, %max3A_16 : vector<64x128xf32>
    %get3A_18 = arith.constant 0 : index
    %get3A_19 = arith.constant 0 : index
    %get3A_20 = arith.constant 0 : index
    %get3A_21 = vector.load %arg4[%get3A_18, %get3A_19, %get3A_20] : memref<1x128x64xf32, #tpu.memory_space<vmem>>, vector<1x128x64xf32>
    %get3A_22 = vector.shape_cast %get3A_21 : vector<1x128x64xf32> to vector<128x64xf32>
    %dot_general3A_23 = arith.constant dense<0.000000e+00> : vector<64x64xf32>
    %dot_general3A_24 = tpu.matmul %max3A_17, %get3A_22, %dot_general3A_23 {dimension_numbers = #tpu.dot_dimension_numbers<[1], [0], [0], [1], [0, 0, 1, 1], [], []>, transpose_lhs_hint = false} : vector<64x128xf32>, vector<128x64xf32>, vector<64x64xf32> -> vector<64x64xf32>
    %get3A_25 = arith.constant 0 : index
    %get3A_26 = arith.constant 0 : index
    %get3A_27 = arith.constant 0 : index
    %get3A_28 = vector.load %arg5[%get3A_25, %get3A_26, %get3A_27] : memref<1x1x64xf32, #tpu.memory_space<vmem>>, vector<1x1x64xf32>
    %get3A_29 = vector.shape_cast %get3A_28 : vector<1x1x64xf32> to vector<1x64xf32>
    %add3A_30 = vector.broadcast %get3A_29 : vector<1x64xf32> to vector<64x64xf32>
    %add3A_31 = arith.addf %dot_general3A_24, %add3A_30 : vector<64x64xf32>
    %broadcast_in_dim3A = arith.constant 0.000000e+00 : f32
    %broadcast_in_dim3A_32 = vector.broadcast %broadcast_in_dim3A : f32 to vector<64x64xf32>
    %concatenate3A = tpu.concatenate %add3A_31, %broadcast_in_dim3A_32 in 1 : vector<64x64xf32>, vector<64x64xf32> -> vector<64x128xf32>
    %swap3A = arith.constant 0 : index
    %swap3A_33 = arith.constant 0 : index
    %swap3A_34 = arith.constant 0 : index
    %swap3A_35 = vector.load %arg6[%swap3A, %swap3A_33, %swap3A_34] : memref<1x64x128xf32, #tpu.memory_space<vmem>>, vector<1x64x128xf32>
    %swap3A_36 = vector.shape_cast %swap3A_35 : vector<1x64x128xf32> to vector<64x128xf32>
    %swap3A_37 = vector.shape_cast %concatenate3A : vector<64x128xf32> to vector<1x64x128xf32>
    tpu.vector_store %arg6[%swap3A, %swap3A_33, %swap3A_34], %swap3A_37 {strides = array<i32>} : memref<1x64x128xf32, #tpu.memory_space<vmem>>, vector<1x64x128xf32>,
    return
  }
  func.func @transform_0(%arg0: i32) -> (i32, i32, i32) {
    %c0_i32 = arith.constant 0 : i32
    %c0_i32_0 = arith.constant 0 : i32
    %c0_i32_1 = arith.constant 0 : i32
    return %arg0, %c0_i32, %c0_i32_0 : i32, i32, i32
  }
  func.func @transform_1(%arg0: i32) -> (i32, i32, i32) {
    %c0_i32 = arith.constant 0 : i32
    %c0_i32_0 = arith.constant 0 : i32
    %c0_i32_1 = arith.constant 0 : i32
    return %arg0, %c0_i32, %c0_i32_0 : i32, i32, i32
  }
  func.func @transform_2(%arg0: i32) -> (i32, i32, i32) {
    %c0_i32 = arith.constant 0 : i32
    %c0_i32_0 = arith.constant 0 : i32
    %c0_i32_1 = arith.constant 0 : i32
    return %arg0, %c0_i32, %c0_i32_0 : i32, i32, i32
  }
  func.func @transform_3(%arg0: i32) -> (i32, i32, i32) {
    %c0_i32 = arith.constant 0 : i32
    %c0_i32_0 = arith.constant 0 : i32
    %c0_i32_1 = arith.constant 0 : i32
    return %arg0, %c0_i32, %c0_i32_0 : i32, i32, i32
  }
  func.func @transform_4(%arg0: i32) -> (i32, i32, i32) {
    %c0_i32 = arith.constant 0 : i32
    %c0_i32_0 = arith.constant 0 : i32
    %c0_i32_1 = arith.constant 0 : i32
    return %arg0, %c0_i32, %c0_i32_0 : i32, i32, i32
  }
  func.func @transform_5(%arg0: i32) -> (i32, i32, i32) {
    %c0_i32 = arith.constant 0 : i32
    %c0_i32_0 = arith.constant 0 : i32
    %c0_i32_1 = arith.constant 0 : i32
    return %arg0, %c0_i32, %c0_i32_0 : i32, i32, i32
  }
}

</mosaic_0001>

<sc_bundles>
// kernel: kernel.5.cloned.1.call-start
scs
__scs_entry_jumppad:
0x0: {  	(pc) =	sbr.rel $0x88, $3  }
0x1: {  	(tag) =	ssettag $0x0;
	lr =	simm.s32 $0x1  }
0x2: {  	[smem:$0x3F9B] =	sst lr;
	_ =	strace $0xD0000000  }
0x3: {  	_ = 	snop  }
0x4: {  	_ = 	snop  }
0x5: {  	_ = 	snop  }
0x6: {  	_ = 	snop  }
0x7: {  	_ = 	snop  }
__scs_overlays_trampoline_lowered:
0x8: {  	[smem:$0x3FAA] =	sst s0  }
0x9: {  	[smem:$0x3FAB] =	sst s1  }
0xa: {  	[smem:$0x3FAC] =	sst s2  }
0xb: {  	[smem:$0x3FAD] =	sst s3  }
0xc: {  	[smem:$0x3FAE] =	sst s4  }
0xd: {  	[smem:$0x3FAF] =	sst s5  }
0xe: {  	[smem:$0x3FB0] =	sst s6  }
0xf: {  	[smem:$0x3FB1] =	sst s7  }
0x10: {  	[smem:$0x3FB2] =	sst s8  }
0x11: {  	[smem:$0x3FB3] =	sst s9;
	s0 =	simm.s32 @!p0 $0x0  }
0x12: {  	s1 =	sld [smem:$0x3F99];
	s0 =	simm.s32 @p0 $0x1  }
0x13: {  	[smem:$0x3FB4] =	sst s0;
	s0 =	simm.s32 @!p1 $0x0  }
0x14: {  	s2 =	sld [smem:$0x3F98];
	s0 =	simm.s32 @p1 $0x1  }
0x15: {  	[smem:$0x3FB5] =	sst s0;
	s0 =	simm.s32 @!p2 $0x0  }
0x16: {  	s3 =	sld [smem:$0x3FDB];
	s0 =	simm.s32 @p2 $0x1  }
0x17: {  	s4 =	simm.s32 $0x1BF5;
	[smem:$0x3FB7] =	sst s0  }
0x18: {  	s0 =	sld [smem:$0x3F9A];
	_ =	swait.ge [sflag:s4], $0x0  }
0x19: {  	s7 =	sld [smem:$0x3F9B]  }
0x1a: {  	s8 =	sadd.s32 $0xFFFFE003, lr  }
0x1b: {  	s9 =	sadd.s32 $0xFFFFFEF7, lr;
	s5 =	simm.s32 $0xFFFFFFFF;
	p2 =	slt.u32 s8, $0xFFFFF086  }
0x1c: {  	p1 =	slt.u32 s9, $0xF7A;
	s5 =	simm.s32 @!p2 $0x0  }
0x1d: {  	s5 =	simm.s32 @p1 $0x1;
	p0 =	seq.s32 s7, s2  }
0x1e: {  	s7 =	smul.u32 @!p0 $0xF7A, s2;
	p2 =	seq.s32 @!p0 s5, $0x0  }
0x1f: {  	s9 =	smul.u32 $0xF7A, s1;
	s8 =	simm.s32 @!p0 $0x1BF5;
	p2 =	por !p2, p0  }
0x20: {  	[sflag:s8] =	ssyncset.s32 @!p0 $0xFFFFF086;
	s6 =	sadd.s32 @!p0 s3, s7;
	s7 =	simm.s32 @!p0 $0x108  }
0x21: {  	s3 =	sadd.s32 s3, s9;
	s6 =	sadd.s32 @!p0 $0x88, s6;
	s7 =	simm.s32 @p2 $0x1082  }
0x22: {  	[simem:s7], [sflag:s8] =	dma.local @!p0 [hbm:s6], $0xF7A  }
0x23: {  	s9 =	sor.u32 $0xD0000000, s2;
	s6 =	simm.s32 $0x108;
	_ =	swait.ge @!p0 [sflag:s8], $0x0  }
0x24: {  	s3 =	sadd.s32 $0x88, s3;
	s6 =	simm.s32 @!p1 $0x1082;
	[sflag:s4] =	ssyncset.s32 $0xFFFFF086  }
0x25: {  	[simem:s6], [sflag:s4] =	dma.local [hbm:s3], $0xF7A  }
0x26: {  	[smem:$0x3F9B] =	sst s1;
	(tag) =	ssettag s2;
	_ =	strace s9  }
0x27: {  	s1 =	sld [smem:$0x3FAB]  }
0x28: {  	s2 =	sld [smem:$0x3FAC]  }
0x29: {  	s4 =	sld [smem:$0x3FAE]  }
0x2a: {  	p0 =	seq.s32 s5, $0x0;
	s5 =	sld [smem:$0x3FAF]  }
0x2b: {  	s6 =	sld [smem:$0x3FB0]  }
0x2c: {  	s7 =	sld [smem:$0x3FB1]  }
0x2d: {  	s3 =	simm.s32 $0x108;
	s8 =	sld [smem:$0x3FB2]  }
0x2e: {  	s3 =	simm.s32 @!p0 $0x1082;
	s9 =	sld [smem:$0x3FB3]  }
0x2f: {  	lr =	sadd.s32 s0, s3;
	s0 =	sld [smem:$0x3FAA]  }
0x30: {  	s3 =	sld [smem:$0x3FAD]  }
0x31: {  	[smem:$0x3FB6] =	sst s10  }
0x32: {  	s10 =	sld [smem:$0x3FB4];
	_ =	sdelay $0x3  }
0x33: {  	p0 =	seq.s32 s10, $0x1;
	s10 =	sld [smem:$0x3FB6];
	_ =	sdelay $0x3  }
0x34: {  	[smem:$0x3FB6] =	sst s10  }
0x35: {  	s10 =	sld [smem:$0x3FB5];
	_ =	sdelay $0x3  }
0x36: {  	p1 =	seq.s32 s10, $0x1;
	s10 =	sld [smem:$0x3FB6];
	_ =	sdelay $0x3  }
0x37: {  	[smem:$0x3FB6] =	sst s10  }
0x38: {  	s10 =	sld [smem:$0x3FB7]  }
0x39: {  	_ = 	snop;
	(pc) =	sbr.ind lr, $3  }
0x3a: {  	_ = 	snop  }
0x3b: {  	_ = 	snop  }
0x3c: {  	p2 =	seq.s32 s10, $0x1;
	s10 =	sld [smem:$0x3FB6]  }
0x3d: {  	_ =	shalt  }
0x3e: {  	_ =	shalt  }
0x3f: {  	_ =	shalt  }
0x40: {  	_ =	shalt  }
0x41: {  	_ =	shalt  }
0x42: {  	_ =	shalt  }
0x43: {  	_ =	shalt  }
0x44: {  	_ =	shalt  }
0x45: {  	_ =	shalt  }
0x46: {  	_ =	shalt  }
0x47: {  	_ =	shalt  }
0x48: {  	_ =	shalt  }
0x49: {  	_ =	shalt  }
0x4a: {  	_ =	shalt  }
0x4b: {  	_ =	shalt  }
0x4c: {  	_ =	shalt  }
0x4d: {  	_ =	shalt  }
0x4e: {  	_ =	shalt  }
0x4f: {  	_ =	shalt  }
0x50: {  	_ =	shalt  }
0x51: {  	_ =	shalt  }
0x52: {  	_ =	shalt  }
0x53: {  	_ =	shalt  }
0x54: {  	_ =	shalt  }
0x55: {  	_ =	shalt  }
0x56: {  	_ =	shalt  }
0x57: {  	_ =	shalt  }
0x58: {  	_ =	shalt  }
0x59: {  	_ =	shalt  }
0x5a: {  	_ =	shalt  }
0x5b: {  	_ =	shalt  }
0x5c: {  	_ =	shalt  }
0x5d: {  	_ =	shalt  }
0x5e: {  	_ =	shalt  }
0x5f: {  	_ =	shalt  }
0x60: {  	_ =	shalt  }
0x61: {  	_ =	shalt  }
0x62: {  	_ =	shalt  }
0x63: {  	_ =	shalt  }
0x64: {  	_ =	shalt  }
0x65: {  	_ =	shalt  }
0x66: {  	_ =	shalt  }
0x67: {  	_ =	shalt  }
0x68: {  	_ =	shalt  }
0x69: {  	_ =	shalt  }
0x6a: {  	_ =	shalt  }
0x6b: {  	_ =	shalt  }
0x6c: {  	_ =	shalt  }
0x6d: {  	_ =	shalt  }
0x6e: {  	_ =	shalt  }
0x6f: {  	_ =	shalt  }
0x70: {  	_ =	shalt  }
0x71: {  	_ =	shalt  }
0x72: {  	_ =	shalt  }
0x73: {  	_ =	shalt  }
0x74: {  	_ =	shalt  }
0x75: {  	_ =	shalt  }
0x76: {  	_ =	shalt  }
0x77: {  	_ =	shalt  }
0x78: {  	_ =	shalt  }
0x79: {  	_ =	shalt  }
0x7a: {  	_ =	shalt  }
0x7b: {  	_ =	shalt  }
0x7c: {  	_ =	shalt  }
0x7d: {  	_ =	shalt  }
0x7e: {  	_ =	shalt  }
0x7f: {  	_ =	shalt  }
0x80: {  	_ =	shalt  }
0x81: {  	_ =	shalt  }
0x82: {  	_ =	shalt  }
0x83: {  	_ =	shalt  }
0x84: {  	_ =	shalt  }
0x85: {  	_ =	shalt  }
0x86: {  	_ =	shalt  }
0x87: {  	_ =	shalt  }
.Lfunc_end0:
.L_simem_size_0:
called_computation.1_lowered:
.L_overlay_start_0:
0x88: {  	s2 =	sld [smem:$0x3FD9]  }
0x89: {  	s3 =	sld [smem:$0x3FFE];
	_ =	sdelay $0x1  }
0x8a: {  	s1 =	srdreg.scid  }
0x8b: {  	s0 =	sand.u32 $0x1, s1  }
0x8c: {  	s17 =	sshll.u32 s0, $0xA;
	s2 =	sadd.s32 s3, s2  }
0x8d: {  	s2 =	sadd.s32 s2, s17  }
0x8e: {  	[smem:$0x3FC2] =	sst s2  }
0x8f: {  	_ = 	snop  }
0x90: {  	s2 =	sld [smem:$0x3FD0];
	(tm) =	ssettm $0x1  }
0x91: {  	s18 =	sld [smem:$0x3FFB];
	_ =	sdelay $0x3  }
0x92: {  	_ =	strace s18  }
0x93: {  	s3 =	sld [smem:$0x3FFC];
	_ =	sdelay $0x3  }
0x94: {  	_ =	strace s3  }
0x95: {  	s3 =	sld [smem:$0x3FFD];
	_ =	sdelay $0x3  }
0x96: {  	_ =	strace s3  }
0x97: {  	_ =	strace $0x8FFFFFFF  }
0x98: {  	s19 =	sld [smem:$0x3FDB];
	_ =	sdelay $0x1  }
0x99: {  	s4 =	simm.s32 $_scs_section_size  }
0x9a: {  	s5 =	simm.s32 $_size__tile_overlayer_lowered;
	s6 =	simm.s32 $_tile_overlayer_lowered  }
0x9b: {  	s22 =	simm.s32 $0x1BFF;
	s21 =	sshll.u32 s6, $0x1;
	s3 =	sadd.s32 s4, s19  }
0x9c: {  	s7 =	simm.s32 $0x0;
	s20 =	sshll.u32 s5, $0x1;
	s5 =	sadd.s32 s21, s3  }
0x9d: {  	[timem:s7], [sflag:s22] =	dma.local [hbm:s5], s20  }
0x9e: {  	_ =	swait.ge [sflag:s22], s20  }
0x9f: {  	s4 =	ssub.s32 $0x0, s20;
	[sflag:s22] =	ssyncset.done $0x0  }
0xa0: {  	[sflag:s22] =	ssyncadd.s32 s4;
	_ =	sdelay $0x1  }
0xa1: {  	s23 =	simm.s32 $0x1B8B  }
0xa2: {  	_ =	swait.ge [sflag:s23], $0x1  }
0xa3: {  	[sflag:s23] =	ssyncset.done $0x0  }
0xa4: {  	s25 =	simm.s32 $0x1B8E;
	s24 =	sld [smem:$0x3FFE];
	[sflag:s23] =	ssyncadd.s32 $0xFFFFFFFF  }
0xa5: {  	s26 =	simm.s32 $execute0_lowered;
	[smem:$0x3FD2] =	sst s25  }
0xa6: {  	s5 =	sshll.u32 s26, $0x1;
	_ =	strace $0x80000046;
	[dreg:$0x1] =	wrdreg $0xFFFFFFFF  }
0xa7: {  	s28 =	simm.s32 $_size_execute0_lowered;
	s3 =	sadd.s32 s3, s5;
	[dreg:$0x0] =	wrdreg $0x0  }
0xa8: {  	s5 =	sshll.u32 s28, $0x1;
	[dreg:$0x2] =	wrdreg s3  }
0xa9: {  	[dreg:$0x3] =	wrdreg s5  }
0xaa: {  	[dreg:$0x4] =	wrdreg $0xC0  }
0xab: {  	_ =	task [dreg:s7], $0x5FFFF  }
0xac: {  	[dreg:$0x1] =	wrdreg $0xFFFFFFFF  }
0xad: {  	[dreg:$0x0] =	wrdreg $0x60  }
0xae: {  	[dreg:$0x2] =	wrdreg s24  }
0xaf: {  	[dreg:$0x3] =	wrdreg s2  }
0xb0: {  	[dreg:$0x4] =	wrdreg $0x9  }
0xb1: {  	_ =	task.clear_ibuf [dreg:s7], $0x5FFFF;
	_ =	strace $0x90000046  }
0xb2: {  	s29 =	simm.s32 $0x9;
	_ =	strace $0x80000048  }
0xb3: {  	_ =	swait.ge [sflag:s29], $0x1  }
0xb4: {  	[sflag:s29] =	ssyncadd.s32 $0xFFFFFFFF  }
0xb5: {  	_ =	strace $0x90000048  }
0xb6: {  	_ =	sfence  }
0xb7: {  	s30 =	sld [smem:$0x0];
	_ =	sdelay $0x2  }
0xb8: {  	s31 =	sshll.u32 s1, $0xD;
	s1 =	sshrl.u32 s1, $0x2  }
0xb9: {  	s3 =	sand.u32 $0x4000, s31;
	s1 =	sadd.s32 s1, s30  }
0xba: {  	s0 =	sor.u32 s3, s0;
	s1 =	sshll.u32 s1, $0x11  }
0xbb: {  	s0 =	sor.u32 s1, s0  }
0xbc: {  	s0 =	sadd.s32 $0x8F2B, s0  }
0xbd: {  	[sflag:s0] =	ssyncadd.remote.s32 $0x1  }
0xbe: {  	_ =	sfence.sel $0xFFFF  }
0xbf: {  	[dreg:$0x0] =	wrdreg $0xFFFFFFFF;
	(pc) =	sbr.abs _section_cstart, $3  }
0xc0: {  	[dreg:$0x1] =	wrdreg $0xFFFFFFFF  }
0xc1: {  	_ =	task.clear_ibuf [dreg:s7], $0x2FFFF;
	_ =	strace $0x9FFFFFFF  }
0xc2: {  	(tm) =	ssettm $0x7FFFFFFF  }
0xc3: {  	_ =	shalt  }
tec
execute0_lowered:
.L_overlay_start_1:
0x0: {  	(tag) =	ssettag $0x1  }
0x1: {  	s4 =	rddreg [dreg:$0x0];
	s1 =	srdreg.scid  }
0x2: {  	s0 =	stileid.u32;
	s5 =	rddreg [dreg:$0x1];
	s2 =	simm.s32 $0x0  }
0x3: {  	s11 =	simm.s32 $0x3400;
	s12 =	simm.s32 $0x7400;
	s13 =	simm.s32 $0xB400  }
0x4: {  	s14 =	simm.s32 $0x1;
	s15 =	simm.s32 $0x13400;
	s16 =	simm.s32 $0xF400  }
0x5: {  	s17 =	simm.s32 $0x2;
	s18 =	simm.s32 $0x17400;
	s19 =	simm.s32 $0x3  }
0x6: {  	s20 =	simm.s32 $0x5;
	s21 =	simm.s32 $0x4;
	s22 =	simm.s32 $0x6  }
0x7: {  	s3 =	sand.u32 $0x1, s1;
	s6 =	sshll.u32 s0, $0x1;
	s1 =	rddreg [dreg:$0x2]  }
0x8: {  	s23 =	simm.s32 $0x0;
	[smem:$0x7FF] =	sst s2;
	s6 =	sor.u32 s3, s6  }
0x9: {  	_ =	strace $0x80000047;
	s8 =	ssub.s32 $0x2, s3;
	s7 =	smul.u32 $0x680, s6  }
0xa: {  	s3 =	sadd.s32 $0xC00, s4;
	s9 =	smul.u32 $0x34000, s6;
	s10 =	sshrl.u32 s8, $0x1  }
0xb: {  	s4 =	sadd.s32 $0x7400, s4;
	s6 =	smul.u32 $0x1A0000, s6;
	s8 =	ssub.s32 s8, s10  }
0xc: {  	s10 =	simm.s32 $0x80;
	s5 =	sadd.s32 s5, s7;
	s9 =	sadd.s32 s9, s4  }
0xd: {  	s7 =	smax.u32 s8, $0x1;
	s8 =	sadd.s32 $0x800, s9;
	s9 =	simm.s32 $0x7  }
.LBB2_1:
0xe: {  	[tilespmem:s2], [sflag:$0x7] =	stream.linear.gather [hbm4b:s5+s2], $0x3400, $0x38;
	[tilespmem:$0x1B400] =	vst v63  }
0xf: {  	_ =	swait.ge [sflag:s9], $0x3400  }
0x10: {  	[sflag:s9] =	ssyncset.done $0x0  }
0x11: {  	[sflag:s9] =	ssyncadd.s32 $0xFFFFCC00  }
0x12: {  	[tilespmem:s11], [sflag:$0x1] =	stream.indirect.gather [hbm4b:s3+s10], $0x80, s2, s10, $0xb8;
	[tilespmem:$0x1B400] =	vst v63  }
0x13: {  	s24 =	simm.s32 $0x0  }
0x14: {  	[tilespmem:s12], [sflag:$0x2] =	stream.indirect.gather [hbm4b:s3+s10], $0x80, s10, s10, $0xb8;
	[tilespmem:$0x1B400] =	vst v63  }
.LBB2_2:
0x15: {  	s26 =	sshll.u32 s24, $0x2  }
0x16: {  	s25 =	sor.u32 $0x2, s26  }
0x17: {  	s28 =	sshll.u32 s25, $0x7  }
0x18: {  	s28 =	sand.u32 $0x3FFFFF00, s28  }
0x19: {  	[tilespmem:s13], [sflag:$0x3] =	stream.indirect.gather [hbm4b:s3+s10], $0x80, s28, s10, $0xb8;
	[tilespmem:$0x1B400] =	vst v63  }
0x1a: {  	_ =	swait.ge [sflag:s14], $0x4000  }
0x1b: {  	p0 =	seq.s32 s24, $0x0;
	[sflag:s14] =	ssyncset.done $0x0  }
0x1c: {  	s28 =	simm.s32 @!p0 $0x5;
	[sflag:s14] =	ssyncadd.s32 $0xFFFFC000  }
0x1d: {  	_ =	swait.ge @!p0 [sflag:s28], $0x4000  }
0x1e: {  	[sflag:s28] =	ssyncset.done @!p0 $0x0  }
0x1f: {  	s29 =	simm.s32 $0x3600;
	[sflag:s28] =	ssyncadd.s32 @!p0 $0xFFFFC000  }
0x20: {  	v0 =	vld [tilespmem:s29+$0xFFFFFE00];
	_ =	sdelay $0x3  }
0x21: {  	s28 =	simm.s32 $0x13600  }
0x22: {  	[tilespmem:s28+$0xFFFFFE00] =	vst v0  }
0x23: {  	v0 =	vld [tilespmem:s29+$0xFFFFFE10];
	_ =	sdelay $0x4  }
0x24: {  	[tilespmem:s28+$0xFFFFFE10] =	vst v0  }
0x25: {  	v0 =	vld [tilespmem:s29+$0xFFFFFE20];
	_ =	sdelay $0x4  }
0x26: {  	[tilespmem:s28+$0xFFFFFE20] =	vst v0  }
0x27: {  	v0 =	vld [tilespmem:s29+$0xFFFFFE30];
	_ =	sdelay $0x4  }
0x28: {  	[tilespmem:s28+$0xFFFFFE30] =	vst v0  }
0x29: {  	v0 =	vld [tilespmem:s29+$0xFFFFFE80];
	_ =	sdelay $0x4  }
0x2a: {  	[tilespmem:s28+$0xFFFFFE80] =	vst v0  }
0x2b: {  	v0 =	vld [tilespmem:s29+$0xFFFFFE90];
	_ =	sdelay $0x4  }
0x2c: {  	[tilespmem:s28+$0xFFFFFE90] =	vst v0  }
0x2d: {  	v0 =	vld [tilespmem:s29+$0xFFFFFEA0];
	_ =	sdelay $0x4  }
0x2e: {  	[tilespmem:s28+$0xFFFFFEA0] =	vst v0  }
0x2f: {  	v0 =	vld [tilespmem:s29+$0xFFFFFEB0];
	_ =	sdelay $0x4  }
0x30: {  	[tilespmem:s28+$0xFFFFFEB0] =	vst v0  }
0x31: {  	v0 =	vld [tilespmem:s29+$0xFFFFFF00];
	_ =	sdelay $0x4  }
0x32: {  	[tilespmem:s28+$0xFFFFFF00] =	vst v0  }
0x33: {  	v0 =	vld [tilespmem:s29+$0xFFFFFF10];
	_ =	sdelay $0x4  }
0x34: {  	[tilespmem:s28+$0xFFFFFF10] =	vst v0  }
0x35: {  	v0 =	vld [tilespmem:s29+$0xFFFFFF20];
	_ =	sdelay $0x4  }
0x36: {  	[tilespmem:s28+$0xFFFFFF20] =	vst v0  }
0x37: {  	v0 =	vld [tilespmem:s29+$0xFFFFFF30];
	_ =	sdelay $0x4  }
0x38: {  	[tilespmem:s28+$0xFFFFFF30] =	vst v0  }
0x39: {  	v0 =	vld [tilespmem:s29+$0xFFFFFF80];
	_ =	sdelay $0x4  }
0x3a: {  	[tilespmem:s28+$0xFFFFFF80] =	vst v0  }
0x3b: {  	v0 =	vld [tilespmem:s29+$0xFFFFFF90];
	_ =	sdelay $0x4  }
0x3c: {  	[tilespmem:s28+$0xFFFFFF90] =	vst v0  }
0x3d: {  	v0 =	vld [tilespmem:s29+$0xFFFFFFA0];
	_ =	sdelay $0x4  }
0x3e: {  	[tilespmem:s28+$0xFFFFFFA0] =	vst v0  }
0x3f: {  	v0 =	vld [tilespmem:s29+$0xFFFFFFB0];
	_ =	sdelay $0x4  }
0x40: {  	[tilespmem:s28+$0xFFFFFFB0] =	vst v0  }
0x41: {  	v0 =	vld [tilespmem:s29+$0x0];
	_ =	sdelay $0x4  }
0x42: {  	[tilespmem:s28+$0x0] =	vst v0  }
0x43: {  	v0 =	vld [tilespmem:s29+$0x10];
	_ =	sdelay $0x4  }
0x44: {  	[tilespmem:s28+$0x10] =	vst v0  }
0x45: {  	v0 =	vld [tilespmem:s29+$0x20];
	_ =	sdelay $0x4  }
0x46: {  	[tilespmem:s28+$0x20] =	vst v0  }
0x47: {  	v0 =	vld [tilespmem:s29+$0x30];
	_ =	sdelay $0x4  }
0x48: {  	[tilespmem:s28+$0x30] =	vst v0  }
0x49: {  	v0 =	vld [tilespmem:s29+$0x80];
	_ =	sdelay $0x4  }
0x4a: {  	[tilespmem:s28+$0x80] =	vst v0  }
0x4b: {  	v0 =	vld [tilespmem:s29+$0x90];
	_ =	sdelay $0x4  }
0x4c: {  	[tilespmem:s28+$0x90] =	vst v0  }
0x4d: {  	v0 =	vld [tilespmem:s29+$0xA0];
	_ =	sdelay $0x4  }
0x4e: {  	[tilespmem:s28+$0xA0] =	vst v0  }
0x4f: {  	v0 =	vld [tilespmem:s29+$0xB0];
	_ =	sdelay $0x4  }
0x50: {  	[tilespmem:s28+$0xB0] =	vst v0  }
0x51: {  	v0 =	vld [tilespmem:s29+$0x100];
	_ =	sdelay $0x4  }
0x52: {  	[tilespmem:s28+$0x100] =	vst v0  }
0x53: {  	v0 =	vld [tilespmem:s29+$0x110];
	_ =	sdelay $0x4  }
0x54: {  	[tilespmem:s28+$0x110] =	vst v0  }
0x55: {  	v0 =	vld [tilespmem:s29+$0x120];
	_ =	sdelay $0x4  }
0x56: {  	[tilespmem:s28+$0x120] =	vst v0  }
0x57: {  	v0 =	vld [tilespmem:s29+$0x130];
	_ =	sdelay $0x4  }
0x58: {  	[tilespmem:s28+$0x130] =	vst v0  }
0x59: {  	v0 =	vld [tilespmem:s29+$0x180];
	_ =	sdelay $0x4  }
0x5a: {  	[tilespmem:s28+$0x180] =	vst v0  }
0x5b: {  	v0 =	vld [tilespmem:s29+$0x190];
	_ =	sdelay $0x4  }
0x5c: {  	[tilespmem:s28+$0x190] =	vst v0  }
0x5d: {  	v0 =	vld [tilespmem:s29+$0x1A0];
	_ =	sdelay $0x4  }
0x5e: {  	[tilespmem:s28+$0x1A0] =	vst v0  }
0x5f: {  	v0 =	vld [tilespmem:s29+$0x1B0];
	_ =	sdelay $0x4  }
0x60: {  	s30 =	simm.s32 $0x3A00;
	s29 =	simm.s32 $0x0;
	[tilespmem:s28+$0x1B0] =	vst v0  }
.LBB2_3:
0x61: {  	v0 =	vld [tilespmem:s30+$0xFFFFFE00];
	s29 =	sadd.s32 $0x8, s29  }
0x62: {  	p1 =	slt.u32 s29, $0x78;
	_ =	sdelay $0x2  }
0x63: {  	s28 =	sadd.s32 $0x400, s28  }
0x64: {  	[tilespmem:s28+$0xFFFFFE00] =	vst v0  }
0x65: {  	v0 =	vld [tilespmem:s30+$0xFFFFFE10];
	_ =	sdelay $0x4  }
0x66: {  	[tilespmem:s28+$0xFFFFFE10] =	vst v0  }
0x67: {  	v0 =	vld [tilespmem:s30+$0xFFFFFE20];
	_ =	sdelay $0x4  }
0x68: {  	[tilespmem:s28+$0xFFFFFE20] =	vst v0  }
0x69: {  	v0 =	vld [tilespmem:s30+$0xFFFFFE30];
	_ =	sdelay $0x4  }
0x6a: {  	[tilespmem:s28+$0xFFFFFE30] =	vst v0  }
0x6b: {  	v0 =	vld [tilespmem:s30+$0xFFFFFE80];
	_ =	sdelay $0x4  }
0x6c: {  	[tilespmem:s28+$0xFFFFFE80] =	vst v0  }
0x6d: {  	v0 =	vld [tilespmem:s30+$0xFFFFFE90];
	_ =	sdelay $0x4  }
0x6e: {  	[tilespmem:s28+$0xFFFFFE90] =	vst v0  }
0x6f: {  	v0 =	vld [tilespmem:s30+$0xFFFFFEA0];
	_ =	sdelay $0x4  }
0x70: {  	[tilespmem:s28+$0xFFFFFEA0] =	vst v0  }
0x71: {  	v0 =	vld [tilespmem:s30+$0xFFFFFEB0];
	_ =	sdelay $0x4  }
0x72: {  	[tilespmem:s28+$0xFFFFFEB0] =	vst v0  }
0x73: {  	v0 =	vld [tilespmem:s30+$0xFFFFFF00];
	_ =	sdelay $0x4  }
0x74: {  	[tilespmem:s28+$0xFFFFFF00] =	vst v0  }
0x75: {  	v0 =	vld [tilespmem:s30+$0xFFFFFF10];
	_ =	sdelay $0x4  }
0x76: {  	[tilespmem:s28+$0xFFFFFF10] =	vst v0  }
0x77: {  	v0 =	vld [tilespmem:s30+$0xFFFFFF20];
	_ =	sdelay $0x4  }
0x78: {  	[tilespmem:s28+$0xFFFFFF20] =	vst v0  }
0x79: {  	v0 =	vld [tilespmem:s30+$0xFFFFFF30];
	_ =	sdelay $0x4  }
0x7a: {  	[tilespmem:s28+$0xFFFFFF30] =	vst v0  }
0x7b: {  	v0 =	vld [tilespmem:s30+$0xFFFFFF80];
	_ =	sdelay $0x4  }
0x7c: {  	[tilespmem:s28+$0xFFFFFF80] =	vst v0  }
0x7d: {  	v0 =	vld [tilespmem:s30+$0xFFFFFF90];
	_ =	sdelay $0x4  }
0x7e: {  	[tilespmem:s28+$0xFFFFFF90] =	vst v0  }
0x7f: {  	v0 =	vld [tilespmem:s30+$0xFFFFFFA0];
	_ =	sdelay $0x4  }
0x80: {  	[tilespmem:s28+$0xFFFFFFA0] =	vst v0  }
0x81: {  	v0 =	vld [tilespmem:s30+$0xFFFFFFB0];
	_ =	sdelay $0x4  }
0x82: {  	[tilespmem:s28+$0xFFFFFFB0] =	vst v0  }
0x83: {  	v0 =	vld [tilespmem:s30+$0x0];
	_ =	sdelay $0x4  }
0x84: {  	[tilespmem:s28+$0x0] =	vst v0  }
0x85: {  	v0 =	vld [tilespmem:s30+$0x10];
	_ =	sdelay $0x4  }
0x86: {  	[tilespmem:s28+$0x10] =	vst v0  }
0x87: {  	v0 =	vld [tilespmem:s30+$0x20];
	_ =	sdelay $0x4  }
0x88: {  	[tilespmem:s28+$0x20] =	vst v0  }
0x89: {  	v0 =	vld [tilespmem:s30+$0x30];
	_ =	sdelay $0x4  }
0x8a: {  	[tilespmem:s28+$0x30] =	vst v0  }
0x8b: {  	v0 =	vld [tilespmem:s30+$0x80];
	_ =	sdelay $0x4  }
0x8c: {  	[tilespmem:s28+$0x80] =	vst v0  }
0x8d: {  	v0 =	vld [tilespmem:s30+$0x90];
	_ =	sdelay $0x4  }
0x8e: {  	[tilespmem:s28+$0x90] =	vst v0  }
0x8f: {  	v0 =	vld [tilespmem:s30+$0xA0];
	_ =	sdelay $0x4  }
0x90: {  	[tilespmem:s28+$0xA0] =	vst v0  }
0x91: {  	v0 =	vld [tilespmem:s30+$0xB0];
	_ =	sdelay $0x4  }
0x92: {  	[tilespmem:s28+$0xB0] =	vst v0  }
0x93: {  	v0 =	vld [tilespmem:s30+$0x100];
	_ =	sdelay $0x4  }
0x94: {  	[tilespmem:s28+$0x100] =	vst v0  }
0x95: {  	v0 =	vld [tilespmem:s30+$0x110];
	_ =	sdelay $0x4  }
0x96: {  	[tilespmem:s28+$0x110] =	vst v0  }
0x97: {  	v0 =	vld [tilespmem:s30+$0x120];
	_ =	sdelay $0x4  }
0x98: {  	[tilespmem:s28+$0x120] =	vst v0  }
0x99: {  	v0 =	vld [tilespmem:s30+$0x130];
	_ =	sdelay $0x4  }
0x9a: {  	[tilespmem:s28+$0x130] =	vst v0  }
0x9b: {  	v0 =	vld [tilespmem:s30+$0x180];
	_ =	sdelay $0x4  }
0x9c: {  	[tilespmem:s28+$0x180] =	vst v0  }
0x9d: {  	v0 =	vld [tilespmem:s30+$0x190];
	_ =	sdelay $0x4  }
0x9e: {  	[tilespmem:s28+$0x190] =	vst v0  }
0x9f: {  	v0 =	vld [tilespmem:s30+$0x1A0];
	_ =	sdelay $0x4  }
0xa0: {  	[tilespmem:s28+$0x1A0] =	vst v0  }
0xa1: {  	v0 =	vld [tilespmem:s30+$0x1B0]  }
.Ltmp0:
0xa2: {  	(pc) =	sbr.rel @p1 .LBB2_3-.Ltmp0, $2  }
0xa3: {  	_ =	sdelay $0x2  }
0xa4: {  	s30 =	sadd.s32 $0x400, s30;
	[tilespmem:s28+$0x1B0] =	vst v0  }
0xa5: {  	s28 =	sshll.u32 s24, $0x10  }
0xa6: {  	s28 =	sadd.s32 s6, s28  }
0xa7: {  	s28 =	sshrl.u32 s28, $0x3  }
0xa8: {  	s26 =	sor.u32 $0x3, s26;
	s28 =	sadd.s32 s4, s28  }
0xa9: {  	[hbm4b:s28+s2] =	stream.linear.scatter [tilespmem:s15], [sflag:$0x5], $0x4000, $0x38;
	[tilespmem:$0x1B400] =	vst v63  }
0xaa: {  	s28 =	sshll.u32 s26, $0x7  }
0xab: {  	s28 =	sand.u32 $0x3FFFFF80, s28  }
0xac: {  	[tilespmem:s16], [sflag:$0x4] =	stream.indirect.gather [hbm4b:s3+s10], $0x80, s28, s10, $0xb8;
	[tilespmem:$0x1B400] =	vst v63  }
0xad: {  	_ =	swait.ge [sflag:s17], $0x4000  }
0xae: {  	[sflag:s17] =	ssyncset.done $0x0  }
0xaf: {  	s28 =	simm.s32 @!p0 $0x6;
	[sflag:s17] =	ssyncadd.s32 $0xFFFFC000  }
0xb0: {  	_ =	swait.ge @!p0 [sflag:s28], $0x4000  }
0xb1: {  	[sflag:s28] =	ssyncset.done @!p0 $0x0  }
0xb2: {  	s29 =	simm.s32 $0x7600;
	[sflag:s28] =	ssyncadd.s32 @!p0 $0xFFFFC000  }
0xb3: {  	v0 =	vld [tilespmem:s29+$0xFFFFFE00];
	_ =	sdelay $0x3  }
0xb4: {  	s28 =	simm.s32 $0x17600  }
0xb5: {  	[tilespmem:s28+$0xFFFFFE00] =	vst v0  }
0xb6: {  	v0 =	vld [tilespmem:s29+$0xFFFFFE10];
	_ =	sdelay $0x4  }
0xb7: {  	[tilespmem:s28+$0xFFFFFE10] =	vst v0  }
0xb8: {  	v0 =	vld [tilespmem:s29+$0xFFFFFE20];
	_ =	sdelay $0x4  }
0xb9: {  	[tilespmem:s28+$0xFFFFFE20] =	vst v0  }
0xba: {  	v0 =	vld [tilespmem:s29+$0xFFFFFE30];
	_ =	sdelay $0x4  }
0xbb: {  	[tilespmem:s28+$0xFFFFFE30] =	vst v0  }
0xbc: {  	v0 =	vld [tilespmem:s29+$0xFFFFFE80];
	_ =	sdelay $0x4  }
0xbd: {  	[tilespmem:s28+$0xFFFFFE80] =	vst v0  }
0xbe: {  	v0 =	vld [tilespmem:s29+$0xFFFFFE90];
	_ =	sdelay $0x4  }
0xbf: {  	[tilespmem:s28+$0xFFFFFE90] =	vst v0  }
0xc0: {  	v0 =	vld [tilespmem:s29+$0xFFFFFEA0];
	_ =	sdelay $0x4  }
0xc1: {  	[tilespmem:s28+$0xFFFFFEA0] =	vst v0  }
0xc2: {  	v0 =	vld [tilespmem:s29+$0xFFFFFEB0];
	_ =	sdelay $0x4  }
0xc3: {  	[tilespmem:s28+$0xFFFFFEB0] =	vst v0  }
0xc4: {  	v0 =	vld [tilespmem:s29+$0xFFFFFF00];
	_ =	sdelay $0x4  }
0xc5: {  	[tilespmem:s28+$0xFFFFFF00] =	vst v0  }
0xc6: {  	v0 =	vld [tilespmem:s29+$0xFFFFFF10];
	_ =	sdelay $0x4  }
0xc7: {  	[tilespmem:s28+$0xFFFFFF10] =	vst v0  }
0xc8: {  	v0 =	vld [tilespmem:s29+$0xFFFFFF20];
	_ =	sdelay $0x4  }
0xc9: {  	[tilespmem:s28+$0xFFFFFF20] =	vst v0  }
0xca: {  	v0 =	vld [tilespmem:s29+$0xFFFFFF30];
	_ =	sdelay $0x4  }
0xcb: {  	[tilespmem:s28+$0xFFFFFF30] =	vst v0  }
0xcc: {  	v0 =	vld [tilespmem:s29+$0xFFFFFF80];
	_ =	sdelay $0x4  }
0xcd: {  	[tilespmem:s28+$0xFFFFFF80] =	vst v0  }
0xce: {  	v0 =	vld [tilespmem:s29+$0xFFFFFF90];
	_ =	sdelay $0x4  }
0xcf: {  	[tilespmem:s28+$0xFFFFFF90] =	vst v0  }
0xd0: {  	v0 =	vld [tilespmem:s29+$0xFFFFFFA0];
	_ =	sdelay $0x4  }
0xd1: {  	[tilespmem:s28+$0xFFFFFFA0] =	vst v0  }
0xd2: {  	v0 =	vld [tilespmem:s29+$0xFFFFFFB0];
	_ =	sdelay $0x4  }
0xd3: {  	[tilespmem:s28+$0xFFFFFFB0] =	vst v0  }
0xd4: {  	v0 =	vld [tilespmem:s29+$0x0];
	_ =	sdelay $0x4  }
0xd5: {  	[tilespmem:s28+$0x0] =	vst v0  }
0xd6: {  	v0 =	vld [tilespmem:s29+$0x10];
	_ =	sdelay $0x4  }
0xd7: {  	[tilespmem:s28+$0x10] =	vst v0  }
0xd8: {  	v0 =	vld [tilespmem:s29+$0x20];
	_ =	sdelay $0x4  }
0xd9: {  	[tilespmem:s28+$0x20] =	vst v0  }
0xda: {  	v0 =	vld [tilespmem:s29+$0x30];
	_ =	sdelay $0x4  }
0xdb: {  	[tilespmem:s28+$0x30] =	vst v0  }
0xdc: {  	v0 =	vld [tilespmem:s29+$0x80];
	_ =	sdelay $0x4  }
0xdd: {  	[tilespmem:s28+$0x80] =	vst v0  }
0xde: {  	v0 =	vld [tilespmem:s29+$0x90];
	_ =	sdelay $0x4  }
0xdf: {  	[tilespmem:s28+$0x90] =	vst v0  }
0xe0: {  	v0 =	vld [tilespmem:s29+$0xA0];
	_ =	sdelay $0x4  }
0xe1: {  	[tilespmem:s28+$0xA0] =	vst v0  }
0xe2: {  	v0 =	vld [tilespmem:s29+$0xB0];
	_ =	sdelay $0x4  }
0xe3: {  	[tilespmem:s28+$0xB0] =	vst v0  }
0xe4: {  	v0 =	vld [tilespmem:s29+$0x100];
	_ =	sdelay $0x4  }
0xe5: {  	[tilespmem:s28+$0x100] =	vst v0  }
0xe6: {  	v0 =	vld [tilespmem:s29+$0x110];
	_ =	sdelay $0x4  }
0xe7: {  	[tilespmem:s28+$0x110] =	vst v0  }
0xe8: {  	v0 =	vld [tilespmem:s29+$0x120];
	_ =	sdelay $0x4  }
0xe9: {  	[tilespmem:s28+$0x120] =	vst v0  }
0xea: {  	v0 =	vld [tilespmem:s29+$0x130];
	_ =	sdelay $0x4  }
0xeb: {  	[tilespmem:s28+$0x130] =	vst v0  }
0xec: {  	v0 =	vld [tilespmem:s29+$0x180];
	_ =	sdelay $0x4  }
0xed: {  	[tilespmem:s28+$0x180] =	vst v0  }
0xee: {  	v0 =	vld [tilespmem:s29+$0x190];
	_ =	sdelay $0x4  }
0xef: {  	[tilespmem:s28+$0x190] =	vst v0  }
0xf0: {  	v0 =	vld [tilespmem:s29+$0x1A0];
	_ =	sdelay $0x4  }
0xf1: {  	[tilespmem:s28+$0x1A0] =	vst v0  }
0xf2: {  	v0 =	vld [tilespmem:s29+$0x1B0];
	_ =	sdelay $0x4  }
0xf3: {  	s30 =	simm.s32 $0x7A00;
	s29 =	simm.s32 $0x0;
	[tilespmem:s28+$0x1B0] =	vst v0  }
.LBB2_5:
0xf4: {  	v0 =	vld [tilespmem:s30+$0xFFFFFE00];
	s29 =	sadd.s32 $0x8, s29  }
0xf5: {  	p0 =	slt.u32 s29, $0x78;
	_ =	sdelay $0x2  }
0xf6: {  	s28 =	sadd.s32 $0x400, s28  }
0xf7: {  	[tilespmem:s28+$0xFFFFFE00] =	vst v0  }
0xf8: {  	v0 =	vld [tilespmem:s30+$0xFFFFFE10];
	_ =	sdelay $0x4  }
0xf9: {  	[tilespmem:s28+$0xFFFFFE10] =	vst v0  }
0xfa: {  	v0 =	vld [tilespmem:s30+$0xFFFFFE20];
	_ =	sdelay $0x4  }
0xfb: {  	[tilespmem:s28+$0xFFFFFE20] =	vst v0  }
0xfc: {  	v0 =	vld [tilespmem:s30+$0xFFFFFE30];
	_ =	sdelay $0x4  }
0xfd: {  	[tilespmem:s28+$0xFFFFFE30] =	vst v0  }
0xfe: {  	v0 =	vld [tilespmem:s30+$0xFFFFFE80];
	_ =	sdelay $0x4  }
0xff: {  	[tilespmem:s28+$0xFFFFFE80] =	vst v0  }
0x100: {  	v0 =	vld [tilespmem:s30+$0xFFFFFE90];
	_ =	sdelay $0x4  }
0x101: {  	[tilespmem:s28+$0xFFFFFE90] =	vst v0  }
0x102: {  	v0 =	vld [tilespmem:s30+$0xFFFFFEA0];
	_ =	sdelay $0x4  }
0x103: {  	[tilespmem:s28+$0xFFFFFEA0] =	vst v0  }
0x104: {  	v0 =	vld [tilespmem:s30+$0xFFFFFEB0];
	_ =	sdelay $0x4  }
0x105: {  	[tilespmem:s28+$0xFFFFFEB0] =	vst v0  }
0x106: {  	v0 =	vld [tilespmem:s30+$0xFFFFFF00];
	_ =	sdelay $0x4  }
0x107: {  	[tilespmem:s28+$0xFFFFFF00] =	vst v0  }
0x108: {  	v0 =	vld [tilespmem:s30+$0xFFFFFF10];
	_ =	sdelay $0x4  }
0x109: {  	[tilespmem:s28+$0xFFFFFF10] =	vst v0  }
0x10a: {  	v0 =	vld [tilespmem:s30+$0xFFFFFF20];
	_ =	sdelay $0x4  }
0x10b: {  	[tilespmem:s28+$0xFFFFFF20] =	vst v0  }
0x10c: {  	v0 =	vld [tilespmem:s30+$0xFFFFFF30];
	_ =	sdelay $0x4  }
0x10d: {  	[tilespmem:s28+$0xFFFFFF30] =	vst v0  }
0x10e: {  	v0 =	vld [tilespmem:s30+$0xFFFFFF80];
	_ =	sdelay $0x4  }
0x10f: {  	[tilespmem:s28+$0xFFFFFF80] =	vst v0  }
0x110: {  	v0 =	vld [tilespmem:s30+$0xFFFFFF90];
	_ =	sdelay $0x4  }
0x111: {  	[tilespmem:s28+$0xFFFFFF90] =	vst v0  }
0x112: {  	v0 =	vld [tilespmem:s30+$0xFFFFFFA0];
	_ =	sdelay $0x4  }
0x113: {  	[tilespmem:s28+$0xFFFFFFA0] =	vst v0  }
0x114: {  	v0 =	vld [tilespmem:s30+$0xFFFFFFB0];
	_ =	sdelay $0x4  }
0x115: {  	[tilespmem:s28+$0xFFFFFFB0] =	vst v0  }
0x116: {  	v0 =	vld [tilespmem:s30+$0x0];
	_ =	sdelay $0x4  }
0x117: {  	[tilespmem:s28+$0x0] =	vst v0  }
0x118: {  	v0 =	vld [tilespmem:s30+$0x10];
	_ =	sdelay $0x4  }
0x119: {  	[tilespmem:s28+$0x10] =	vst v0  }
0x11a: {  	v0 =	vld [tilespmem:s30+$0x20];
	_ =	sdelay $0x4  }
0x11b: {  	[tilespmem:s28+$0x20] =	vst v0  }
0x11c: {  	v0 =	vld [tilespmem:s30+$0x30];
	_ =	sdelay $0x4  }
0x11d: {  	[tilespmem:s28+$0x30] =	vst v0  }
0x11e: {  	v0 =	vld [tilespmem:s30+$0x80];
	_ =	sdelay $0x4  }
0x11f: {  	[tilespmem:s28+$0x80] =	vst v0  }
0x120: {  	v0 =	vld [tilespmem:s30+$0x90];
	_ =	sdelay $0x4  }
0x121: {  	[tilespmem:s28+$0x90] =	vst v0  }
0x122: {  	v0 =	vld [tilespmem:s30+$0xA0];
	_ =	sdelay $0x4  }
0x123: {  	[tilespmem:s28+$0xA0] =	vst v0  }
0x124: {  	v0 =	vld [tilespmem:s30+$0xB0];
	_ =	sdelay $0x4  }
0x125: {  	[tilespmem:s28+$0xB0] =	vst v0  }
0x126: {  	v0 =	vld [tilespmem:s30+$0x100];
	_ =	sdelay $0x4  }
0x127: {  	[tilespmem:s28+$0x100] =	vst v0  }
0x128: {  	v0 =	vld [tilespmem:s30+$0x110];
	_ =	sdelay $0x4  }
0x129: {  	[tilespmem:s28+$0x110] =	vst v0  }
0x12a: {  	v0 =	vld [tilespmem:s30+$0x120];
	_ =	sdelay $0x4  }
0x12b: {  	[tilespmem:s28+$0x120] =	vst v0  }
0x12c: {  	v0 =	vld [tilespmem:s30+$0x130];
	_ =	sdelay $0x4  }
0x12d: {  	[tilespmem:s28+$0x130] =	vst v0  }
0x12e: {  	v0 =	vld [tilespmem:s30+$0x180];
	_ =	sdelay $0x4  }
0x12f: {  	[tilespmem:s28+$0x180] =	vst v0  }
0x130: {  	v0 =	vld [tilespmem:s30+$0x190];
	_ =	sdelay $0x4  }
0x131: {  	[tilespmem:s28+$0x190] =	vst v0  }
0x132: {  	v0 =	vld [tilespmem:s30+$0x1A0];
	_ =	sdelay $0x4  }
0x133: {  	[tilespmem:s28+$0x1A0] =	vst v0  }
0x134: {  	v0 =	vld [tilespmem:s30+$0x1B0]  }
.Ltmp1:
0x135: {  	(pc) =	sbr.rel @p0 .LBB2_5-.Ltmp1, $2  }
0x136: {  	_ =	sdelay $0x2  }
0x137: {  	s30 =	sadd.s32 $0x400, s30;
	[tilespmem:s28+$0x1B0] =	vst v0  }
0x138: {  	s28 =	sshll.u32 s24, $0xD  }
0x139: {  	p0 =	seq.s32 s24, $0x19;
	s28 =	sadd.s32 s8, s28  }
0x13a: {  	[hbm4b:s28+s2] =	stream.linear.scatter [tilespmem:s18], [sflag:$0x6], $0x4000, $0x38;
	[tilespmem:$0x1B400] =	vst v63  }
0x13b: {  	s28 =	sshll.u32 @!p0 s24, $0x9  }
0x13c: {  	s28 =	sand.u32 @!p0 $0x3FFFFE00, s28  }
0x13d: {  	s30 =	simm.s32 @!p0 $0x80;
	s31 =	simm.s32 @!p0 $0x3400;
	s29 =	sadd.s32 @!p0 $0x200, s28  }
0x13e: {  	[tilespmem:s31], [sflag:$0x1] =	stream.indirect.gather @!p0 [hbm4b:s3+s30], $0x80, s29, s30, $0xb8;
	[tilespmem:$0x1B400] =	vst v63  }
0x13f: {  	_ =	swait.ge [sflag:s19], $0x4000  }
0x140: {  	[sflag:s19] =	ssyncset.done $0x0  }
0x141: {  	[sflag:s19] =	ssyncadd.s32 $0xFFFFC000  }
0x142: {  	_ =	swait.ge [sflag:s20], $0x4000  }
0x143: {  	[sflag:s20] =	ssyncset.done $0x0  }
0x144: {  	s30 =	simm.s32 $0xB600;
	[sflag:s20] =	ssyncadd.s32 $0xFFFFC000  }
0x145: {  	v0 =	vld [tilespmem:s30+$0xFFFFFE00];
	_ =	sdelay $0x3  }
0x146: {  	s29 =	simm.s32 $0x13600  }
0x147: {  	[tilespmem:s29+$0xFFFFFE00] =	vst v0  }
0x148: {  	v0 =	vld [tilespmem:s30+$0xFFFFFE10];
	_ =	sdelay $0x4  }
0x149: {  	[tilespmem:s29+$0xFFFFFE10] =	vst v0  }
0x14a: {  	v0 =	vld [tilespmem:s30+$0xFFFFFE20];
	_ =	sdelay $0x4  }
0x14b: {  	[tilespmem:s29+$0xFFFFFE20] =	vst v0  }
0x14c: {  	v0 =	vld [tilespmem:s30+$0xFFFFFE30];
	_ =	sdelay $0x4  }
0x14d: {  	[tilespmem:s29+$0xFFFFFE30] =	vst v0  }
0x14e: {  	v0 =	vld [tilespmem:s30+$0xFFFFFE80];
	_ =	sdelay $0x4  }
0x14f: {  	[tilespmem:s29+$0xFFFFFE80] =	vst v0  }
0x150: {  	v0 =	vld [tilespmem:s30+$0xFFFFFE90];
	_ =	sdelay $0x4  }
0x151: {  	[tilespmem:s29+$0xFFFFFE90] =	vst v0  }
0x152: {  	v0 =	vld [tilespmem:s30+$0xFFFFFEA0];
	_ =	sdelay $0x4  }
0x153: {  	[tilespmem:s29+$0xFFFFFEA0] =	vst v0  }
0x154: {  	v0 =	vld [tilespmem:s30+$0xFFFFFEB0];
	_ =	sdelay $0x4  }
0x155: {  	[tilespmem:s29+$0xFFFFFEB0] =	vst v0  }
0x156: {  	v0 =	vld [tilespmem:s30+$0xFFFFFF00];
	_ =	sdelay $0x4  }
0x157: {  	[tilespmem:s29+$0xFFFFFF00] =	vst v0  }
0x158: {  	v0 =	vld [tilespmem:s30+$0xFFFFFF10];
	_ =	sdelay $0x4  }
0x159: {  	[tilespmem:s29+$0xFFFFFF10] =	vst v0  }
0x15a: {  	v0 =	vld [tilespmem:s30+$0xFFFFFF20];
	_ =	sdelay $0x4  }
0x15b: {  	[tilespmem:s29+$0xFFFFFF20] =	vst v0  }
0x15c: {  	v0 =	vld [tilespmem:s30+$0xFFFFFF30];
	_ =	sdelay $0x4  }
0x15d: {  	[tilespmem:s29+$0xFFFFFF30] =	vst v0  }
0x15e: {  	v0 =	vld [tilespmem:s30+$0xFFFFFF80];
	_ =	sdelay $0x4  }
0x15f: {  	[tilespmem:s29+$0xFFFFFF80] =	vst v0  }
0x160: {  	v0 =	vld [tilespmem:s30+$0xFFFFFF90];
	_ =	sdelay $0x4  }
0x161: {  	[tilespmem:s29+$0xFFFFFF90] =	vst v0  }
0x162: {  	v0 =	vld [tilespmem:s30+$0xFFFFFFA0];
	_ =	sdelay $0x4  }
0x163: {  	[tilespmem:s29+$0xFFFFFFA0] =	vst v0  }
0x164: {  	v0 =	vld [tilespmem:s30+$0xFFFFFFB0];
	_ =	sdelay $0x4  }
0x165: {  	[tilespmem:s29+$0xFFFFFFB0] =	vst v0  }
0x166: {  	v0 =	vld [tilespmem:s30+$0x0];
	_ =	sdelay $0x4  }
0x167: {  	[tilespmem:s29+$0x0] =	vst v0  }
0x168: {  	v0 =	vld [tilespmem:s30+$0x10];
	_ =	sdelay $0x4  }
0x169: {  	[tilespmem:s29+$0x10] =	vst v0  }
0x16a: {  	v0 =	vld [tilespmem:s30+$0x20];
	_ =	sdelay $0x4  }
0x16b: {  	[tilespmem:s29+$0x20] =	vst v0  }
0x16c: {  	v0 =	vld [tilespmem:s30+$0x30];
	_ =	sdelay $0x4  }
0x16d: {  	[tilespmem:s29+$0x30] =	vst v0  }
0x16e: {  	v0 =	vld [tilespmem:s30+$0x80];
	_ =	sdelay $0x4  }
0x16f: {  	[tilespmem:s29+$0x80] =	vst v0  }
0x170: {  	v0 =	vld [tilespmem:s30+$0x90];
	_ =	sdelay $0x4  }
0x171: {  	[tilespmem:s29+$0x90] =	vst v0  }
0x172: {  	v0 =	vld [tilespmem:s30+$0xA0];
	_ =	sdelay $0x4  }
0x173: {  	[tilespmem:s29+$0xA0] =	vst v0  }
0x174: {  	v0 =	vld [tilespmem:s30+$0xB0];
	_ =	sdelay $0x4  }
0x175: {  	[tilespmem:s29+$0xB0] =	vst v0  }
0x176: {  	v0 =	vld [tilespmem:s30+$0x100];
	_ =	sdelay $0x4  }
0x177: {  	[tilespmem:s29+$0x100] =	vst v0  }
0x178: {  	v0 =	vld [tilespmem:s30+$0x110];
	_ =	sdelay $0x4  }
0x179: {  	[tilespmem:s29+$0x110] =	vst v0  }
0x17a: {  	v0 =	vld [tilespmem:s30+$0x120];
	_ =	sdelay $0x4  }
0x17b: {  	[tilespmem:s29+$0x120] =	vst v0  }
0x17c: {  	v0 =	vld [tilespmem:s30+$0x130];
	_ =	sdelay $0x4  }
0x17d: {  	[tilespmem:s29+$0x130] =	vst v0  }
0x17e: {  	v0 =	vld [tilespmem:s30+$0x180];
	_ =	sdelay $0x4  }
0x17f: {  	[tilespmem:s29+$0x180] =	vst v0  }
0x180: {  	v0 =	vld [tilespmem:s30+$0x190];
	_ =	sdelay $0x4  }
0x181: {  	[tilespmem:s29+$0x190] =	vst v0  }
0x182: {  	v0 =	vld [tilespmem:s30+$0x1A0];
	_ =	sdelay $0x4  }
0x183: {  	[tilespmem:s29+$0x1A0] =	vst v0  }
0x184: {  	v0 =	vld [tilespmem:s30+$0x1B0];
	_ =	sdelay $0x4  }
0x185: {  	s31 =	simm.s32 $0xBA00;
	s30 =	simm.s32 $0x0;
	[tilespmem:s29+$0x1B0] =	vst v0  }
.LBB2_7:
0x186: {  	v0 =	vld [tilespmem:s31+$0xFFFFFE00];
	s30 =	sadd.s32 $0x8, s30  }
0x187: {  	p1 =	slt.u32 s30, $0x78;
	_ =	sdelay $0x2  }
0x188: {  	s29 =	sadd.s32 $0x400, s29  }
0x189: {  	[tilespmem:s29+$0xFFFFFE00] =	vst v0  }
0x18a: {  	v0 =	vld [tilespmem:s31+$0xFFFFFE10];
	_ =	sdelay $0x4  }
0x18b: {  	[tilespmem:s29+$0xFFFFFE10] =	vst v0  }
0x18c: {  	v0 =	vld [tilespmem:s31+$0xFFFFFE20];
	_ =	sdelay $0x4  }
0x18d: {  	[tilespmem:s29+$0xFFFFFE20] =	vst v0  }
0x18e: {  	v0 =	vld [tilespmem:s31+$0xFFFFFE30];
	_ =	sdelay $0x4  }
0x18f: {  	[tilespmem:s29+$0xFFFFFE30] =	vst v0  }
0x190: {  	v0 =	vld [tilespmem:s31+$0xFFFFFE80];
	_ =	sdelay $0x4  }
0x191: {  	[tilespmem:s29+$0xFFFFFE80] =	vst v0  }
0x192: {  	v0 =	vld [tilespmem:s31+$0xFFFFFE90];
	_ =	sdelay $0x4  }
0x193: {  	[tilespmem:s29+$0xFFFFFE90] =	vst v0  }
0x194: {  	v0 =	vld [tilespmem:s31+$0xFFFFFEA0];
	_ =	sdelay $0x4  }
0x195: {  	[tilespmem:s29+$0xFFFFFEA0] =	vst v0  }
0x196: {  	v0 =	vld [tilespmem:s31+$0xFFFFFEB0];
	_ =	sdelay $0x4  }
0x197: {  	[tilespmem:s29+$0xFFFFFEB0] =	vst v0  }
0x198: {  	v0 =	vld [tilespmem:s31+$0xFFFFFF00];
	_ =	sdelay $0x4  }
0x199: {  	[tilespmem:s29+$0xFFFFFF00] =	vst v0  }
0x19a: {  	v0 =	vld [tilespmem:s31+$0xFFFFFF10];
	_ =	sdelay $0x4  }
0x19b: {  	[tilespmem:s29+$0xFFFFFF10] =	vst v0  }
0x19c: {  	v0 =	vld [tilespmem:s31+$0xFFFFFF20];
	_ =	sdelay $0x4  }
0x19d: {  	[tilespmem:s29+$0xFFFFFF20] =	vst v0  }
0x19e: {  	v0 =	vld [tilespmem:s31+$0xFFFFFF30];
	_ =	sdelay $0x4  }
0x19f: {  	[tilespmem:s29+$0xFFFFFF30] =	vst v0  }
0x1a0: {  	v0 =	vld [tilespmem:s31+$0xFFFFFF80];
	_ =	sdelay $0x4  }
0x1a1: {  	[tilespmem:s29+$0xFFFFFF80] =	vst v0  }
0x1a2: {  	v0 =	vld [tilespmem:s31+$0xFFFFFF90];
	_ =	sdelay $0x4  }
0x1a3: {  	[tilespmem:s29+$0xFFFFFF90] =	vst v0  }
0x1a4: {  	v0 =	vld [tilespmem:s31+$0xFFFFFFA0];
	_ =	sdelay $0x4  }
0x1a5: {  	[tilespmem:s29+$0xFFFFFFA0] =	vst v0  }
0x1a6: {  	v0 =	vld [tilespmem:s31+$0xFFFFFFB0];
	_ =	sdelay $0x4  }
0x1a7: {  	[tilespmem:s29+$0xFFFFFFB0] =	vst v0  }
0x1a8: {  	v0 =	vld [tilespmem:s31+$0x0];
	_ =	sdelay $0x4  }
0x1a9: {  	[tilespmem:s29+$0x0] =	vst v0  }
0x1aa: {  	v0 =	vld [tilespmem:s31+$0x10];
	_ =	sdelay $0x4  }
0x1ab: {  	[tilespmem:s29+$0x10] =	vst v0  }
0x1ac: {  	v0 =	vld [tilespmem:s31+$0x20];
	_ =	sdelay $0x4  }
0x1ad: {  	[tilespmem:s29+$0x20] =	vst v0  }
0x1ae: {  	v0 =	vld [tilespmem:s31+$0x30];
	_ =	sdelay $0x4  }
0x1af: {  	[tilespmem:s29+$0x30] =	vst v0  }
0x1b0: {  	v0 =	vld [tilespmem:s31+$0x80];
	_ =	sdelay $0x4  }
0x1b1: {  	[tilespmem:s29+$0x80] =	vst v0  }
0x1b2: {  	v0 =	vld [tilespmem:s31+$0x90];
	_ =	sdelay $0x4  }
0x1b3: {  	[tilespmem:s29+$0x90] =	vst v0  }
0x1b4: {  	v0 =	vld [tilespmem:s31+$0xA0];
	_ =	sdelay $0x4  }
0x1b5: {  	[tilespmem:s29+$0xA0] =	vst v0  }
0x1b6: {  	v0 =	vld [tilespmem:s31+$0xB0];
	_ =	sdelay $0x4  }
0x1b7: {  	[tilespmem:s29+$0xB0] =	vst v0  }
0x1b8: {  	v0 =	vld [tilespmem:s31+$0x100];
	_ =	sdelay $0x4  }
0x1b9: {  	[tilespmem:s29+$0x100] =	vst v0  }
0x1ba: {  	v0 =	vld [tilespmem:s31+$0x110];
	_ =	sdelay $0x4  }
0x1bb: {  	[tilespmem:s29+$0x110] =	vst v0  }
0x1bc: {  	v0 =	vld [tilespmem:s31+$0x120];
	_ =	sdelay $0x4  }
0x1bd: {  	[tilespmem:s29+$0x120] =	vst v0  }
0x1be: {  	v0 =	vld [tilespmem:s31+$0x130];
	_ =	sdelay $0x4  }
0x1bf: {  	[tilespmem:s29+$0x130] =	vst v0  }
0x1c0: {  	v0 =	vld [tilespmem:s31+$0x180];
	_ =	sdelay $0x4  }
0x1c1: {  	[tilespmem:s29+$0x180] =	vst v0  }
0x1c2: {  	v0 =	vld [tilespmem:s31+$0x190];
	_ =	sdelay $0x4  }
0x1c3: {  	[tilespmem:s29+$0x190] =	vst v0  }
0x1c4: {  	v0 =	vld [tilespmem:s31+$0x1A0];
	_ =	sdelay $0x4  }
0x1c5: {  	[tilespmem:s29+$0x1A0] =	vst v0  }
0x1c6: {  	v0 =	vld [tilespmem:s31+$0x1B0]  }
.Ltmp2:
0x1c7: {  	(pc) =	sbr.rel @p1 .LBB2_7-.Ltmp2, $2  }
0x1c8: {  	_ =	sdelay $0x2  }
0x1c9: {  	s31 =	sadd.s32 $0x400, s31;
	[tilespmem:s29+$0x1B0] =	vst v0  }
0x1ca: {  	s25 =	sshll.u32 s25, $0xE  }
0x1cb: {  	s25 =	sadd.s32 s6, s25  }
0x1cc: {  	s25 =	sshrl.u32 s25, $0x3  }
0x1cd: {  	s25 =	sadd.s32 s4, s25  }
0x1ce: {  	[hbm4b:s25+s2] =	stream.linear.scatter [tilespmem:s15], [sflag:$0x5], $0x4000, $0x38;
	[tilespmem:$0x1B400] =	vst v63  }
0x1cf: {  	s29 =	simm.s32 @!p0 $0x7400;
	s25 =	sadd.s32 @!p0 $0x280, s28;
	s28 =	simm.s32 @!p0 $0x80  }
0x1d0: {  	[tilespmem:s29], [sflag:$0x2] =	stream.indirect.gather @!p0 [hbm4b:s3+s28], $0x80, s25, s28, $0xb8;
	[tilespmem:$0x1B400] =	vst v63  }
0x1d1: {  	_ =	swait.ge [sflag:s21], $0x4000  }
0x1d2: {  	[sflag:s21] =	ssyncset.done $0x0  }
0x1d3: {  	[sflag:s21] =	ssyncadd.s32 $0xFFFFC000  }
0x1d4: {  	_ =	swait.ge [sflag:s22], $0x4000  }
0x1d5: {  	[sflag:s22] =	ssyncset.done $0x0  }
0x1d6: {  	s28 =	simm.s32 $0xF600;
	[sflag:s22] =	ssyncadd.s32 $0xFFFFC000  }
0x1d7: {  	v0 =	vld [tilespmem:s28+$0xFFFFFE00];
	_ =	sdelay $0x3  }
0x1d8: {  	s25 =	simm.s32 $0x17600  }
0x1d9: {  	[tilespmem:s25+$0xFFFFFE00] =	vst v0  }
0x1da: {  	v0 =	vld [tilespmem:s28+$0xFFFFFE10];
	_ =	sdelay $0x4  }
0x1db: {  	[tilespmem:s25+$0xFFFFFE10] =	vst v0  }
0x1dc: {  	v0 =	vld [tilespmem:s28+$0xFFFFFE20];
	_ =	sdelay $0x4  }
0x1dd: {  	[tilespmem:s25+$0xFFFFFE20] =	vst v0  }
0x1de: {  	v0 =	vld [tilespmem:s28+$0xFFFFFE30];
	_ =	sdelay $0x4  }
0x1df: {  	[tilespmem:s25+$0xFFFFFE30] =	vst v0  }
0x1e0: {  	v0 =	vld [tilespmem:s28+$0xFFFFFE80];
	_ =	sdelay $0x4  }
0x1e1: {  	[tilespmem:s25+$0xFFFFFE80] =	vst v0  }
0x1e2: {  	v0 =	vld [tilespmem:s28+$0xFFFFFE90];
	_ =	sdelay $0x4  }
0x1e3: {  	[tilespmem:s25+$0xFFFFFE90] =	vst v0  }
0x1e4: {  	v0 =	vld [tilespmem:s28+$0xFFFFFEA0];
	_ =	sdelay $0x4  }
0x1e5: {  	[tilespmem:s25+$0xFFFFFEA0] =	vst v0  }
0x1e6: {  	v0 =	vld [tilespmem:s28+$0xFFFFFEB0];
	_ =	sdelay $0x4  }
0x1e7: {  	[tilespmem:s25+$0xFFFFFEB0] =	vst v0  }
0x1e8: {  	v0 =	vld [tilespmem:s28+$0xFFFFFF00];
	_ =	sdelay $0x4  }
0x1e9: {  	[tilespmem:s25+$0xFFFFFF00] =	vst v0  }
0x1ea: {  	v0 =	vld [tilespmem:s28+$0xFFFFFF10];
	_ =	sdelay $0x4  }
0x1eb: {  	[tilespmem:s25+$0xFFFFFF10] =	vst v0  }
0x1ec: {  	v0 =	vld [tilespmem:s28+$0xFFFFFF20];
	_ =	sdelay $0x4  }
0x1ed: {  	[tilespmem:s25+$0xFFFFFF20] =	vst v0  }
0x1ee: {  	v0 =	vld [tilespmem:s28+$0xFFFFFF30];
	_ =	sdelay $0x4  }
0x1ef: {  	[tilespmem:s25+$0xFFFFFF30] =	vst v0  }
0x1f0: {  	v0 =	vld [tilespmem:s28+$0xFFFFFF80];
	_ =	sdelay $0x4  }
0x1f1: {  	[tilespmem:s25+$0xFFFFFF80] =	vst v0  }
0x1f2: {  	v0 =	vld [tilespmem:s28+$0xFFFFFF90];
	_ =	sdelay $0x4  }
0x1f3: {  	[tilespmem:s25+$0xFFFFFF90] =	vst v0  }
0x1f4: {  	v0 =	vld [tilespmem:s28+$0xFFFFFFA0];
	_ =	sdelay $0x4  }
0x1f5: {  	[tilespmem:s25+$0xFFFFFFA0] =	vst v0  }
0x1f6: {  	v0 =	vld [tilespmem:s28+$0xFFFFFFB0];
	_ =	sdelay $0x4  }
0x1f7: {  	[tilespmem:s25+$0xFFFFFFB0] =	vst v0  }
0x1f8: {  	v0 =	vld [tilespmem:s28+$0x0];
	_ =	sdelay $0x4  }
0x1f9: {  	[tilespmem:s25+$0x0] =	vst v0  }
0x1fa: {  	v0 =	vld [tilespmem:s28+$0x10];
	_ =	sdelay $0x4  }
0x1fb: {  	[tilespmem:s25+$0x10] =	vst v0  }
0x1fc: {  	v0 =	vld [tilespmem:s28+$0x20];
	_ =	sdelay $0x4  }
0x1fd: {  	[tilespmem:s25+$0x20] =	vst v0  }
0x1fe: {  	v0 =	vld [tilespmem:s28+$0x30];
	_ =	sdelay $0x4  }
0x1ff: {  	[tilespmem:s25+$0x30] =	vst v0  }
0x200: {  	v0 =	vld [tilespmem:s28+$0x80];
	_ =	sdelay $0x4  }
0x201: {  	[tilespmem:s25+$0x80] =	vst v0  }
0x202: {  	v0 =	vld [tilespmem:s28+$0x90];
	_ =	sdelay $0x4  }
0x203: {  	[tilespmem:s25+$0x90] =	vst v0  }
0x204: {  	v0 =	vld [tilespmem:s28+$0xA0];
	_ =	sdelay $0x4  }
0x205: {  	[tilespmem:s25+$0xA0] =	vst v0  }
0x206: {  	v0 =	vld [tilespmem:s28+$0xB0];
	_ =	sdelay $0x4  }
0x207: {  	[tilespmem:s25+$0xB0] =	vst v0  }
0x208: {  	v0 =	vld [tilespmem:s28+$0x100];
	_ =	sdelay $0x4  }
0x209: {  	[tilespmem:s25+$0x100] =	vst v0  }
0x20a: {  	v0 =	vld [tilespmem:s28+$0x110];
	_ =	sdelay $0x4  }
0x20b: {  	[tilespmem:s25+$0x110] =	vst v0  }
0x20c: {  	v0 =	vld [tilespmem:s28+$0x120];
	_ =	sdelay $0x4  }
0x20d: {  	[tilespmem:s25+$0x120] =	vst v0  }
0x20e: {  	v0 =	vld [tilespmem:s28+$0x130];
	_ =	sdelay $0x4  }
0x20f: {  	[tilespmem:s25+$0x130] =	vst v0  }
0x210: {  	v0 =	vld [tilespmem:s28+$0x180];
	_ =	sdelay $0x4  }
0x211: {  	[tilespmem:s25+$0x180] =	vst v0  }
0x212: {  	v0 =	vld [tilespmem:s28+$0x190];
	_ =	sdelay $0x4  }
0x213: {  	[tilespmem:s25+$0x190] =	vst v0  }
0x214: {  	v0 =	vld [tilespmem:s28+$0x1A0];
	_ =	sdelay $0x4  }
0x215: {  	[tilespmem:s25+$0x1A0] =	vst v0  }
0x216: {  	v0 =	vld [tilespmem:s28+$0x1B0];
	_ =	sdelay $0x4  }
0x217: {  	s29 =	simm.s32 $0xFA00;
	s28 =	simm.s32 $0x0;
	[tilespmem:s25+$0x1B0] =	vst v0  }
.LBB2_9:
0x218: {  	v0 =	vld [tilespmem:s29+$0xFFFFFE00];
	s28 =	sadd.s32 $0x8, s28  }
0x219: {  	p0 =	slt.u32 s28, $0x78;
	_ =	sdelay $0x2  }
0x21a: {  	s25 =	sadd.s32 $0x400, s25  }
0x21b: {  	[tilespmem:s25+$0xFFFFFE00] =	vst v0  }
0x21c: {  	v0 =	vld [tilespmem:s29+$0xFFFFFE10];
	_ =	sdelay $0x4  }
0x21d: {  	[tilespmem:s25+$0xFFFFFE10] =	vst v0  }
0x21e: {  	v0 =	vld [tilespmem:s29+$0xFFFFFE20];
	_ =	sdelay $0x4  }
0x21f: {  	[tilespmem:s25+$0xFFFFFE20] =	vst v0  }
0x220: {  	v0 =	vld [tilespmem:s29+$0xFFFFFE30];
	_ =	sdelay $0x4  }
0x221: {  	[tilespmem:s25+$0xFFFFFE30] =	vst v0  }
0x222: {  	v0 =	vld [tilespmem:s29+$0xFFFFFE80];
	_ =	sdelay $0x4  }
0x223: {  	[tilespmem:s25+$0xFFFFFE80] =	vst v0  }
0x224: {  	v0 =	vld [tilespmem:s29+$0xFFFFFE90];
	_ =	sdelay $0x4  }
0x225: {  	[tilespmem:s25+$0xFFFFFE90] =	vst v0  }
0x226: {  	v0 =	vld [tilespmem:s29+$0xFFFFFEA0];
	_ =	sdelay $0x4  }
0x227: {  	[tilespmem:s25+$0xFFFFFEA0] =	vst v0  }
0x228: {  	v0 =	vld [tilespmem:s29+$0xFFFFFEB0];
	_ =	sdelay $0x4  }
0x229: {  	[tilespmem:s25+$0xFFFFFEB0] =	vst v0  }
0x22a: {  	v0 =	vld [tilespmem:s29+$0xFFFFFF00];
	_ =	sdelay $0x4  }
0x22b: {  	[tilespmem:s25+$0xFFFFFF00] =	vst v0  }
0x22c: {  	v0 =	vld [tilespmem:s29+$0xFFFFFF10];
	_ =	sdelay $0x4  }
0x22d: {  	[tilespmem:s25+$0xFFFFFF10] =	vst v0  }
0x22e: {  	v0 =	vld [tilespmem:s29+$0xFFFFFF20];
	_ =	sdelay $0x4  }
0x22f: {  	[tilespmem:s25+$0xFFFFFF20] =	vst v0  }
0x230: {  	v0 =	vld [tilespmem:s29+$0xFFFFFF30];
	_ =	sdelay $0x4  }
0x231: {  	[tilespmem:s25+$0xFFFFFF30] =	vst v0  }
0x232: {  	v0 =	vld [tilespmem:s29+$0xFFFFFF80];
	_ =	sdelay $0x4  }
0x233: {  	[tilespmem:s25+$0xFFFFFF80] =	vst v0  }
0x234: {  	v0 =	vld [tilespmem:s29+$0xFFFFFF90];
	_ =	sdelay $0x4  }
0x235: {  	[tilespmem:s25+$0xFFFFFF90] =	vst v0  }
0x236: {  	v0 =	vld [tilespmem:s29+$0xFFFFFFA0];
	_ =	sdelay $0x4  }
0x237: {  	[tilespmem:s25+$0xFFFFFFA0] =	vst v0  }
0x238: {  	v0 =	vld [tilespmem:s29+$0xFFFFFFB0];
	_ =	sdelay $0x4  }
0x239: {  	[tilespmem:s25+$0xFFFFFFB0] =	vst v0  }
0x23a: {  	v0 =	vld [tilespmem:s29+$0x0];
	_ =	sdelay $0x4  }
0x23b: {  	[tilespmem:s25+$0x0] =	vst v0  }
0x23c: {  	v0 =	vld [tilespmem:s29+$0x10];
	_ =	sdelay $0x4  }
0x23d: {  	[tilespmem:s25+$0x10] =	vst v0  }
0x23e: {  	v0 =	vld [tilespmem:s29+$0x20];
	_ =	sdelay $0x4  }
0x23f: {  	[tilespmem:s25+$0x20] =	vst v0  }
0x240: {  	v0 =	vld [tilespmem:s29+$0x30];
	_ =	sdelay $0x4  }
0x241: {  	[tilespmem:s25+$0x30] =	vst v0  }
0x242: {  	v0 =	vld [tilespmem:s29+$0x80];
	_ =	sdelay $0x4  }
0x243: {  	[tilespmem:s25+$0x80] =	vst v0  }
0x244: {  	v0 =	vld [tilespmem:s29+$0x90];
	_ =	sdelay $0x4  }
0x245: {  	[tilespmem:s25+$0x90] =	vst v0  }
0x246: {  	v0 =	vld [tilespmem:s29+$0xA0];
	_ =	sdelay $0x4  }
0x247: {  	[tilespmem:s25+$0xA0] =	vst v0  }
0x248: {  	v0 =	vld [tilespmem:s29+$0xB0];
	_ =	sdelay $0x4  }
0x249: {  	[tilespmem:s25+$0xB0] =	vst v0  }
0x24a: {  	v0 =	vld [tilespmem:s29+$0x100];
	_ =	sdelay $0x4  }
0x24b: {  	[tilespmem:s25+$0x100] =	vst v0  }
0x24c: {  	v0 =	vld [tilespmem:s29+$0x110];
	_ =	sdelay $0x4  }
0x24d: {  	[tilespmem:s25+$0x110] =	vst v0  }
0x24e: {  	v0 =	vld [tilespmem:s29+$0x120];
	_ =	sdelay $0x4  }
0x24f: {  	[tilespmem:s25+$0x120] =	vst v0  }
0x250: {  	v0 =	vld [tilespmem:s29+$0x130];
	_ =	sdelay $0x4  }
0x251: {  	[tilespmem:s25+$0x130] =	vst v0  }
0x252: {  	v0 =	vld [tilespmem:s29+$0x180];
	_ =	sdelay $0x4  }
0x253: {  	[tilespmem:s25+$0x180] =	vst v0  }
0x254: {  	v0 =	vld [tilespmem:s29+$0x190];
	_ =	sdelay $0x4  }
0x255: {  	[tilespmem:s25+$0x190] =	vst v0  }
0x256: {  	v0 =	vld [tilespmem:s29+$0x1A0];
	_ =	sdelay $0x4  }
0x257: {  	[tilespmem:s25+$0x1A0] =	vst v0  }
0x258: {  	v0 =	vld [tilespmem:s29+$0x1B0]  }
.Ltmp3:
0x259: {  	(pc) =	sbr.rel @p0 .LBB2_9-.Ltmp3, $2  }
0x25a: {  	_ =	sdelay $0x2  }
0x25b: {  	s29 =	sadd.s32 $0x400, s29;
	[tilespmem:s25+$0x1B0] =	vst v0  }
0x25c: {  	s24 =	sadd.s32 $0x1, s24  }
0x25d: {  	p0 =	sne.s32 s24, $0x1A  }
.Ltmp4:
0x25e: {  	s25 =	sshll.u32 s26, $0xE;
	(pc) =	sbr.rel @p0 .LBB2_2-.Ltmp4, $4  }
0x25f: {  	s25 =	sadd.s32 s6, s25  }
0x260: {  	s25 =	sshrl.u32 s25, $0x3  }
0x261: {  	s25 =	sadd.s32 s4, s25  }
0x262: {  	[hbm4b:s25+s2] =	stream.linear.scatter [tilespmem:s18], [sflag:$0x6], $0x4000, $0x38;
	[tilespmem:$0x1B400] =	vst v63  }
0x263: {  	s23 =	sadd.s32 $0x1, s23  }
0x264: {  	_ =	swait.ge [sflag:s20], $0x4000;
	p0 =	sne.s32 s23, s7  }
.Ltmp5:
0x265: {  	[sflag:s20] =	ssyncset.done $0x0;
	(pc) =	sbr.rel @p0 .LBB2_1-.Ltmp5, $4  }
0x266: {  	[sflag:s20] =	ssyncadd.s32 $0xFFFFC000  }
0x267: {  	_ =	swait.ge [sflag:s22], $0x4000  }
0x268: {  	[sflag:s22] =	ssyncset.done $0x0  }
0x269: {  	[sflag:s22] =	ssyncadd.s32 $0xFFFFC000  }
0x26a: {  	_ =	sfence.sel $0x180000  }
0x26b: {  	[bflag:$0x0] =	sbarrier.arrive $0xFFFF  }
0x26c: {  	p0 =	sne.s32 s0, $0x0;
	_ =	strace $0x90000047  }
0x26d: {  	s0 =	sadd.s32 @!p0 $0x100000, s1;
	[bflag:$0x2] =	sbarrier.arrive $0xFFFF  }
0x26e: {  	[sflag:s0] =	ssyncadd.tile.s32 @!p0 $0x1;
	_ =	shalt  }
.Lfunc_end2:
_tile_overlayer_lowered:
.L_overlay_start_2:
0x26f: {  	(tag) =	ssettag $0x2  }
0x270: {  	s0 =	rddreg [dreg:$0x0];
	s2 =	stileid.u32  }
0x271: {  	s1 =	rddreg [dreg:$0x1];
	p0 =	sne.s32 s2, $0x0  }
0x272: {  	s3 =	rddreg [dreg:$0x2];
	[bflag:$0x3] =	sbarrier.arrive $0xFFFF;
	s2 =	simm.s32 @!p0 $0x1C07  }
0x273: {  	[timem:s3], [sflag:s2] =	dma.local @!p0 [hbm:s0], s1  }
0x274: {  	s0 =	simm.s32 @!p0 $0x7  }
0x275: {  	_ =	swait.ge @!p0 [sflag:s0], s1  }
0x276: {  	s1 =	ssub.s32 @!p0 $0x0, s1;
	[sflag:s0] =	ssyncset.done @!p0 $0x0  }
0x277: {  	[sflag:s0] =	ssyncadd.s32 @!p0 s1  }
0x278: {  	[bflag:$0x3] =	sbarrier.arrive $0xFFFF  }
0x279: {  	_ =	shalt  }

// kernel: sparse-core-data-format-call.cloned.1.call-start
scs
called_computation_lowered:
.L_overlay_start_0:
0x0: {  	s2 =	sld [smem:$0x3FD9]  }
0x1: {  	s3 =	sld [smem:$0x3FFE];
	_ =	sdelay $0x1  }
0x2: {  	s1 =	srdreg.scid  }
0x3: {  	s0 =	sand.u32 $0x1, s1  }
0x4: {  	s18 =	sshll.u32 s0, $0xA;
	s2 =	sadd.s32 s3, s2  }
0x5: {  	s2 =	sadd.s32 s2, s18  }
0x6: {  	[smem:$0x3FC2] =	sst s2  }
0x7: {  	_ = 	snop  }
0x8: {  	s2 =	sld [smem:$0x3FD0];
	(tm) =	ssettm $0x1  }
0x9: {  	s19 =	sld [smem:$0x3FFB];
	_ =	sdelay $0x3  }
0xa: {  	_ =	strace s19  }
0xb: {  	s3 =	sld [smem:$0x3FFC];
	_ =	sdelay $0x3  }
0xc: {  	_ =	strace s3  }
0xd: {  	s3 =	sld [smem:$0x3FFD];
	_ =	sdelay $0x3  }
0xe: {  	_ =	strace s3  }
0xf: {  	_ =	strace $0x8FFFFFFF  }
0x10: {  	s20 =	sld [smem:$0x3FDB];
	_ =	sdelay $0x1  }
0x11: {  	s4 =	simm.s32 $_scs_section_size  }
0x12: {  	s5 =	simm.s32 $_size__tile_overlayer_lowered;
	s6 =	simm.s32 $_tile_overlayer_lowered  }
0x13: {  	s23 =	simm.s32 $0x1BFF;
	s22 =	sshll.u32 s6, $0x1;
	s3 =	sadd.s32 s4, s20  }
0x14: {  	s7 =	simm.s32 $0x0;
	s21 =	sshll.u32 s5, $0x1;
	s5 =	sadd.s32 s22, s3  }
0x15: {  	[timem:s7], [sflag:s23] =	dma.local [hbm:s5], s21  }
0x16: {  	_ =	swait.ge [sflag:s23], s21  }
0x17: {  	s4 =	ssub.s32 $0x0, s21;
	[sflag:s23] =	ssyncset.done $0x0  }
0x18: {  	[sflag:s23] =	ssyncadd.s32 s4;
	_ =	sdelay $0x1  }
0x19: {  	s24 =	simm.s32 $0x1B8B  }
0x1a: {  	_ =	swait.ge [sflag:s24], $0x1  }
0x1b: {  	[sflag:s24] =	ssyncset.done $0x0  }
0x1c: {  	s26 =	simm.s32 $0x1B8E;
	s25 =	sld [smem:$0x3FFE];
	[sflag:s24] =	ssyncadd.s32 $0xFFFFFFFF  }
0x1d: {  	s27 =	simm.s32 $execute0_lowered;
	[smem:$0x3FD2] =	sst s26  }
0x1e: {  	s5 =	sshll.u32 s27, $0x1;
	_ =	strace $0x80000049;
	[dreg:$0x1] =	wrdreg $0xFFFFFFFF  }
0x1f: {  	s28 =	simm.s32 $_size_execute0_lowered;
	s3 =	sadd.s32 s3, s5;
	[dreg:$0x0] =	wrdreg $0x0  }
0x20: {  	s5 =	sshll.u32 s28, $0x1;
	[dreg:$0x2] =	wrdreg s3  }
0x21: {  	[dreg:$0x3] =	wrdreg s5  }
0x22: {  	[dreg:$0x4] =	wrdreg $0xC0  }
0x23: {  	_ =	task [dreg:s7], $0x5FFFF  }
0x24: {  	[dreg:$0x1] =	wrdreg $0xFFFFFFFF  }
0x25: {  	[dreg:$0x0] =	wrdreg $0x60  }
0x26: {  	[dreg:$0x2] =	wrdreg s25  }
0x27: {  	[dreg:$0x3] =	wrdreg s2  }
0x28: {  	[dreg:$0x4] =	wrdreg $0x9  }
0x29: {  	_ =	task.clear_ibuf [dreg:s7], $0x5FFFF;
	_ =	strace $0x90000049  }
0x2a: {  	s29 =	simm.s32 $0x9;
	_ =	strace $0x8000004B  }
0x2b: {  	_ =	swait.ge [sflag:s29], $0x1  }
0x2c: {  	[sflag:s29] =	ssyncadd.s32 $0xFFFFFFFF  }
0x2d: {  	_ =	strace $0x9000004B  }
0x2e: {  	_ =	sfence  }
0x2f: {  	s30 =	sld [smem:$0x0];
	_ =	sdelay $0x2  }
0x30: {  	s31 =	sshll.u32 s1, $0xD;
	s1 =	sshrl.u32 s1, $0x2  }
0x31: {  	s3 =	sand.u32 $0x4000, s31;
	s1 =	sadd.s32 s1, s30  }
0x32: {  	s0 =	sor.u32 s3, s0;
	s1 =	sshll.u32 s1, $0x11  }
0x33: {  	s0 =	sor.u32 s1, s0  }
0x34: {  	s0 =	sadd.s32 $0x8F2B, s0  }
0x35: {  	[sflag:s0] =	ssyncadd.remote.s32 $0x1  }
0x36: {  	_ =	sfence.sel $0xFFFF  }
0x37: {  	[dreg:$0x0] =	wrdreg $0xFFFFFFFF;
	(pc) =	sbr.abs _section_cstart, $3  }
0x38: {  	[dreg:$0x1] =	wrdreg $0xFFFFFFFF  }
0x39: {  	_ =	task.clear_ibuf [dreg:s7], $0x2FFFF;
	_ =	strace $0x9FFFFFFF  }
0x3a: {  	(tm) =	ssettm $0x7FFFFFFF  }
0x3b: {  	_ =	shalt  }
tec
execute0_lowered:
.L_overlay_start_1:
0x0: {  	(tag) =	ssettag $0x1  }
0x1: {  	s0 =	srdreg.scid  }
0x2: {  	s1 =	sshll.u32 s0, $0x4  }
0x3: {  	s0 =	stileid.u32;
	s1 =	sand.u32 $0x10, s1  }
0x4: {  	s7 =	rddreg [dreg:$0x0];
	s1 =	sor.u32 s0, s1  }
0x5: {  	s4 =	simm.s32 $0x1;
	s8 =	simm.s32 $0x2;
	s2 =	sshll.u32 s1, $0x7  }
0x6: {  	s13 =	simm.s32 $0x0;
	s9 =	simm.s32 $0x20000;
	s1 =	ssub.s32 $0x4000, s2  }
0x7: {  	s14 =	simm.s32 $0x0;
	s11 =	simm.s32 $0x0;
	s3 =	sand.u32 $0xF80, s1  }
0x8: {  	s12 =	simm.s32 $0x0;
	s5 =	sshrl.u32 s1, $0xC;
	p0 =	sne.s32 s3, $0x0  }
.Ltmp0:
0x9: {  	s1 =	rddreg [dreg:$0x2];
	s4 =	simm.s32 @!p0 $0x0;
	(pc) =	sbr.rel .LBB1_1-.Ltmp0, $4  }
0xa: {  	s6 =	sadd.s32 $0x7400, s7;
	s3 =	rddreg [dreg:$0x1];
	s5 =	sadd.s32 s4, s5  }
0xb: {  	_ =	strace $0x8000004A;
	s4 =	simm.s32 $0x1;
	s5 =	smul.u32 $0xD, s5  }
0xc: {  	s7 =	sadd.s32 $0x47400, s7;
	s10 =	smov.u32 s2;
	[sflag:s4] =	ssyncpa.u1 $0x0  }
0xd: {  	p0 =	por $0x0, $0x0;
	[sflag:s8] =	ssyncpa.u1 $0x0;
	s8 =	sadd.s32 $0x1, s5  }
.LBB1_7:
0xe: {  	s15 =	sadd.s32 $0x1000, s10  }
0xf: {  	s13 =	sadd.s32 $0x2, s11;
	s17 =	smov.u32 s11;
	p2 =	sgt.s32 s15, $0x3FFF  }
0x10: {  	s17 =	smov.u32 @p2 s13  }
0x11: {  	s15 =	smov.u32 @p2 s2;
	p2 =	sgt.s32 s17, $0x19  }
0x12: {  	s17 =	simm.s32 @p2 $0x0;
	p2 =	sne.s32 s12, s8  }
.Ltmp1:
0x13: {  	p1 =	slt.u32 s12, $0x2;
	(pc) =	sbr.rel @!p2 .LBB1_8-.Ltmp1, $4  }
0x14: {  	s16 =	simm.s32 @!p1 $0x2  }
0x15: {  	s14 =	smov.u32 s11;
	p0 =	por !p0, !p0;
	_ =	swait.ge @!p1 [sflag:s16], $0x4000  }
0x16: {  	s13 =	smov.u32 s10;
	[sflag:s16] =	ssyncset.done @!p1 $0x0;
	s10 =	smov.u32 s15  }
0x17: {  	s12 =	sadd.s32 $0x1, s12;
	[sflag:s16] =	ssyncadd.s32 @!p1 $0xFFFFC000;
	s11 =	smov.u32 s17  }
.LBB1_1:
0x18: {  	p1 =	sge.u32 s12, s5  }
0x19: {  	s15 =	sxor.u32 @!p1 $0xFFFFFFFF, s12;
	s16 =	sshll.u32 @!p1 s11, $0x12  }
0x1a: {  	s17 =	sshll.u32 @!p1 s10, $0x4;
	s19 =	simm.s32 @!p1 $0x40;
	s20 =	simm.s32 @!p1 $0x80  }
0x1b: {  	s15 =	sshll.u32 @!p1 s15, $0xE;
	s17 =	sand.u32 @!p1 $0x3FFF0, s17;
	s18 =	sadd.s32 @!p1 s6, s16  }
0x1c: {  	s16 =	sadd.s32 @!p1 s16, s7;
	s15 =	sand.u32 @!p1 $0x4000, s15;
	s18 =	sadd.s32 @!p1 s17, s18  }
0x1d: {  	[tilespmem:s15], [sflag:$0x1] =	stream.strided.gather @!p1 [hbm4b:s18+s19], $0x2000, s20, s19, $0x38;
	[tilespmem:$0x10100] =	vst v63  }
0x1e: {  	s31 =	sadd.s32 $0xFFFFFFFF, s12;
	s16 =	sadd.s32 @!p1 s17, s16;
	s15 =	sor.u32 @!p1 $0x2000, s15  }
0x1f: {  	[tilespmem:s15], [sflag:$0x1] =	stream.strided.gather @!p1 [hbm4b:s16+s19], $0x2000, s20, s19, $0x38;
	[tilespmem:$0x10100] =	vst v63  }
0x20: {  	p1 =	sge.u32 s31, s5  }
.Ltmp2:
0x21: {  	_ = 	snop;
	(pc) =	sbr.rel @p1 .LBB1_7-.Ltmp2, $1  }
0x22: {  	_ =	sdelay $0x3  }
0x23: {  	s15 =	simm.s32 $0x1;
	s17 =	sand.u32 $0x1, s12  }
0x24: {  	_ =	swait.ge [sflag:s4], $0x4000;
	s15 =	simm.s32 @!p0 $0x0;
	s17 =	smul.u32 $0x10200, s17  }
0x25: {  	p2 =	por $0x1, $0x1;
	[sflag:s4] =	ssyncset.done $0x0;
	s16 =	smul.u32 $0x10200, s15  }
0x26: {  	s18 =	sshll.u32 s15, $0x10;
	[sflag:s4] =	ssyncadd.s32 $0xFFFFC000;
	s30 =	sshrl.u32 s17, $0x2  }
0x27: {  	s31 =	sshrl.u32 s18, $0x2;
	s18 =	simm.s32 $0x0;
	s16 =	sshrl.u32 s16, $0x2  }
0x28: {  	s15 =	sor.u32 $0x8000, s30;
	s17 =	sadd.s32 $0x20, s31;
	s16 =	sor.u32 $0x8000, s16  }
.LBB1_3:
0x29: {  	s19 =	sshll.u32 s18, $0xD  }
0x2a: {  	s19 =	sand.u32 $0x3FFFE000, s19  }
0x2b: {  	s21 =	sadd.s32 s19, s17  }
0x2c: {  	s31 =	smul.u32 $0x8100, s18;
	v3 =	vld [tilespmem:s21+$0x10]  }
0x2d: {  	v1 =	vld [tilespmem:s21+$0xFFFFFFF0]  }
0x2e: {  	s18 =	sshra.s32 s31, $0x2;
	v0 =	vld [tilespmem:s21+$0x0]  }
0x2f: {  	s18 =	sadd.s32 s18, s16;
	v2 =	vld [tilespmem:s21+$0xFFFFFFE0]  }
0x30: {  	s19 =	sadd.s32 $0x0, s18  }
0x31: {  	p1 =	por p2, p2;
	s20 =	simm.s32 $0x4;
	s21 =	sadd.s32 $0x40, s21;
	[tilespmem:s19+$0x1830 ss:$0x81] =	vst.msk $0xffff, v3  }
.LBB1_4:
0x32: {  	v3 =	vld [tilespmem:s21+$0x10];
	p2 =	sne.s32 s20, $0x1FC;
	[tilespmem:s19+$0x810 ss:$0x81] =	vst.msk $0xffff, v1;
	s22 =	smov.u32 s20;
	s20 =	sadd.s32 $0x4, s20  }
.Ltmp3:
0x33: {  	v1 =	vld [tilespmem:s21+$0xFFFFFFF0];
	[tilespmem:s19+$0x1020 ss:$0x81] =	vst.msk $0xffff, v0;
	(pc) =	sbr.rel @p2 .LBB1_4-.Ltmp3, $4  }
0x34: {  	v0 =	vld [tilespmem:s21+$0x0];
	[tilespmem:s19+$0x0 ss:$0x81] =	vst.msk $0xffff, v2  }
0x35: {  	s19 =	sshra.s32 s22, $0x2;
	v2 =	vld [tilespmem:s21+$0xFFFFFFE0]  }
0x36: {  	s19 =	sadd.s32 s19, s18  }
0x37: {  	s21 =	sadd.s32 $0x40, s21;
	[tilespmem:s19+$0x1830 ss:$0x81] =	vst.msk $0xffff, v3  }
.Ltmp4:
0x38: {  	(pc) =	sbr.rel @p1 .LBB1_3-.Ltmp4, $4  }
0x39: {  	_ = 	snop  }
0x3a: {  	[tilespmem:s19+$0x810 ss:$0x81] =	vst.msk $0xffff, v1  }
0x3b: {  	[tilespmem:s19+$0x1020 ss:$0x81] =	vst.msk $0xffff, v0  }
0x3c: {  	s18 =	simm.s32 $0x1;
	p2 =	por $0x0, $0x0;
	[tilespmem:s19+$0x0 ss:$0x81] =	vst.msk $0xffff, v2  }
0x3d: {  	s16 =	sshll.u32 s13, $0x3;
	s17 =	sand.u32 $0x78, s13;
	s14 =	sshll.u32 s14, $0x11  }
.Ltmp5:
0x3e: {  	s30 =	sand.u32 $0x1F800, s13;
	s16 =	sand.u32 $0x3C00, s16;
	(pc) =	sbr.rel .LBB1_7-.Ltmp5, $4  }
0x3f: {  	s31 =	sand.u32 $0x7, s13;
	s14 =	sadd.s32 s3, s14;
	s16 =	sor.u32 s17, s16  }
0x40: {  	s13 =	sshll.u32 s31, $0x12;
	s14 =	sadd.s32 s30, s14;
	s16 =	sshrl.u32 s16, $0x3  }
0x41: {  	s13 =	sor.u32 $0x400, s13;
	s14 =	sadd.s32 s16, s14  }
0x42: {  	[hbm4b:s14+s13] =	stream.strided.scatter [tilespmem:s15], [sflag:$0x2], $0x4000, s9, s13, $0x20;
	[tilespmem:$0x10100] =	vst v63  }
.LBB1_8:
0x43: {  	_ =	sfence.sel $0x180000  }
0x44: {  	s2 =	simm.s32 $0x1;
	[bflag:$0x0] =	sbarrier.arrive $0xFFFF  }
0x45: {  	s31 =	simm.s32 $0x2;
	[sflag:s2] =	ssyncpa.u1 $0x1  }
0x46: {  	[sflag:s31] =	ssyncpa.u1 $0x1  }
0x47: {  	p0 =	sne.s32 s0, $0x0;
	_ =	strace $0x9000004A  }
0x48: {  	s0 =	sadd.s32 @!p0 $0x100000, s1;
	[bflag:$0x2] =	sbarrier.arrive $0xFFFF  }
0x49: {  	[sflag:s0] =	ssyncadd.tile.s32 @!p0 $0x1;
	_ =	shalt  }
.Lfunc_end1:
_tile_overlayer_lowered:
.L_overlay_start_2:
0x4a: {  	(tag) =	ssettag $0x2  }
0x4b: {  	s0 =	rddreg [dreg:$0x0];
	s2 =	stileid.u32  }
0x4c: {  	s1 =	rddreg [dreg:$0x1];
	p0 =	sne.s32 s2, $0x0  }
0x4d: {  	s3 =	rddreg [dreg:$0x2];
	[bflag:$0x3] =	sbarrier.arrive $0xFFFF;
	s2 =	simm.s32 @!p0 $0x1C01  }
0x4e: {  	[timem:s3], [sflag:s2] =	dma.local @!p0 [hbm:s0], s1  }
0x4f: {  	s0 =	simm.s32 @!p0 $0x1  }
0x50: {  	_ =	swait.ge @!p0 [sflag:s0], s1  }
0x51: {  	s1 =	ssub.s32 @!p0 $0x0, s1;
	[sflag:s0] =	ssyncset.done @!p0 $0x0  }
0x52: {  	[sflag:s0] =	ssyncadd.s32 @!p0 s1  }
0x53: {  	[bflag:$0x3] =	sbarrier.arrive $0xFFFF  }
0x54: {  	_ =	shalt  }

</sc_bundles>
